<compile_context>
chip_gen: v7x
topology: tpu7x:2x2x1
jax: 0.10.2.dev20260603
libtpu: 0.0.44.dev20260713+nightly
codegen_flags: <defaults>
</compile_context>

<pallas_src>
import functools

import jax
import jax.numpy as jnp
from jax import lax
from jax.experimental import pallas as pl
from jax.experimental.pallas import tpu as pltpu
from jax.experimental.pallas import tpu_sc as plsc

B = 16384
D = 128
NC = 2
NS = 16
NW = NC * NS
L = 16
RPW = B // NW
C = 128
NCHUNK = RPW // C
DK = D // L
RU = 2


def _tec_body(user, item, it_in, ubias, ibias, uemb, iemb, temb, out,
              uidx_v, iidx_v, tidx_v, u_buf, i_buf, t_buf, ub_v, ib_v, out_v,
              sem_idx, sem_a, sem_b):
    cid = lax.axis_index("c")
    sid = lax.axis_index("s")
    wid = sid * NC + cid
    base_w = wid * RPW

    idx_pend = []
    for c in range(NCHUNK):
        base = base_w + c * C
        idx_pend.append((
            pltpu.async_copy(user.at[pl.ds(base, C)], uidx_v.at[c], sem_idx),
            pltpu.async_copy(item.at[pl.ds(base, C)], iidx_v.at[c], sem_idx),
            pltpu.async_copy(it_in.at[pl.ds(base, C)], tidx_v.at[c], sem_idx),
        ))

    sems = (sem_a, sem_b)

    def issue(c):
        s = c % 2
        sem = sems[s]
        return (
            pltpu.async_copy(uemb.at[uidx_v.at[c]], u_buf.at[s], sem),
            pltpu.async_copy(iemb.at[iidx_v.at[c]], i_buf.at[s], sem),
            pltpu.async_copy(temb.at[tidx_v.at[c]], t_buf.at[s], sem),
            pltpu.async_copy(ubias.at[uidx_v.at[c]], ub_v.at[s], sem),
            pltpu.async_copy(ibias.at[iidx_v.at[c]], ib_v.at[s], sem),
        )

    for cp in idx_pend[0]:
        cp.wait()
    pending = issue(0)
    for c in range(NCHUNK):
        s = c % 2
        if c + 1 < NCHUNK:
            for cp in idx_pend[c + 1]:
                cp.wait()
            pending_next = issue(c + 1)
        for cp in pending:
            cp.wait()
        if c + 1 < NCHUNK:
            pending = pending_next

        @plsc.parallel_loop(0, C // L)
        def group(g, c=c, s=s):
            rb = g * L
            res0 = ub_v[s, pl.ds(rb, L)] + ib_v[s, pl.ds(rb, L)]
            lanes = lax.iota(jnp.int32, L)

            @plsc.parallel_loop(0, L, unroll=RU, carry=res0)
            def rowloop(r, res):
                row = rb + r
                prods = []
                for k in range(DK):
                    col = pl.ds(k * L, L)
                    uv = u_buf[s, row, col]
                    itv = i_buf[s, row, col] + t_buf[s, row, col]
                    prods.append(uv * itv)
                while len(prods) > 1:
                    prods = [a + b for a, b in zip(prods[::2], prods[1::2])]
                tot = jnp.sum(prods[0])
                onehot = (lanes == r).astype(jnp.float32)
                return res + tot * onehot

            out_v[pl.ds(c * C + rb, L)] = rowloop

    pltpu.sync_copy(out_v, out.at[pl.ds(base_w, RPW)])


@jax.jit
def _run(user, item, it_in, ubias, ibias, uemb, iemb, temb):
    mesh = plsc.VectorSubcoreMesh(core_axis_name="c", subcore_axis_name="s")
    kern = functools.partial(
        pl.kernel,
        mesh=mesh,
        compiler_params=pltpu.CompilerParams(needs_layout_passes=False),
        out_type=jax.ShapeDtypeStruct((B,), jnp.float32),
        scratch_types=[
            pltpu.VMEM((NCHUNK, C), jnp.int32),
            pltpu.VMEM((NCHUNK, C), jnp.int32),
            pltpu.VMEM((NCHUNK, C), jnp.int32),
            pltpu.VMEM((2, C, D), jnp.float32),
            pltpu.VMEM((2, C, D), jnp.float32),
            pltpu.VMEM((2, C, D), jnp.float32),
            pltpu.VMEM((2, C), jnp.float32),
            pltpu.VMEM((2, C), jnp.float32),
            pltpu.VMEM((RPW,), jnp.float32),
            pltpu.SemaphoreType.DMA,
            pltpu.SemaphoreType.DMA,
            pltpu.SemaphoreType.DMA,
        ],
    )(_tec_body)
    return kern(user, item, it_in, ubias, ibias, uemb, iemb, temb)


def kernel(user, item, it_in, it_off, u_bias_w, i_bias_w, u_embed_w,
           i_embed_w, t_embed_w):
    del it_off
    return _run(user, item, it_in,
                u_bias_w.reshape(-1), i_bias_w.reshape(-1),
                u_embed_w, i_embed_w, t_embed_w)

# --- scband reference (transcript-rebuilt; emitter-appended) ---
"""Pipeline reference for scband-tag-mfnet-48790828482996 (READ-ONLY COPY).

The authoritative reference and input builder live on the scoring server;
editing this copy changes nothing except your own understanding.
"""

import jax, jax.numpy as jnp
import numpy as np

B = 16384
N_USERS = 100000
N_ITEMS = 100000
N_TAGS = 1000
D = 128


def setup_inputs(seed: int = 0) -> dict:
    key = jax.random.key(seed)
    ks = jax.random.split(key, 10)
    user = jax.random.randint(ks[0], (B,), 0, N_USERS, dtype=jnp.int32)
    item = jax.random.randint(ks[1], (B,), 0, N_ITEMS, dtype=jnp.int32)
    # item_tags tuple (input, offsets) for EmbeddingBag: one tag per item, offsets = arange(B)
    it_in = jax.random.randint(ks[2], (B,), 0, N_TAGS, dtype=jnp.int32)
    it_off = jnp.arange(B, dtype=jnp.int32)
    # learned parameters, scaled by 0.05 as in __init__
    u_bias_w = jax.random.normal(ks[3], (N_USERS, 1), dtype=jnp.float32) * 0.05
    i_bias_w = jax.random.normal(ks[4], (N_ITEMS, 1), dtype=jnp.float32) * 0.05
    u_embed_w = jax.random.normal(ks[5], (N_USERS, D), dtype=jnp.float32) * 0.05
    i_embed_w = jax.random.normal(ks[6], (N_ITEMS, D), dtype=jnp.float32) * 0.05
    t_embed_w = jax.random.normal(ks[7], (N_TAGS, D), dtype=jnp.float32) * 0.05
    return {
        "user": user,
        "item": item,
        "it_in": it_in,
        "it_off": it_off,
        "u_bias_w": u_bias_w,
        "i_bias_w": i_bias_w,
        "u_embed_w": u_embed_w,
        "i_embed_w": i_embed_w,
        "t_embed_w": t_embed_w,
    }


def _embedding_bag_mean(table, inp, offsets, n_bags):
    # Faithful EmbeddingBag(mode='mean'): segment-mean of gathered rows per bag.
    L = inp.shape[0]
    seg = jnp.searchsorted(offsets, jnp.arange(L), side="right") - 1
    gathered = jnp.take(table, inp, axis=0)
    sums = jax.ops.segment_sum(gathered, seg, num_segments=n_bags)
    counts = jax.ops.segment_sum(jnp.ones((L,), dtype=table.dtype), seg, num_segments=n_bags)
    return sums / jnp.maximum(counts, 1.0)[:, None]


def reference(user, item, it_in, it_off, u_bias_w, i_bias_w, u_embed_w, i_embed_w, t_embed_w):
    ub = jnp.take(u_bias_w, user, axis=0).reshape(user.shape)
    ib = jnp.take(i_bias_w, item, axis=0).reshape(item.shape)
    uvec = jnp.take(u_embed_w, user, axis=0)
    ivec = jnp.take(i_embed_w, item, axis=0)
    tvec = _embedding_bag_mean(t_embed_w, it_in, it_off, user.shape[0])
    tvec = tvec.reshape(ivec.shape)
    itvec = ivec + tvec
    score = ub + ib + jnp.sum(uvec * itvec, axis=-1)
    return score

if __name__ == "__main__":
    import jax
    _d = setup_inputs()
    print(jax.jit(kernel)(*tuple(_d.values())))

</pallas_src>

<mosaic_0001>
#map = affine_map<(d0, d1) -> (0)>
#map1 = affine_map<(d0, d1) -> (0, 0)>
module attributes {stable_mosaic.version = 14 : i64} {
  func.func @_tec_body(%arg0: i32, %arg1: i32, %arg2: memref<16384xi32, #tpu.memory_space<hbm>>, %arg3: memref<16384xi32, #tpu.memory_space<hbm>>, %arg4: memref<16384xi32, #tpu.memory_space<hbm>>, %arg5: memref<100000xf32, #tpu.memory_space<hbm>>, %arg6: memref<100000xf32, #tpu.memory_space<hbm>>, %arg7: memref<100000x128xf32, #tpu.memory_space<hbm>>, %arg8: memref<100000x128xf32, #tpu.memory_space<hbm>>, %arg9: memref<1000x128xf32, #tpu.memory_space<hbm>>, %arg10: memref<16384xf32, #tpu.memory_space<hbm>>, %arg11: memref<4x128xi32, #tpu.memory_space<vmem>>, %arg12: memref<4x128xi32, #tpu.memory_space<vmem>>, %arg13: memref<4x128xi32, #tpu.memory_space<vmem>>, %arg14: memref<2x128x128xf32, #tpu.memory_space<vmem>>, %arg15: memref<2x128x128xf32, #tpu.memory_space<vmem>>, %arg16: memref<2x128x128xf32, #tpu.memory_space<vmem>>, %arg17: memref<2x128xf32, #tpu.memory_space<vmem>>, %arg18: memref<2x128xf32, #tpu.memory_space<vmem>>, %arg19: memref<512xf32, #tpu.memory_space<vmem>>, %arg20: memref<!tpu.dma_semaphore, #tpu.memory_space<semaphore_mem>>, %arg21: memref<!tpu.dma_semaphore, #tpu.memory_space<semaphore_mem>>, %arg22: memref<!tpu.dma_semaphore, #tpu.memory_space<semaphore_mem>>) attributes {dimension_semantics = [#tpu.dimension_semantics<core_parallel>, #tpu.dimension_semantics<subcore_parallel>], iteration_bounds = array<i64: 2, 16>, scalar_prefetch = 0 : i64, scratch_operands = 12 : i64, tpu.core_type = #tpu.core_type<sc_vector_subcore>, window_params = [{transform_indices = #map}, {transform_indices = #map}, {transform_indices = #map}, {transform_indices = #map}, {transform_indices = #map}, {transform_indices = #map1}, {transform_indices = #map1}, {transform_indices = #map1}, {transform_indices = #map}]} {
    %mul3A = arith.constant 2 : i32
    %mul3A_0 = arith.muli %arg1, %mul3A : i32
    %add3A = arith.addi %mul3A_0, %arg0 : i32
    %mul3A_1 = arith.constant 512 : i32
    %mul3A_2 = arith.muli %add3A, %mul3A_1 : i32
    %add3A_3 = arith.constant 0 : i32
    %add3A_4 = arith.addi %mul3A_2, %add3A_3 : i32
    %dma_start3A = arith.constant 0 : i32
    %dma_start3A_5 = arith.constant 0 : i32
    %dma_start3A_6 = tpu.memref_slice %arg11[%dma_start3A, %dma_start3A_5] : memref<4x128xi32, #tpu.memory_space<vmem>> -> memref<1x128xi32, #tpu.memory_space<vmem>>
    %dma_start3A_7 = tpu.memref_squeeze %dma_start3A_6 : memref<1x128xi32, #tpu.memory_space<vmem>> -> memref<128xi32, #tpu.memory_space<vmem>>
    %dma_start3A_8 = tpu.memref_slice %arg2[%add3A_4] : memref<16384xi32, #tpu.memory_space<hbm>> -> memref<128xi32, #tpu.memory_space<hbm>>
    %dma_start3A_9 = arith.constant 0 : i32
    %dma_start3A_10 = tpu.memref_slice %arg11[%dma_start3A, %dma_start3A_9] : memref<4x128xi32, #tpu.memory_space<vmem>> -> memref<1x128xi32, #tpu.memory_space<vmem>>
    %dma_start3A_11 = tpu.memref_squeeze %dma_start3A_10 : memref<1x128xi32, #tpu.memory_space<vmem>> -> memref<128xi32, #tpu.memory_space<vmem>>
    %dma_start3A_12 = tpu.memref_slice %arg2[%add3A_4] : memref<16384xi32, #tpu.memory_space<hbm>> -> memref<128xi32, #tpu.memory_space<hbm>>
    tpu.enqueue_dma source(%dma_start3A_12 : memref<128xi32, #tpu.memory_space<hbm>>) target(%dma_start3A_11 : memref<128xi32, #tpu.memory_space<vmem>>) target_semaphore(%arg20 : memref<!tpu.dma_semaphore, #tpu.memory_space<semaphore_mem>>)
    %dma_start3A_13 = arith.constant 0 : i32
    %dma_start3A_14 = arith.constant 0 : i32
    %dma_start3A_15 = tpu.memref_slice %arg12[%dma_start3A_13, %dma_start3A_14] : memref<4x128xi32, #tpu.memory_space<vmem>> -> memref<1x128xi32, #tpu.memory_space<vmem>>
    %dma_start3A_16 = tpu.memref_squeeze %dma_start3A_15 : memref<1x128xi32, #tpu.memory_space<vmem>> -> memref<128xi32, #tpu.memory_space<vmem>>
    %dma_start3A_17 = tpu.memref_slice %arg3[%add3A_4] : memref<16384xi32, #tpu.memory_space<hbm>> -> memref<128xi32, #tpu.memory_space<hbm>>
    %dma_start3A_18 = arith.constant 0 : i32
    %dma_start3A_19 = tpu.memref_slice %arg12[%dma_start3A_13, %dma_start3A_18] : memref<4x128xi32, #tpu.memory_space<vmem>> -> memref<1x128xi32, #tpu.memory_space<vmem>>
    %dma_start3A_20 = tpu.memref_squeeze %dma_start3A_19 : memref<1x128xi32, #tpu.memory_space<vmem>> -> memref<128xi32, #tpu.memory_space<vmem>>
    %dma_start3A_21 = tpu.memref_slice %arg3[%add3A_4] : memref<16384xi32, #tpu.memory_space<hbm>> -> memref<128xi32, #tpu.memory_space<hbm>>
    tpu.enqueue_dma source(%dma_start3A_21 : memref<128xi32, #tpu.memory_space<hbm>>) target(%dma_start3A_20 : memref<128xi32, #tpu.memory_space<vmem>>) target_semaphore(%arg20 : memref<!tpu.dma_semaphore, #tpu.memory_space<semaphore_mem>>)
    %dma_start3A_22 = arith.constant 0 : i32
    %dma_start3A_23 = arith.constant 0 : i32
    %dma_start3A_24 = tpu.memref_slice %arg13[%dma_start3A_22, %dma_start3A_23] : memref<4x128xi32, #tpu.memory_space<vmem>> -> memref<1x128xi32, #tpu.memory_space<vmem>>
    %dma_start3A_25 = tpu.memref_squeeze %dma_start3A_24 : memref<1x128xi32, #tpu.memory_space<vmem>> -> memref<128xi32, #tpu.memory_space<vmem>>
    %dma_start3A_26 = tpu.memref_slice %arg4[%add3A_4] : memref<16384xi32, #tpu.memory_space<hbm>> -> memref<128xi32, #tpu.memory_space<hbm>>
    %dma_start3A_27 = arith.constant 0 : i32
    %dma_start3A_28 = tpu.memref_slice %arg13[%dma_start3A_22, %dma_start3A_27] : memref<4x128xi32, #tpu.memory_space<vmem>> -> memref<1x128xi32, #tpu.memory_space<vmem>>
    %dma_start3A_29 = tpu.memref_squeeze %dma_start3A_28 : memref<1x128xi32, #tpu.memory_space<vmem>> -> memref<128xi32, #tpu.memory_space<vmem>>
    %dma_start3A_30 = tpu.memref_slice %arg4[%add3A_4] : memref<16384xi32, #tpu.memory_space<hbm>> -> memref<128xi32, #tpu.memory_space<hbm>>
    tpu.enqueue_dma source(%dma_start3A_30 : memref<128xi32, #tpu.memory_space<hbm>>) target(%dma_start3A_29 : memref<128xi32, #tpu.memory_space<vmem>>) target_semaphore(%arg20 : memref<!tpu.dma_semaphore, #tpu.memory_space<semaphore_mem>>)
    %add3A_31 = arith.constant 128 : i32
    %add3A_32 = arith.addi %mul3A_2, %add3A_31 : i32
    %dma_start3A_33 = arith.constant 1 : i32
    %dma_start3A_34 = arith.constant 0 : i32
    %dma_start3A_35 = tpu.memref_slice %arg11[%dma_start3A_33, %dma_start3A_34] : memref<4x128xi32, #tpu.memory_space<vmem>> -> memref<1x128xi32, #tpu.memory_space<vmem>>
    %dma_start3A_36 = tpu.memref_squeeze %dma_start3A_35 : memref<1x128xi32, #tpu.memory_space<vmem>> -> memref<128xi32, #tpu.memory_space<vmem>>
    %dma_start3A_37 = tpu.memref_slice %arg2[%add3A_32] : memref<16384xi32, #tpu.memory_space<hbm>> -> memref<128xi32, #tpu.memory_space<hbm>>
    %dma_start3A_38 = arith.constant 0 : i32
    %dma_start3A_39 = tpu.memref_slice %arg11[%dma_start3A_33, %dma_start3A_38] : memref<4x128xi32, #tpu.memory_space<vmem>> -> memref<1x128xi32, #tpu.memory_space<vmem>>
    %dma_start3A_40 = tpu.memref_squeeze %dma_start3A_39 : memref<1x128xi32, #tpu.memory_space<vmem>> -> memref<128xi32, #tpu.memory_space<vmem>>
    %dma_start3A_41 = tpu.memref_slice %arg2[%add3A_32] : memref<16384xi32, #tpu.memory_space<hbm>> -> memref<128xi32, #tpu.memory_space<hbm>>
    tpu.enqueue_dma source(%dma_start3A_41 : memref<128xi32, #tpu.memory_space<hbm>>) target(%dma_start3A_40 : memref<128xi32, #tpu.memory_space<vmem>>) target_semaphore(%arg20 : memref<!tpu.dma_semaphore, #tpu.memory_space<semaphore_mem>>)
    %dma_start3A_42 = arith.constant 1 : i32
    %dma_start3A_43 = arith.constant 0 : i32
    %dma_start3A_44 = tpu.memref_slice %arg12[%dma_start3A_42, %dma_start3A_43] : memref<4x128xi32, #tpu.memory_space<vmem>> -> memref<1x128xi32, #tpu.memory_space<vmem>>
    %dma_start3A_45 = tpu.memref_squeeze %dma_start3A_44 : memref<1x128xi32, #tpu.memory_space<vmem>> -> memref<128xi32, #tpu.memory_space<vmem>>
    %dma_start3A_46 = tpu.memref_slice %arg3[%add3A_32] : memref<16384xi32, #tpu.memory_space<hbm>> -> memref<128xi32, #tpu.memory_space<hbm>>
    %dma_start3A_47 = arith.constant 0 : i32
    %dma_start3A_48 = tpu.memref_slice %arg12[%dma_start3A_42, %dma_start3A_47] : memref<4x128xi32, #tpu.memory_space<vmem>> -> memref<1x128xi32, #tpu.memory_space<vmem>>
    %dma_start3A_49 = tpu.memref_squeeze %dma_start3A_48 : memref<1x128xi32, #tpu.memory_space<vmem>> -> memref<128xi32, #tpu.memory_space<vmem>>
    %dma_start3A_50 = tpu.memref_slice %arg3[%add3A_32] : memref<16384xi32, #tpu.memory_space<hbm>> -> memref<128xi32, #tpu.memory_space<hbm>>
    tpu.enqueue_dma source(%dma_start3A_50 : memref<128xi32, #tpu.memory_space<hbm>>) target(%dma_start3A_49 : memref<128xi32, #tpu.memory_space<vmem>>) target_semaphore(%arg20 : memref<!tpu.dma_semaphore, #tpu.memory_space<semaphore_mem>>)
    %dma_start3A_51 = arith.constant 1 : i32
    %dma_start3A_52 = arith.constant 0 : i32
    %dma_start3A_53 = tpu.memref_slice %arg13[%dma_start3A_51, %dma_start3A_52] : memref<4x128xi32, #tpu.memory_space<vmem>> -> memref<1x128xi32, #tpu.memory_space<vmem>>
    %dma_start3A_54 = tpu.memref_squeeze %dma_start3A_53 : memref<1x128xi32, #tpu.memory_space<vmem>> -> memref<128xi32, #tpu.memory_space<vmem>>
    %dma_start3A_55 = tpu.memref_slice %arg4[%add3A_32] : memref<16384xi32, #tpu.memory_space<hbm>> -> memref<128xi32, #tpu.memory_space<hbm>>
    %dma_start3A_56 = arith.constant 0 : i32
    %dma_start3A_57 = tpu.memref_slice %arg13[%dma_start3A_51, %dma_start3A_56] : memref<4x128xi32, #tpu.memory_space<vmem>> -> memref<1x128xi32, #tpu.memory_space<vmem>>
    %dma_start3A_58 = tpu.memref_squeeze %dma_start3A_57 : memref<1x128xi32, #tpu.memory_space<vmem>> -> memref<128xi32, #tpu.memory_space<vmem>>
    %dma_start3A_59 = tpu.memref_slice %arg4[%add3A_32] : memref<16384xi32, #tpu.memory_space<hbm>> -> memref<128xi32, #tpu.memory_space<hbm>>
    tpu.enqueue_dma source(%dma_start3A_59 : memref<128xi32, #tpu.memory_space<hbm>>) target(%dma_start3A_58 : memref<128xi32, #tpu.memory_space<vmem>>) target_semaphore(%arg20 : memref<!tpu.dma_semaphore, #tpu.memory_space<semaphore_mem>>)
    %add3A_60 = arith.constant 256 : i32
    %add3A_61 = arith.addi %mul3A_2, %add3A_60 : i32
    %dma_start3A_62 = arith.constant 2 : i32
    %dma_start3A_63 = arith.constant 0 : i32
    %dma_start3A_64 = tpu.memref_slice %arg11[%dma_start3A_62, %dma_start3A_63] : memref<4x128xi32, #tpu.memory_space<vmem>> -> memref<1x128xi32, #tpu.memory_space<vmem>>
    %dma_start3A_65 = tpu.memref_squeeze %dma_start3A_64 : memref<1x128xi32, #tpu.memory_space<vmem>> -> memref<128xi32, #tpu.memory_space<vmem>>
    %dma_start3A_66 = tpu.memref_slice %arg2[%add3A_61] : memref<16384xi32, #tpu.memory_space<hbm>> -> memref<128xi32, #tpu.memory_space<hbm>>
    %dma_start3A_67 = arith.constant 0 : i32
    %dma_start3A_68 = tpu.memref_slice %arg11[%dma_start3A_62, %dma_start3A_67] : memref<4x128xi32, #tpu.memory_space<vmem>> -> memref<1x128xi32, #tpu.memory_space<vmem>>
    %dma_start3A_69 = tpu.memref_squeeze %dma_start3A_68 : memref<1x128xi32, #tpu.memory_space<vmem>> -> memref<128xi32, #tpu.memory_space<vmem>>
    %dma_start3A_70 = tpu.memref_slice %arg2[%add3A_61] : memref<16384xi32, #tpu.memory_space<hbm>> -> memref<128xi32, #tpu.memory_space<hbm>>
    tpu.enqueue_dma source(%dma_start3A_70 : memref<128xi32, #tpu.memory_space<hbm>>) target(%dma_start3A_69 : memref<128xi32, #tpu.memory_space<vmem>>) target_semaphore(%arg20 : memref<!tpu.dma_semaphore, #tpu.memory_space<semaphore_mem>>)
    %dma_start3A_71 = arith.constant 2 : i32
    %dma_start3A_72 = arith.constant 0 : i32
    %dma_start3A_73 = tpu.memref_slice %arg12[%dma_start3A_71, %dma_start3A_72] : memref<4x128xi32, #tpu.memory_space<vmem>> -> memref<1x128xi32, #tpu.memory_space<vmem>>
    %dma_start3A_74 = tpu.memref_squeeze %dma_start3A_73 : memref<1x128xi32, #tpu.memory_space<vmem>> -> memref<128xi32, #tpu.memory_space<vmem>>
    %dma_start3A_75 = tpu.memref_slice %arg3[%add3A_61] : memref<16384xi32, #tpu.memory_space<hbm>> -> memref<128xi32, #tpu.memory_space<hbm>>
    %dma_start3A_76 = arith.constant 0 : i32
    %dma_start3A_77 = tpu.memref_slice %arg12[%dma_start3A_71, %dma_start3A_76] : memref<4x128xi32, #tpu.memory_space<vmem>> -> memref<1x128xi32, #tpu.memory_space<vmem>>
    %dma_start3A_78 = tpu.memref_squeeze %dma_start3A_77 : memref<1x128xi32, #tpu.memory_space<vmem>> -> memref<128xi32, #tpu.memory_space<vmem>>
    %dma_start3A_79 = tpu.memref_slice %arg3[%add3A_61] : memref<16384xi32, #tpu.memory_space<hbm>> -> memref<128xi32, #tpu.memory_space<hbm>>
    tpu.enqueue_dma source(%dma_start3A_79 : memref<128xi32, #tpu.memory_space<hbm>>) target(%dma_start3A_78 : memref<128xi32, #tpu.memory_space<vmem>>) target_semaphore(%arg20 : memref<!tpu.dma_semaphore, #tpu.memory_space<semaphore_mem>>)
    %dma_start3A_80 = arith.constant 2 : i32
    %dma_start3A_81 = arith.constant 0 : i32
    %dma_start3A_82 = tpu.memref_slice %arg13[%dma_start3A_80, %dma_start3A_81] : memref<4x128xi32, #tpu.memory_space<vmem>> -> memref<1x128xi32, #tpu.memory_space<vmem>>
    %dma_start3A_83 = tpu.memref_squeeze %dma_start3A_82 : memref<1x128xi32, #tpu.memory_space<vmem>> -> memref<128xi32, #tpu.memory_space<vmem>>
    %dma_start3A_84 = tpu.memref_slice %arg4[%add3A_61] : memref<16384xi32, #tpu.memory_space<hbm>> -> memref<128xi32, #tpu.memory_space<hbm>>
    %dma_start3A_85 = arith.constant 0 : i32
    %dma_start3A_86 = tpu.memref_slice %arg13[%dma_start3A_80, %dma_start3A_85] : memref<4x128xi32, #tpu.memory_space<vmem>> -> memref<1x128xi32, #tpu.memory_space<vmem>>
    %dma_start3A_87 = tpu.memref_squeeze %dma_start3A_86 : memref<1x128xi32, #tpu.memory_space<vmem>> -> memref<128xi32, #tpu.memory_space<vmem>>
    %dma_start3A_88 = tpu.memref_slice %arg4[%add3A_61] : memref<16384xi32, #tpu.memory_space<hbm>> -> memref<128xi32, #tpu.memory_space<hbm>>
    tpu.enqueue_dma source(%dma_start3A_88 : memref<128xi32, #tpu.memory_space<hbm>>) target(%dma_start3A_87 : memref<128xi32, #tpu.memory_space<vmem>>) target_semaphore(%arg20 : memref<!tpu.dma_semaphore, #tpu.memory_space<semaphore_mem>>)
    %add3A_89 = arith.constant 384 : i32
    %add3A_90 = arith.addi %mul3A_2, %add3A_89 : i32
    %dma_start3A_91 = arith.constant 3 : i32
    %dma_start3A_92 = arith.constant 0 : i32
    %dma_start3A_93 = tpu.memref_slice %arg11[%dma_start3A_91, %dma_start3A_92] : memref<4x128xi32, #tpu.memory_space<vmem>> -> memref<1x128xi32, #tpu.memory_space<vmem>>
    %dma_start3A_94 = tpu.memref_squeeze %dma_start3A_93 : memref<1x128xi32, #tpu.memory_space<vmem>> -> memref<128xi32, #tpu.memory_space<vmem>>
    %dma_start3A_95 = tpu.memref_slice %arg2[%add3A_90] : memref<16384xi32, #tpu.memory_space<hbm>> -> memref<128xi32, #tpu.memory_space<hbm>>
    %dma_start3A_96 = arith.constant 0 : i32
    %dma_start3A_97 = tpu.memref_slice %arg11[%dma_start3A_91, %dma_start3A_96] : memref<4x128xi32, #tpu.memory_space<vmem>> -> memref<1x128xi32, #tpu.memory_space<vmem>>
    %dma_start3A_98 = tpu.memref_squeeze %dma_start3A_97 : memref<1x128xi32, #tpu.memory_space<vmem>> -> memref<128xi32, #tpu.memory_space<vmem>>
    %dma_start3A_99 = tpu.memref_slice %arg2[%add3A_90] : memref<16384xi32, #tpu.memory_space<hbm>> -> memref<128xi32, #tpu.memory_space<hbm>>
    tpu.enqueue_dma source(%dma_start3A_99 : memref<128xi32, #tpu.memory_space<hbm>>) target(%dma_start3A_98 : memref<128xi32, #tpu.memory_space<vmem>>) target_semaphore(%arg20 : memref<!tpu.dma_semaphore, #tpu.memory_space<semaphore_mem>>)
    %dma_start3A_100 = arith.constant 3 : i32
    %dma_start3A_101 = arith.constant 0 : i32
    %dma_start3A_102 = tpu.memref_slice %arg12[%dma_start3A_100, %dma_start3A_101] : memref<4x128xi32, #tpu.memory_space<vmem>> -> memref<1x128xi32, #tpu.memory_space<vmem>>
    %dma_start3A_103 = tpu.memref_squeeze %dma_start3A_102 : memref<1x128xi32, #tpu.memory_space<vmem>> -> memref<128xi32, #tpu.memory_space<vmem>>
    %dma_start3A_104 = tpu.memref_slice %arg3[%add3A_90] : memref<16384xi32, #tpu.memory_space<hbm>> -> memref<128xi32, #tpu.memory_space<hbm>>
    %dma_start3A_105 = arith.constant 0 : i32
    %dma_start3A_106 = tpu.memref_slice %arg12[%dma_start3A_100, %dma_start3A_105] : memref<4x128xi32, #tpu.memory_space<vmem>> -> memref<1x128xi32, #tpu.memory_space<vmem>>
    %dma_start3A_107 = tpu.memref_squeeze %dma_start3A_106 : memref<1x128xi32, #tpu.memory_space<vmem>> -> memref<128xi32, #tpu.memory_space<vmem>>
    %dma_start3A_108 = tpu.memref_slice %arg3[%add3A_90] : memref<16384xi32, #tpu.memory_space<hbm>> -> memref<128xi32, #tpu.memory_space<hbm>>
    tpu.enqueue_dma source(%dma_start3A_108 : memref<128xi32, #tpu.memory_space<hbm>>) target(%dma_start3A_107 : memref<128xi32, #tpu.memory_space<vmem>>) target_semaphore(%arg20 : memref<!tpu.dma_semaphore, #tpu.memory_space<semaphore_mem>>)
    %dma_start3A_109 = arith.constant 3 : i32
    %dma_start3A_110 = arith.constant 0 : i32
    %dma_start3A_111 = tpu.memref_slice %arg13[%dma_start3A_109, %dma_start3A_110] : memref<4x128xi32, #tpu.memory_space<vmem>> -> memref<1x128xi32, #tpu.memory_space<vmem>>
    %dma_start3A_112 = tpu.memref_squeeze %dma_start3A_111 : memref<1x128xi32, #tpu.memory_space<vmem>> -> memref<128xi32, #tpu.memory_space<vmem>>
    %dma_start3A_113 = tpu.memref_slice %arg4[%add3A_90] : memref<16384xi32, #tpu.memory_space<hbm>> -> memref<128xi32, #tpu.memory_space<hbm>>
    %dma_start3A_114 = arith.constant 0 : i32
    %dma_start3A_115 = tpu.memref_slice %arg13[%dma_start3A_109, %dma_start3A_114] : memref<4x128xi32, #tpu.memory_space<vmem>> -> memref<1x128xi32, #tpu.memory_space<vmem>>
    %dma_start3A_116 = tpu.memref_squeeze %dma_start3A_115 : memref<1x128xi32, #tpu.memory_space<vmem>> -> memref<128xi32, #tpu.memory_space<vmem>>
    %dma_start3A_117 = tpu.memref_slice %arg4[%add3A_90] : memref<16384xi32, #tpu.memory_space<hbm>> -> memref<128xi32, #tpu.memory_space<hbm>>
    tpu.enqueue_dma source(%dma_start3A_117 : memref<128xi32, #tpu.memory_space<hbm>>) target(%dma_start3A_116 : memref<128xi32, #tpu.memory_space<vmem>>) target_semaphore(%arg20 : memref<!tpu.dma_semaphore, #tpu.memory_space<semaphore_mem>>)
    %dma_wait3A = arith.constant 0 : i32
    %dma_wait3A_118 = arith.constant 0 : i32
    %dma_wait3A_119 = tpu.memref_slice %arg11[%dma_wait3A, %dma_wait3A_118] : memref<4x128xi32, #tpu.memory_space<vmem>> -> memref<1x128xi32, #tpu.memory_space<vmem>>
    %dma_wait3A_120 = tpu.memref_squeeze %dma_wait3A_119 : memref<1x128xi32, #tpu.memory_space<vmem>> -> memref<128xi32, #tpu.memory_space<vmem>>
    %dma_wait3A_121 = tpu.memref_slice %arg2[%add3A_4] : memref<16384xi32, #tpu.memory_space<hbm>> -> memref<128xi32, #tpu.memory_space<hbm>>
    %dma_wait3A_122 = arith.constant 0 : i32
    %dma_wait3A_123 = tpu.memref_slice %arg11[%dma_wait3A, %dma_wait3A_122] : memref<4x128xi32, #tpu.memory_space<vmem>> -> memref<1x128xi32, #tpu.memory_space<vmem>>
    %dma_wait3A_124 = tpu.memref_squeeze %dma_wait3A_123 : memref<1x128xi32, #tpu.memory_space<vmem>> -> memref<128xi32, #tpu.memory_space<vmem>>
    %dma_wait3A_125 = tpu.memref_slice %arg2[%add3A_4] : memref<16384xi32, #tpu.memory_space<hbm>> -> memref<128xi32, #tpu.memory_space<hbm>>
    tpu.wait_dma2 semaphore(%arg20 : memref<!tpu.dma_semaphore, #tpu.memory_space<semaphore_mem>>) src(%dma_wait3A_125 : memref<128xi32, #tpu.memory_space<hbm>>) dst(%dma_wait3A_124 : memref<128xi32, #tpu.memory_space<vmem>>)
    %dma_wait3A_126 = arith.constant 0 : i32
    %dma_wait3A_127 = arith.constant 0 : i32
    %dma_wait3A_128 = tpu.memref_slice %arg12[%dma_wait3A_126, %dma_wait3A_127] : memref<4x128xi32, #tpu.memory_space<vmem>> -> memref<1x128xi32, #tpu.memory_space<vmem>>
    %dma_wait3A_129 = tpu.memref_squeeze %dma_wait3A_128 : memref<1x128xi32, #tpu.memory_space<vmem>> -> memref<128xi32, #tpu.memory_space<vmem>>
    %dma_wait3A_130 = tpu.memref_slice %arg3[%add3A_4] : memref<16384xi32, #tpu.memory_space<hbm>> -> memref<128xi32, #tpu.memory_space<hbm>>
    %dma_wait3A_131 = arith.constant 0 : i32
    %dma_wait3A_132 = tpu.memref_slice %arg12[%dma_wait3A_126, %dma_wait3A_131] : memref<4x128xi32, #tpu.memory_space<vmem>> -> memref<1x128xi32, #tpu.memory_space<vmem>>
    %dma_wait3A_133 = tpu.memref_squeeze %dma_wait3A_132 : memref<1x128xi32, #tpu.memory_space<vmem>> -> memref<128xi32, #tpu.memory_space<vmem>>
    %dma_wait3A_134 = tpu.memref_slice %arg3[%add3A_4] : memref<16384xi32, #tpu.memory_space<hbm>> -> memref<128xi32, #tpu.memory_space<hbm>>
    tpu.wait_dma2 semaphore(%arg20 : memref<!tpu.dma_semaphore, #tpu.memory_space<semaphore_mem>>) src(%dma_wait3A_134 : memref<128xi32, #tpu.memory_space<hbm>>) dst(%dma_wait3A_133 : memref<128xi32, #tpu.memory_space<vmem>>)
    %dma_wait3A_135 = arith.constant 0 : i32
    %dma_wait3A_136 = arith.constant 0 : i32
    %dma_wait3A_137 = tpu.memref_slice %arg13[%dma_wait3A_135, %dma_wait3A_136] : memref<4x128xi32, #tpu.memory_space<vmem>> -> memref<1x128xi32, #tpu.memory_space<vmem>>
    %dma_wait3A_138 = tpu.memref_squeeze %dma_wait3A_137 : memref<1x128xi32, #tpu.memory_space<vmem>> -> memref<128xi32, #tpu.memory_space<vmem>>
    %dma_wait3A_139 = tpu.memref_slice %arg4[%add3A_4] : memref<16384xi32, #tpu.memory_space<hbm>> -> memref<128xi32, #tpu.memory_space<hbm>>
    %dma_wait3A_140 = arith.constant 0 : i32
    %dma_wait3A_141 = tpu.memref_slice %arg13[%dma_wait3A_135, %dma_wait3A_140] : memref<4x128xi32, #tpu.memory_space<vmem>> -> memref<1x128xi32, #tpu.memory_space<vmem>>
    %dma_wait3A_142 = tpu.memref_squeeze %dma_wait3A_141 : memref<1x128xi32, #tpu.memory_space<vmem>> -> memref<128xi32, #tpu.memory_space<vmem>>
    %dma_wait3A_143 = tpu.memref_slice %arg4[%add3A_4] : memref<16384xi32, #tpu.memory_space<hbm>> -> memref<128xi32, #tpu.memory_space<hbm>>
    tpu.wait_dma2 semaphore(%arg20 : memref<!tpu.dma_semaphore, #tpu.memory_space<semaphore_mem>>) src(%dma_wait3A_143 : memref<128xi32, #tpu.memory_space<hbm>>) dst(%dma_wait3A_142 : memref<128xi32, #tpu.memory_space<vmem>>)
    %dma_start3A_144 = arith.constant 0 : i32
    %dma_start3A_145 = arith.constant 0 : i32
    %dma_start3A_146 = arith.constant 0 : i32
    %dma_start3A_147 = arith.constant 0 : i32
    %dma_start3A_148 = tpu.memref_slice %arg14[%dma_start3A_145, %dma_start3A_146, %dma_start3A_147] : memref<2x128x128xf32, #tpu.memory_space<vmem>> -> memref<1x128x128xf32, #tpu.memory_space<vmem>>
    %dma_start3A_149 = tpu.memref_squeeze %dma_start3A_148 : memref<1x128x128xf32, #tpu.memory_space<vmem>> -> memref<128x128xf32, #tpu.memory_space<vmem>>
    %dma_start3A_150 = arith.constant 0 : i32
    %dma_start3A_151 = tpu.memref_slice %arg11[%dma_start3A_144, %dma_start3A_150] : memref<4x128xi32, #tpu.memory_space<vmem>> -> memref<1x128xi32, #tpu.memory_space<vmem>>
    %dma_start3A_152 = tpu.memref_squeeze %dma_start3A_151 : memref<1x128xi32, #tpu.memory_space<vmem>> -> memref<128xi32, #tpu.memory_space<vmem>>
    %dma_start3A_153 = arith.constant 0 : i32
    %dma_start3A_154 = arith.constant 0 : i32
    %dma_start3A_155 = tpu.memref_slice %arg7[%dma_start3A_153, %dma_start3A_154] : memref<100000x128xf32, #tpu.memory_space<hbm>> -> memref<100000x128xf32, #tpu.memory_space<hbm>>
    tpu.enqueue_indirect_dma source(%dma_start3A_155 : memref<100000x128xf32, #tpu.memory_space<hbm>>) target(%dma_start3A_149 : memref<128x128xf32, #tpu.memory_space<vmem>>) offsets(%dma_start3A_152 : memref<128xi32, #tpu.memory_space<vmem>>) semaphore(%arg21 : memref<!tpu.dma_semaphore, #tpu.memory_space<semaphore_mem>>)
    %dma_start3A_156 = arith.constant 0 : i32
    %dma_start3A_157 = arith.constant 0 : i32
    %dma_start3A_158 = arith.constant 0 : i32
    %dma_start3A_159 = arith.constant 0 : i32
    %dma_start3A_160 = tpu.memref_slice %arg15[%dma_start3A_157, %dma_start3A_158, %dma_start3A_159] : memref<2x128x128xf32, #tpu.memory_space<vmem>> -> memref<1x128x128xf32, #tpu.memory_space<vmem>>
    %dma_start3A_161 = tpu.memref_squeeze %dma_start3A_160 : memref<1x128x128xf32, #tpu.memory_space<vmem>> -> memref<128x128xf32, #tpu.memory_space<vmem>>
    %dma_start3A_162 = arith.constant 0 : i32
    %dma_start3A_163 = tpu.memref_slice %arg12[%dma_start3A_156, %dma_start3A_162] : memref<4x128xi32, #tpu.memory_space<vmem>> -> memref<1x128xi32, #tpu.memory_space<vmem>>
    %dma_start3A_164 = tpu.memref_squeeze %dma_start3A_163 : memref<1x128xi32, #tpu.memory_space<vmem>> -> memref<128xi32, #tpu.memory_space<vmem>>
    %dma_start3A_165 = arith.constant 0 : i32
    %dma_start3A_166 = arith.constant 0 : i32
    %dma_start3A_167 = tpu.memref_slice %arg8[%dma_start3A_165, %dma_start3A_166] : memref<100000x128xf32, #tpu.memory_space<hbm>> -> memref<100000x128xf32, #tpu.memory_space<hbm>>
    tpu.enqueue_indirect_dma source(%dma_start3A_167 : memref<100000x128xf32, #tpu.memory_space<hbm>>) target(%dma_start3A_161 : memref<128x128xf32, #tpu.memory_space<vmem>>) offsets(%dma_start3A_164 : memref<128xi32, #tpu.memory_space<vmem>>) semaphore(%arg21 : memref<!tpu.dma_semaphore, #tpu.memory_space<semaphore_mem>>)
    %dma_start3A_168 = arith.constant 0 : i32
    %dma_start3A_169 = arith.constant 0 : i32
    %dma_start3A_170 = arith.constant 0 : i32
    %dma_start3A_171 = arith.constant 0 : i32
    %dma_start3A_172 = tpu.memref_slice %arg16[%dma_start3A_169, %dma_start3A_170, %dma_start3A_171] : memref<2x128x128xf32, #tpu.memory_space<vmem>> -> memref<1x128x128xf32, #tpu.memory_space<vmem>>
    %dma_start3A_173 = tpu.memref_squeeze %dma_start3A_172 : memref<1x128x128xf32, #tpu.memory_space<vmem>> -> memref<128x128xf32, #tpu.memory_space<vmem>>
    %dma_start3A_174 = arith.constant 0 : i32
    %dma_start3A_175 = tpu.memref_slice %arg13[%dma_start3A_168, %dma_start3A_174] : memref<4x128xi32, #tpu.memory_space<vmem>> -> memref<1x128xi32, #tpu.memory_space<vmem>>
    %dma_start3A_176 = tpu.memref_squeeze %dma_start3A_175 : memref<1x128xi32, #tpu.memory_space<vmem>> -> memref<128xi32, #tpu.memory_space<vmem>>
    %dma_start3A_177 = arith.constant 0 : i32
    %dma_start3A_178 = arith.constant 0 : i32
    %dma_start3A_179 = tpu.memref_slice %arg9[%dma_start3A_177, %dma_start3A_178] : memref<1000x128xf32, #tpu.memory_space<hbm>> -> memref<1000x128xf32, #tpu.memory_space<hbm>>
    tpu.enqueue_indirect_dma source(%dma_start3A_179 : memref<1000x128xf32, #tpu.memory_space<hbm>>) target(%dma_start3A_173 : memref<128x128xf32, #tpu.memory_space<vmem>>) offsets(%dma_start3A_176 : memref<128xi32, #tpu.memory_space<vmem>>) semaphore(%arg21 : memref<!tpu.dma_semaphore, #tpu.memory_space<semaphore_mem>>)
    %dma_start3A_180 = arith.constant 0 : i32
    %dma_start3A_181 = arith.constant 0 : i32
    %dma_start3A_182 = arith.constant 0 : i32
    %dma_start3A_183 = tpu.memref_slice %arg17[%dma_start3A_181, %dma_start3A_182] : memref<2x128xf32, #tpu.memory_space<vmem>> -> memref<1x128xf32, #tpu.memory_space<vmem>>
    %dma_start3A_184 = tpu.memref_squeeze %dma_start3A_183 : memref<1x128xf32, #tpu.memory_space<vmem>> -> memref<128xf32, #tpu.memory_space<vmem>>
    %dma_start3A_185 = arith.constant 0 : i32
    %dma_start3A_186 = tpu.memref_slice %arg11[%dma_start3A_180, %dma_start3A_185] : memref<4x128xi32, #tpu.memory_space<vmem>> -> memref<1x128xi32, #tpu.memory_space<vmem>>
    %dma_start3A_187 = tpu.memref_squeeze %dma_start3A_186 : memref<1x128xi32, #tpu.memory_space<vmem>> -> memref<128xi32, #tpu.memory_space<vmem>>
    %dma_start3A_188 = arith.constant 0 : i32
    %dma_start3A_189 = tpu.memref_slice %arg5[%dma_start3A_188] : memref<100000xf32, #tpu.memory_space<hbm>> -> memref<100000xf32, #tpu.memory_space<hbm>>
    tpu.enqueue_indirect_dma source(%dma_start3A_189 : memref<100000xf32, #tpu.memory_space<hbm>>) target(%dma_start3A_184 : memref<128xf32, #tpu.memory_space<vmem>>) offsets(%dma_start3A_187 : memref<128xi32, #tpu.memory_space<vmem>>) semaphore(%arg21 : memref<!tpu.dma_semaphore, #tpu.memory_space<semaphore_mem>>)
    %dma_start3A_190 = arith.constant 0 : i32
    %dma_start3A_191 = arith.constant 0 : i32
    %dma_start3A_192 = arith.constant 0 : i32
    %dma_start3A_193 = tpu.memref_slice %arg18[%dma_start3A_191, %dma_start3A_192] : memref<2x128xf32, #tpu.memory_space<vmem>> -> memref<1x128xf32, #tpu.memory_space<vmem>>
    %dma_start3A_194 = tpu.memref_squeeze %dma_start3A_193 : memref<1x128xf32, #tpu.memory_space<vmem>> -> memref<128xf32, #tpu.memory_space<vmem>>
    %dma_start3A_195 = arith.constant 0 : i32
    %dma_start3A_196 = tpu.memref_slice %arg12[%dma_start3A_190, %dma_start3A_195] : memref<4x128xi32, #tpu.memory_space<vmem>> -> memref<1x128xi32, #tpu.memory_space<vmem>>
    %dma_start3A_197 = tpu.memref_squeeze %dma_start3A_196 : memref<1x128xi32, #tpu.memory_space<vmem>> -> memref<128xi32, #tpu.memory_space<vmem>>
    %dma_start3A_198 = arith.constant 0 : i32
    %dma_start3A_199 = tpu.memref_slice %arg6[%dma_start3A_198] : memref<100000xf32, #tpu.memory_space<hbm>> -> memref<100000xf32, #tpu.memory_space<hbm>>
    tpu.enqueue_indirect_dma source(%dma_start3A_199 : memref<100000xf32, #tpu.memory_space<hbm>>) target(%dma_start3A_194 : memref<128xf32, #tpu.memory_space<vmem>>) offsets(%dma_start3A_197 : memref<128xi32, #tpu.memory_space<vmem>>) semaphore(%arg21 : memref<!tpu.dma_semaphore, #tpu.memory_space<semaphore_mem>>)
    %dma_wait3A_200 = arith.constant 1 : i32
    %dma_wait3A_201 = arith.constant 0 : i32
    %dma_wait3A_202 = tpu.memref_slice %arg11[%dma_wait3A_200, %dma_wait3A_201] : memref<4x128xi32, #tpu.memory_space<vmem>> -> memref<1x128xi32, #tpu.memory_space<vmem>>
    %dma_wait3A_203 = tpu.memref_squeeze %dma_wait3A_202 : memref<1x128xi32, #tpu.memory_space<vmem>> -> memref<128xi32, #tpu.memory_space<vmem>>
    %dma_wait3A_204 = tpu.memref_slice %arg2[%add3A_32] : memref<16384xi32, #tpu.memory_space<hbm>> -> memref<128xi32, #tpu.memory_space<hbm>>
    %dma_wait3A_205 = arith.constant 0 : i32
    %dma_wait3A_206 = tpu.memref_slice %arg11[%dma_wait3A_200, %dma_wait3A_205] : memref<4x128xi32, #tpu.memory_space<vmem>> -> memref<1x128xi32, #tpu.memory_space<vmem>>
    %dma_wait3A_207 = tpu.memref_squeeze %dma_wait3A_206 : memref<1x128xi32, #tpu.memory_space<vmem>> -> memref<128xi32, #tpu.memory_space<vmem>>
    %dma_wait3A_208 = tpu.memref_slice %arg2[%add3A_32] : memref<16384xi32, #tpu.memory_space<hbm>> -> memref<128xi32, #tpu.memory_space<hbm>>
    tpu.wait_dma2 semaphore(%arg20 : memref<!tpu.dma_semaphore, #tpu.memory_space<semaphore_mem>>) src(%dma_wait3A_208 : memref<128xi32, #tpu.memory_space<hbm>>) dst(%dma_wait3A_207 : memref<128xi32, #tpu.memory_space<vmem>>)
    %dma_wait3A_209 = arith.constant 1 : i32
    %dma_wait3A_210 = arith.constant 0 : i32
    %dma_wait3A_211 = tpu.memref_slice %arg12[%dma_wait3A_209, %dma_wait3A_210] : memref<4x128xi32, #tpu.memory_space<vmem>> -> memref<1x128xi32, #tpu.memory_space<vmem>>
    %dma_wait3A_212 = tpu.memref_squeeze %dma_wait3A_211 : memref<1x128xi32, #tpu.memory_space<vmem>> -> memref<128xi32, #tpu.memory_space<vmem>>
    %dma_wait3A_213 = tpu.memref_slice %arg3[%add3A_32] : memref<16384xi32, #tpu.memory_space<hbm>> -> memref<128xi32, #tpu.memory_space<hbm>>
    %dma_wait3A_214 = arith.constant 0 : i32
    %dma_wait3A_215 = tpu.memref_slice %arg12[%dma_wait3A_209, %dma_wait3A_214] : memref<4x128xi32, #tpu.memory_space<vmem>> -> memref<1x128xi32, #tpu.memory_space<vmem>>
    %dma_wait3A_216 = tpu.memref_squeeze %dma_wait3A_215 : memref<1x128xi32, #tpu.memory_space<vmem>> -> memref<128xi32, #tpu.memory_space<vmem>>
    %dma_wait3A_217 = tpu.memref_slice %arg3[%add3A_32] : memref<16384xi32, #tpu.memory_space<hbm>> -> memref<128xi32, #tpu.memory_space<hbm>>
    tpu.wait_dma2 semaphore(%arg20 : memref<!tpu.dma_semaphore, #tpu.memory_space<semaphore_mem>>) src(%dma_wait3A_217 : memref<128xi32, #tpu.memory_space<hbm>>) dst(%dma_wait3A_216 : memref<128xi32, #tpu.memory_space<vmem>>)
    %dma_wait3A_218 = arith.constant 1 : i32
    %dma_wait3A_219 = arith.constant 0 : i32
    %dma_wait3A_220 = tpu.memref_slice %arg13[%dma_wait3A_218, %dma_wait3A_219] : memref<4x128xi32, #tpu.memory_space<vmem>> -> memref<1x128xi32, #tpu.memory_space<vmem>>
    %dma_wait3A_221 = tpu.memref_squeeze %dma_wait3A_220 : memref<1x128xi32, #tpu.memory_space<vmem>> -> memref<128xi32, #tpu.memory_space<vmem>>
    %dma_wait3A_222 = tpu.memref_slice %arg4[%add3A_32] : memref<16384xi32, #tpu.memory_space<hbm>> -> memref<128xi32, #tpu.memory_space<hbm>>
    %dma_wait3A_223 = arith.constant 0 : i32
    %dma_wait3A_224 = tpu.memref_slice %arg13[%dma_wait3A_218, %dma_wait3A_223] : memref<4x128xi32, #tpu.memory_space<vmem>> -> memref<1x128xi32, #tpu.memory_space<vmem>>
    %dma_wait3A_225 = tpu.memref_squeeze %dma_wait3A_224 : memref<1x128xi32, #tpu.memory_space<vmem>> -> memref<128xi32, #tpu.memory_space<vmem>>
    %dma_wait3A_226 = tpu.memref_slice %arg4[%add3A_32] : memref<16384xi32, #tpu.memory_space<hbm>> -> memref<128xi32, #tpu.memory_space<hbm>>
    tpu.wait_dma2 semaphore(%arg20 : memref<!tpu.dma_semaphore, #tpu.memory_space<semaphore_mem>>) src(%dma_wait3A_226 : memref<128xi32, #tpu.memory_space<hbm>>) dst(%dma_wait3A_225 : memref<128xi32, #tpu.memory_space<vmem>>)
    %dma_start3A_227 = arith.constant 1 : i32
    %dma_start3A_228 = arith.constant 1 : i32
    %dma_start3A_229 = arith.constant 0 : i32
    %dma_start3A_230 = arith.constant 0 : i32
    %dma_start3A_231 = tpu.memref_slice %arg14[%dma_start3A_228, %dma_start3A_229, %dma_start3A_230] : memref<2x128x128xf32, #tpu.memory_space<vmem>> -> memref<1x128x128xf32, #tpu.memory_space<vmem>>
    %dma_start3A_232 = tpu.memref_squeeze %dma_start3A_231 : memref<1x128x128xf32, #tpu.memory_space<vmem>> -> memref<128x128xf32, #tpu.memory_space<vmem>>
    %dma_start3A_233 = arith.constant 0 : i32
    %dma_start3A_234 = tpu.memref_slice %arg11[%dma_start3A_227, %dma_start3A_233] : memref<4x128xi32, #tpu.memory_space<vmem>> -> memref<1x128xi32, #tpu.memory_space<vmem>>
    %dma_start3A_235 = tpu.memref_squeeze %dma_start3A_234 : memref<1x128xi32, #tpu.memory_space<vmem>> -> memref<128xi32, #tpu.memory_space<vmem>>
    %dma_start3A_236 = arith.constant 0 : i32
    %dma_start3A_237 = arith.constant 0 : i32
    %dma_start3A_238 = tpu.memref_slice %arg7[%dma_start3A_236, %dma_start3A_237] : memref<100000x128xf32, #tpu.memory_space<hbm>> -> memref<100000x128xf32, #tpu.memory_space<hbm>>
    tpu.enqueue_indirect_dma source(%dma_start3A_238 : memref<100000x128xf32, #tpu.memory_space<hbm>>) target(%dma_start3A_232 : memref<128x128xf32, #tpu.memory_space<vmem>>) offsets(%dma_start3A_235 : memref<128xi32, #tpu.memory_space<vmem>>) semaphore(%arg22 : memref<!tpu.dma_semaphore, #tpu.memory_space<semaphore_mem>>)
    %dma_start3A_239 = arith.constant 1 : i32
    %dma_start3A_240 = arith.constant 1 : i32
    %dma_start3A_241 = arith.constant 0 : i32
    %dma_start3A_242 = arith.constant 0 : i32
    %dma_start3A_243 = tpu.memref_slice %arg15[%dma_start3A_240, %dma_start3A_241, %dma_start3A_242] : memref<2x128x128xf32, #tpu.memory_space<vmem>> -> memref<1x128x128xf32, #tpu.memory_space<vmem>>
    %dma_start3A_244 = tpu.memref_squeeze %dma_start3A_243 : memref<1x128x128xf32, #tpu.memory_space<vmem>> -> memref<128x128xf32, #tpu.memory_space<vmem>>
    %dma_start3A_245 = arith.constant 0 : i32
    %dma_start3A_246 = tpu.memref_slice %arg12[%dma_start3A_239, %dma_start3A_245] : memref<4x128xi32, #tpu.memory_space<vmem>> -> memref<1x128xi32, #tpu.memory_space<vmem>>
    %dma_start3A_247 = tpu.memref_squeeze %dma_start3A_246 : memref<1x128xi32, #tpu.memory_space<vmem>> -> memref<128xi32, #tpu.memory_space<vmem>>
    %dma_start3A_248 = arith.constant 0 : i32
    %dma_start3A_249 = arith.constant 0 : i32
    %dma_start3A_250 = tpu.memref_slice %arg8[%dma_start3A_248, %dma_start3A_249] : memref<100000x128xf32, #tpu.memory_space<hbm>> -> memref<100000x128xf32, #tpu.memory_space<hbm>>
    tpu.enqueue_indirect_dma source(%dma_start3A_250 : memref<100000x128xf32, #tpu.memory_space<hbm>>) target(%dma_start3A_244 : memref<128x128xf32, #tpu.memory_space<vmem>>) offsets(%dma_start3A_247 : memref<128xi32, #tpu.memory_space<vmem>>) semaphore(%arg22 : memref<!tpu.dma_semaphore, #tpu.memory_space<semaphore_mem>>)
    %dma_start3A_251 = arith.constant 1 : i32
    %dma_start3A_252 = arith.constant 1 : i32
    %dma_start3A_253 = arith.constant 0 : i32
    %dma_start3A_254 = arith.constant 0 : i32
    %dma_start3A_255 = tpu.memref_slice %arg16[%dma_start3A_252, %dma_start3A_253, %dma_start3A_254] : memref<2x128x128xf32, #tpu.memory_space<vmem>> -> memref<1x128x128xf32, #tpu.memory_space<vmem>>
    %dma_start3A_256 = tpu.memref_squeeze %dma_start3A_255 : memref<1x128x128xf32, #tpu.memory_space<vmem>> -> memref<128x128xf32, #tpu.memory_space<vmem>>
    %dma_start3A_257 = arith.constant 0 : i32
    %dma_start3A_258 = tpu.memref_slice %arg13[%dma_start3A_251, %dma_start3A_257] : memref<4x128xi32, #tpu.memory_space<vmem>> -> memref<1x128xi32, #tpu.memory_space<vmem>>
    %dma_start3A_259 = tpu.memref_squeeze %dma_start3A_258 : memref<1x128xi32, #tpu.memory_space<vmem>> -> memref<128xi32, #tpu.memory_space<vmem>>
    %dma_start3A_260 = arith.constant 0 : i32
    %dma_start3A_261 = arith.constant 0 : i32
    %dma_start3A_262 = tpu.memref_slice %arg9[%dma_start3A_260, %dma_start3A_261] : memref<1000x128xf32, #tpu.memory_space<hbm>> -> memref<1000x128xf32, #tpu.memory_space<hbm>>
    tpu.enqueue_indirect_dma source(%dma_start3A_262 : memref<1000x128xf32, #tpu.memory_space<hbm>>) target(%dma_start3A_256 : memref<128x128xf32, #tpu.memory_space<vmem>>) offsets(%dma_start3A_259 : memref<128xi32, #tpu.memory_space<vmem>>) semaphore(%arg22 : memref<!tpu.dma_semaphore, #tpu.memory_space<semaphore_mem>>)
    %dma_start3A_263 = arith.constant 1 : i32
    %dma_start3A_264 = arith.constant 1 : i32
    %dma_start3A_265 = arith.constant 0 : i32
    %dma_start3A_266 = tpu.memref_slice %arg17[%dma_start3A_264, %dma_start3A_265] : memref<2x128xf32, #tpu.memory_space<vmem>> -> memref<1x128xf32, #tpu.memory_space<vmem>>
    %dma_start3A_267 = tpu.memref_squeeze %dma_start3A_266 : memref<1x128xf32, #tpu.memory_space<vmem>> -> memref<128xf32, #tpu.memory_space<vmem>>
    %dma_start3A_268 = arith.constant 0 : i32
    %dma_start3A_269 = tpu.memref_slice %arg11[%dma_start3A_263, %dma_start3A_268] : memref<4x128xi32, #tpu.memory_space<vmem>> -> memref<1x128xi32, #tpu.memory_space<vmem>>
    %dma_start3A_270 = tpu.memref_squeeze %dma_start3A_269 : memref<1x128xi32, #tpu.memory_space<vmem>> -> memref<128xi32, #tpu.memory_space<vmem>>
    %dma_start3A_271 = arith.constant 0 : i32
    %dma_start3A_272 = tpu.memref_slice %arg5[%dma_start3A_271] : memref<100000xf32, #tpu.memory_space<hbm>> -> memref<100000xf32, #tpu.memory_space<hbm>>
    tpu.enqueue_indirect_dma source(%dma_start3A_272 : memref<100000xf32, #tpu.memory_space<hbm>>) target(%dma_start3A_267 : memref<128xf32, #tpu.memory_space<vmem>>) offsets(%dma_start3A_270 : memref<128xi32, #tpu.memory_space<vmem>>) semaphore(%arg22 : memref<!tpu.dma_semaphore, #tpu.memory_space<semaphore_mem>>)
    %dma_start3A_273 = arith.constant 1 : i32
    %dma_start3A_274 = arith.constant 1 : i32
    %dma_start3A_275 = arith.constant 0 : i32
    %dma_start3A_276 = tpu.memref_slice %arg18[%dma_start3A_274, %dma_start3A_275] : memref<2x128xf32, #tpu.memory_space<vmem>> -> memref<1x128xf32, #tpu.memory_space<vmem>>
    %dma_start3A_277 = tpu.memref_squeeze %dma_start3A_276 : memref<1x128xf32, #tpu.memory_space<vmem>> -> memref<128xf32, #tpu.memory_space<vmem>>
    %dma_start3A_278 = arith.constant 0 : i32
    %dma_start3A_279 = tpu.memref_slice %arg12[%dma_start3A_273, %dma_start3A_278] : memref<4x128xi32, #tpu.memory_space<vmem>> -> memref<1x128xi32, #tpu.memory_space<vmem>>
    %dma_start3A_280 = tpu.memref_squeeze %dma_start3A_279 : memref<1x128xi32, #tpu.memory_space<vmem>> -> memref<128xi32, #tpu.memory_space<vmem>>
    %dma_start3A_281 = arith.constant 0 : i32
    %dma_start3A_282 = tpu.memref_slice %arg6[%dma_start3A_281] : memref<100000xf32, #tpu.memory_space<hbm>> -> memref<100000xf32, #tpu.memory_space<hbm>>
    tpu.enqueue_indirect_dma source(%dma_start3A_282 : memref<100000xf32, #tpu.memory_space<hbm>>) target(%dma_start3A_277 : memref<128xf32, #tpu.memory_space<vmem>>) offsets(%dma_start3A_280 : memref<128xi32, #tpu.memory_space<vmem>>) semaphore(%arg22 : memref<!tpu.dma_semaphore, #tpu.memory_space<semaphore_mem>>)
    %dma_wait3A_283 = arith.constant 0 : i32
    %dma_wait3A_284 = arith.constant 0 : i32
    %dma_wait3A_285 = arith.constant 0 : i32
    %dma_wait3A_286 = arith.constant 0 : i32
    %dma_wait3A_287 = tpu.memref_slice %arg14[%dma_wait3A_284, %dma_wait3A_285, %dma_wait3A_286] : memref<2x128x128xf32, #tpu.memory_space<vmem>> -> memref<1x128x128xf32, #tpu.memory_space<vmem>>
    %dma_wait3A_288 = tpu.memref_squeeze %dma_wait3A_287 : memref<1x128x128xf32, #tpu.memory_space<vmem>> -> memref<128x128xf32, #tpu.memory_space<vmem>>
    %dma_wait3A_289 = arith.constant 0 : i32
    %dma_wait3A_290 = tpu.memref_slice %arg11[%dma_wait3A_283, %dma_wait3A_289] : memref<4x128xi32, #tpu.memory_space<vmem>> -> memref<1x128xi32, #tpu.memory_space<vmem>>
    %dma_wait3A_291 = tpu.memref_squeeze %dma_wait3A_290 : memref<1x128xi32, #tpu.memory_space<vmem>> -> memref<128xi32, #tpu.memory_space<vmem>>
    %dma_wait3A_292 = arith.constant 0 : i32
    %dma_wait3A_293 = arith.constant 0 : i32
    %dma_wait3A_294 = tpu.memref_slice %arg7[%dma_wait3A_292, %dma_wait3A_293] : memref<100000x128xf32, #tpu.memory_space<hbm>> -> memref<100000x128xf32, #tpu.memory_space<hbm>>
    tpu.wait_indirect_dma semaphore(%arg21 : memref<!tpu.dma_semaphore, #tpu.memory_space<semaphore_mem>>) src(%dma_wait3A_294 : memref<100000x128xf32, #tpu.memory_space<hbm>>) dst(%dma_wait3A_288 : memref<128x128xf32, #tpu.memory_space<vmem>>)
    %dma_wait3A_295 = arith.constant 0 : i32
    %dma_wait3A_296 = arith.constant 0 : i32
    %dma_wait3A_297 = arith.constant 0 : i32
    %dma_wait3A_298 = arith.constant 0 : i32
    %dma_wait3A_299 = tpu.memref_slice %arg15[%dma_wait3A_296, %dma_wait3A_297, %dma_wait3A_298] : memref<2x128x128xf32, #tpu.memory_space<vmem>> -> memref<1x128x128xf32, #tpu.memory_space<vmem>>
    %dma_wait3A_300 = tpu.memref_squeeze %dma_wait3A_299 : memref<1x128x128xf32, #tpu.memory_space<vmem>> -> memref<128x128xf32, #tpu.memory_space<vmem>>
    %dma_wait3A_301 = arith.constant 0 : i32
    %dma_wait3A_302 = tpu.memref_slice %arg12[%dma_wait3A_295, %dma_wait3A_301] : memref<4x128xi32, #tpu.memory_space<vmem>> -> memref<1x128xi32, #tpu.memory_space<vmem>>
    %dma_wait3A_303 = tpu.memref_squeeze %dma_wait3A_302 : memref<1x128xi32, #tpu.memory_space<vmem>> -> memref<128xi32, #tpu.memory_space<vmem>>
    %dma_wait3A_304 = arith.constant 0 : i32
    %dma_wait3A_305 = arith.constant 0 : i32
    %dma_wait3A_306 = tpu.memref_slice %arg8[%dma_wait3A_304, %dma_wait3A_305] : memref<100000x128xf32, #tpu.memory_space<hbm>> -> memref<100000x128xf32, #tpu.memory_space<hbm>>
    tpu.wait_indirect_dma semaphore(%arg21 : memref<!tpu.dma_semaphore, #tpu.memory_space<semaphore_mem>>) src(%dma_wait3A_306 : memref<100000x128xf32, #tpu.memory_space<hbm>>) dst(%dma_wait3A_300 : memref<128x128xf32, #tpu.memory_space<vmem>>)
    %dma_wait3A_307 = arith.constant 0 : i32
    %dma_wait3A_308 = arith.constant 0 : i32
    %dma_wait3A_309 = arith.constant 0 : i32
    %dma_wait3A_310 = arith.constant 0 : i32
    %dma_wait3A_311 = tpu.memref_slice %arg16[%dma_wait3A_308, %dma_wait3A_309, %dma_wait3A_310] : memref<2x128x128xf32, #tpu.memory_space<vmem>> -> memref<1x128x128xf32, #tpu.memory_space<vmem>>
    %dma_wait3A_312 = tpu.memref_squeeze %dma_wait3A_311 : memref<1x128x128xf32, #tpu.memory_space<vmem>> -> memref<128x128xf32, #tpu.memory_space<vmem>>
    %dma_wait3A_313 = arith.constant 0 : i32
    %dma_wait3A_314 = tpu.memref_slice %arg13[%dma_wait3A_307, %dma_wait3A_313] : memref<4x128xi32, #tpu.memory_space<vmem>> -> memref<1x128xi32, #tpu.memory_space<vmem>>
    %dma_wait3A_315 = tpu.memref_squeeze %dma_wait3A_314 : memref<1x128xi32, #tpu.memory_space<vmem>> -> memref<128xi32, #tpu.memory_space<vmem>>
    %dma_wait3A_316 = arith.constant 0 : i32
    %dma_wait3A_317 = arith.constant 0 : i32
    %dma_wait3A_318 = tpu.memref_slice %arg9[%dma_wait3A_316, %dma_wait3A_317] : memref<1000x128xf32, #tpu.memory_space<hbm>> -> memref<1000x128xf32, #tpu.memory_space<hbm>>
    tpu.wait_indirect_dma semaphore(%arg21 : memref<!tpu.dma_semaphore, #tpu.memory_space<semaphore_mem>>) src(%dma_wait3A_318 : memref<1000x128xf32, #tpu.memory_space<hbm>>) dst(%dma_wait3A_312 : memref<128x128xf32, #tpu.memory_space<vmem>>)
    %dma_wait3A_319 = arith.constant 0 : i32
    %dma_wait3A_320 = arith.constant 0 : i32
    %dma_wait3A_321 = arith.constant 0 : i32
    %dma_wait3A_322 = tpu.memref_slice %arg17[%dma_wait3A_320, %dma_wait3A_321] : memref<2x128xf32, #tpu.memory_space<vmem>> -> memref<1x128xf32, #tpu.memory_space<vmem>>
    %dma_wait3A_323 = tpu.memref_squeeze %dma_wait3A_322 : memref<1x128xf32, #tpu.memory_space<vmem>> -> memref<128xf32, #tpu.memory_space<vmem>>
    %dma_wait3A_324 = arith.constant 0 : i32
    %dma_wait3A_325 = tpu.memref_slice %arg11[%dma_wait3A_319, %dma_wait3A_324] : memref<4x128xi32, #tpu.memory_space<vmem>> -> memref<1x128xi32, #tpu.memory_space<vmem>>
    %dma_wait3A_326 = tpu.memref_squeeze %dma_wait3A_325 : memref<1x128xi32, #tpu.memory_space<vmem>> -> memref<128xi32, #tpu.memory_space<vmem>>
    %dma_wait3A_327 = arith.constant 0 : i32
    %dma_wait3A_328 = tpu.memref_slice %arg5[%dma_wait3A_327] : memref<100000xf32, #tpu.memory_space<hbm>> -> memref<100000xf32, #tpu.memory_space<hbm>>
    tpu.wait_indirect_dma semaphore(%arg21 : memref<!tpu.dma_semaphore, #tpu.memory_space<semaphore_mem>>) src(%dma_wait3A_328 : memref<100000xf32, #tpu.memory_space<hbm>>) dst(%dma_wait3A_323 : memref<128xf32, #tpu.memory_space<vmem>>)
    %dma_wait3A_329 = arith.constant 0 : i32
    %dma_wait3A_330 = arith.constant 0 : i32
    %dma_wait3A_331 = arith.constant 0 : i32
    %dma_wait3A_332 = tpu.memref_slice %arg18[%dma_wait3A_330, %dma_wait3A_331] : memref<2x128xf32, #tpu.memory_space<vmem>> -> memref<1x128xf32, #tpu.memory_space<vmem>>
    %dma_wait3A_333 = tpu.memref_squeeze %dma_wait3A_332 : memref<1x128xf32, #tpu.memory_space<vmem>> -> memref<128xf32, #tpu.memory_space<vmem>>
    %dma_wait3A_334 = arith.constant 0 : i32
    %dma_wait3A_335 = tpu.memref_slice %arg12[%dma_wait3A_329, %dma_wait3A_334] : memref<4x128xi32, #tpu.memory_space<vmem>> -> memref<1x128xi32, #tpu.memory_space<vmem>>
    %dma_wait3A_336 = tpu.memref_squeeze %dma_wait3A_335 : memref<1x128xi32, #tpu.memory_space<vmem>> -> memref<128xi32, #tpu.memory_space<vmem>>
    %dma_wait3A_337 = arith.constant 0 : i32
    %dma_wait3A_338 = tpu.memref_slice %arg6[%dma_wait3A_337] : memref<100000xf32, #tpu.memory_space<hbm>> -> memref<100000xf32, #tpu.memory_space<hbm>>
    tpu.wait_indirect_dma semaphore(%arg21 : memref<!tpu.dma_semaphore, #tpu.memory_space<semaphore_mem>>) src(%dma_wait3A_338 : memref<100000xf32, #tpu.memory_space<hbm>>) dst(%dma_wait3A_333 : memref<128xf32, #tpu.memory_space<vmem>>)
    %parallel_loop3A = arith.constant 0 : i32
    %parallel_loop3A_339 = arith.constant 8 : i32
    %parallel_loop3A_340 = arith.constant 1 : i32
    scf.for %parallel_loop3A_684 = %parallel_loop3A to %parallel_loop3A_339 step %parallel_loop3A_340  : i32 {
      %parallel_loop3A_685 = arith.constant 16 : i32
      %parallel_loop3A_686 = arith.muli %parallel_loop3A_684, %parallel_loop3A_685 : i32
      %parallel_loop3A_687 = arith.constant 0 : i32
      %parallel_loop3A_688 = arith.index_cast %parallel_loop3A_687 : i32 to index
      %parallel_loop3A_689 = arith.index_cast %parallel_loop3A_686 : i32 to index
      %parallel_loop3A_690 = tpu.vector_load %arg17[%parallel_loop3A_688, %parallel_loop3A_689] {strides = array<i32>} : memref<2x128xf32, #tpu.memory_space<vmem>>, vector<16xf32>,
      %parallel_loop3A_691 = arith.constant 0 : i32
      %parallel_loop3A_692 = arith.index_cast %parallel_loop3A_691 : i32 to index
      %parallel_loop3A_693 = arith.index_cast %parallel_loop3A_686 : i32 to index
      %parallel_loop3A_694 = tpu.vector_load %arg18[%parallel_loop3A_692, %parallel_loop3A_693] {strides = array<i32>} : memref<2x128xf32, #tpu.memory_space<vmem>>, vector<16xf32>,
      %parallel_loop3A_695 = arith.addf %parallel_loop3A_690, %parallel_loop3A_694 : vector<16xf32>
      %parallel_loop3A_696 = tpu.iota {dimensions = array<i32: 0>} : vector<16xi32>
      %parallel_loop3A_697 = arith.constant 0 : i32
      %parallel_loop3A_698 = arith.constant 16 : i32
      %parallel_loop3A_699 = arith.constant 1 : i32
      %parallel_loop3A_700 = scf.for %parallel_loop3A_705 = %parallel_loop3A_697 to %parallel_loop3A_698 step %parallel_loop3A_699 iter_args(%parallel_loop3A_706 = %parallel_loop3A_695) -> (vector<16xf32>)  : i32 {
        %parallel_loop3A_707 = arith.addi %parallel_loop3A_686, %parallel_loop3A_705 : i32
        %parallel_loop3A_708 = arith.constant 0 : i32
        %parallel_loop3A_709 = arith.index_cast %parallel_loop3A_708 : i32 to index
        %parallel_loop3A_710 = arith.index_cast %parallel_loop3A_707 : i32 to index
        %parallel_loop3A_711 = arith.constant 0 : index
        %parallel_loop3A_712 = tpu.vector_load %arg14[%parallel_loop3A_709, %parallel_loop3A_710, %parallel_loop3A_711] {strides = array<i32>} : memref<2x128x128xf32, #tpu.memory_space<vmem>>, vector<16xf32>,
        %parallel_loop3A_713 = arith.constant 0 : i32
        %parallel_loop3A_714 = arith.index_cast %parallel_loop3A_713 : i32 to index
        %parallel_loop3A_715 = arith.index_cast %parallel_loop3A_707 : i32 to index
        %parallel_loop3A_716 = arith.constant 0 : index
        %parallel_loop3A_717 = tpu.vector_load %arg15[%parallel_loop3A_714, %parallel_loop3A_715, %parallel_loop3A_716] {strides = array<i32>} : memref<2x128x128xf32, #tpu.memory_space<vmem>>, vector<16xf32>,
        %parallel_loop3A_718 = arith.constant 0 : i32
        %parallel_loop3A_719 = arith.index_cast %parallel_loop3A_718 : i32 to index
        %parallel_loop3A_720 = arith.index_cast %parallel_loop3A_707 : i32 to index
        %parallel_loop3A_721 = arith.constant 0 : index
        %parallel_loop3A_722 = tpu.vector_load %arg16[%parallel_loop3A_719, %parallel_loop3A_720, %parallel_loop3A_721] {strides = array<i32>} : memref<2x128x128xf32, #tpu.memory_space<vmem>>, vector<16xf32>,
        %parallel_loop3A_723 = arith.addf %parallel_loop3A_717, %parallel_loop3A_722 : vector<16xf32>
        %parallel_loop3A_724 = arith.mulf %parallel_loop3A_712, %parallel_loop3A_723 : vector<16xf32>
        %parallel_loop3A_725 = arith.constant 0 : i32
        %parallel_loop3A_726 = arith.index_cast %parallel_loop3A_725 : i32 to index
        %parallel_loop3A_727 = arith.index_cast %parallel_loop3A_707 : i32 to index
        %parallel_loop3A_728 = arith.constant 16 : index
        %parallel_loop3A_729 = tpu.vector_load %arg14[%parallel_loop3A_726, %parallel_loop3A_727, %parallel_loop3A_728] {strides = array<i32>} : memref<2x128x128xf32, #tpu.memory_space<vmem>>, vector<16xf32>,
        %parallel_loop3A_730 = arith.constant 0 : i32
        %parallel_loop3A_731 = arith.index_cast %parallel_loop3A_730 : i32 to index
        %parallel_loop3A_732 = arith.index_cast %parallel_loop3A_707 : i32 to index
        %parallel_loop3A_733 = arith.constant 16 : index
        %parallel_loop3A_734 = tpu.vector_load %arg15[%parallel_loop3A_731, %parallel_loop3A_732, %parallel_loop3A_733] {strides = array<i32>} : memref<2x128x128xf32, #tpu.memory_space<vmem>>, vector<16xf32>,
        %parallel_loop3A_735 = arith.constant 0 : i32
        %parallel_loop3A_736 = arith.index_cast %parallel_loop3A_735 : i32 to index
        %parallel_loop3A_737 = arith.index_cast %parallel_loop3A_707 : i32 to index
        %parallel_loop3A_738 = arith.constant 16 : index
        %parallel_loop3A_739 = tpu.vector_load %arg16[%parallel_loop3A_736, %parallel_loop3A_737, %parallel_loop3A_738] {strides = array<i32>} : memref<2x128x128xf32, #tpu.memory_space<vmem>>, vector<16xf32>,
        %parallel_loop3A_740 = arith.addf %parallel_loop3A_734, %parallel_loop3A_739 : vector<16xf32>
        %parallel_loop3A_741 = arith.mulf %parallel_loop3A_729, %parallel_loop3A_740 : vector<16xf32>
        %parallel_loop3A_742 = arith.constant 0 : i32
        %parallel_loop3A_743 = arith.index_cast %parallel_loop3A_742 : i32 to index
        %parallel_loop3A_744 = arith.index_cast %parallel_loop3A_707 : i32 to index
        %parallel_loop3A_745 = arith.constant 32 : index
        %parallel_loop3A_746 = tpu.vector_load %arg14[%parallel_loop3A_743, %parallel_loop3A_744, %parallel_loop3A_745] {strides = array<i32>} : memref<2x128x128xf32, #tpu.memory_space<vmem>>, vector<16xf32>,
        %parallel_loop3A_747 = arith.constant 0 : i32
        %parallel_loop3A_748 = arith.index_cast %parallel_loop3A_747 : i32 to index
        %parallel_loop3A_749 = arith.index_cast %parallel_loop3A_707 : i32 to index
        %parallel_loop3A_750 = arith.constant 32 : index
        %parallel_loop3A_751 = tpu.vector_load %arg15[%parallel_loop3A_748, %parallel_loop3A_749, %parallel_loop3A_750] {strides = array<i32>} : memref<2x128x128xf32, #tpu.memory_space<vmem>>, vector<16xf32>,
        %parallel_loop3A_752 = arith.constant 0 : i32
        %parallel_loop3A_753 = arith.index_cast %parallel_loop3A_752 : i32 to index
        %parallel_loop3A_754 = arith.index_cast %parallel_loop3A_707 : i32 to index
        %parallel_loop3A_755 = arith.constant 32 : index
        %parallel_loop3A_756 = tpu.vector_load %arg16[%parallel_loop3A_753, %parallel_loop3A_754, %parallel_loop3A_755] {strides = array<i32>} : memref<2x128x128xf32, #tpu.memory_space<vmem>>, vector<16xf32>,
        %parallel_loop3A_757 = arith.addf %parallel_loop3A_751, %parallel_loop3A_756 : vector<16xf32>
        %parallel_loop3A_758 = arith.mulf %parallel_loop3A_746, %parallel_loop3A_757 : vector<16xf32>
        %parallel_loop3A_759 = arith.constant 0 : i32
        %parallel_loop3A_760 = arith.index_cast %parallel_loop3A_759 : i32 to index
        %parallel_loop3A_761 = arith.index_cast %parallel_loop3A_707 : i32 to index
        %parallel_loop3A_762 = arith.constant 48 : index
        %parallel_loop3A_763 = tpu.vector_load %arg14[%parallel_loop3A_760, %parallel_loop3A_761, %parallel_loop3A_762] {strides = array<i32>} : memref<2x128x128xf32, #tpu.memory_space<vmem>>, vector<16xf32>,
        %parallel_loop3A_764 = arith.constant 0 : i32
        %parallel_loop3A_765 = arith.index_cast %parallel_loop3A_764 : i32 to index
        %parallel_loop3A_766 = arith.index_cast %parallel_loop3A_707 : i32 to index
        %parallel_loop3A_767 = arith.constant 48 : index
        %parallel_loop3A_768 = tpu.vector_load %arg15[%parallel_loop3A_765, %parallel_loop3A_766, %parallel_loop3A_767] {strides = array<i32>} : memref<2x128x128xf32, #tpu.memory_space<vmem>>, vector<16xf32>,
        %parallel_loop3A_769 = arith.constant 0 : i32
        %parallel_loop3A_770 = arith.index_cast %parallel_loop3A_769 : i32 to index
        %parallel_loop3A_771 = arith.index_cast %parallel_loop3A_707 : i32 to index
        %parallel_loop3A_772 = arith.constant 48 : index
        %parallel_loop3A_773 = tpu.vector_load %arg16[%parallel_loop3A_770, %parallel_loop3A_771, %parallel_loop3A_772] {strides = array<i32>} : memref<2x128x128xf32, #tpu.memory_space<vmem>>, vector<16xf32>,
        %parallel_loop3A_774 = arith.addf %parallel_loop3A_768, %parallel_loop3A_773 : vector<16xf32>
        %parallel_loop3A_775 = arith.mulf %parallel_loop3A_763, %parallel_loop3A_774 : vector<16xf32>
        %parallel_loop3A_776 = arith.constant 0 : i32
        %parallel_loop3A_777 = arith.index_cast %parallel_loop3A_776 : i32 to index
        %parallel_loop3A_778 = arith.index_cast %parallel_loop3A_707 : i32 to index
        %parallel_loop3A_779 = arith.constant 64 : index
        %parallel_loop3A_780 = tpu.vector_load %arg14[%parallel_loop3A_777, %parallel_loop3A_778, %parallel_loop3A_779] {strides = array<i32>} : memref<2x128x128xf32, #tpu.memory_space<vmem>>, vector<16xf32>,
        %parallel_loop3A_781 = arith.constant 0 : i32
        %parallel_loop3A_782 = arith.index_cast %parallel_loop3A_781 : i32 to index
        %parallel_loop3A_783 = arith.index_cast %parallel_loop3A_707 : i32 to index
        %parallel_loop3A_784 = arith.constant 64 : index
        %parallel_loop3A_785 = tpu.vector_load %arg15[%parallel_loop3A_782, %parallel_loop3A_783, %parallel_loop3A_784] {strides = array<i32>} : memref<2x128x128xf32, #tpu.memory_space<vmem>>, vector<16xf32>,
        %parallel_loop3A_786 = arith.constant 0 : i32
        %parallel_loop3A_787 = arith.index_cast %parallel_loop3A_786 : i32 to index
        %parallel_loop3A_788 = arith.index_cast %parallel_loop3A_707 : i32 to index
        %parallel_loop3A_789 = arith.constant 64 : index
        %parallel_loop3A_790 = tpu.vector_load %arg16[%parallel_loop3A_787, %parallel_loop3A_788, %parallel_loop3A_789] {strides = array<i32>} : memref<2x128x128xf32, #tpu.memory_space<vmem>>, vector<16xf32>,
        %parallel_loop3A_791 = arith.addf %parallel_loop3A_785, %parallel_loop3A_790 : vector<16xf32>
        %parallel_loop3A_792 = arith.mulf %parallel_loop3A_780, %parallel_loop3A_791 : vector<16xf32>
        %parallel_loop3A_793 = arith.constant 0 : i32
        %parallel_loop3A_794 = arith.index_cast %parallel_loop3A_793 : i32 to index
        %parallel_loop3A_795 = arith.index_cast %parallel_loop3A_707 : i32 to index
        %parallel_loop3A_796 = arith.constant 80 : index
        %parallel_loop3A_797 = tpu.vector_load %arg14[%parallel_loop3A_794, %parallel_loop3A_795, %parallel_loop3A_796] {strides = array<i32>} : memref<2x128x128xf32, #tpu.memory_space<vmem>>, vector<16xf32>,
        %parallel_loop3A_798 = arith.constant 0 : i32
        %parallel_loop3A_799 = arith.index_cast %parallel_loop3A_798 : i32 to index
        %parallel_loop3A_800 = arith.index_cast %parallel_loop3A_707 : i32 to index
        %parallel_loop3A_801 = arith.constant 80 : index
        %parallel_loop3A_802 = tpu.vector_load %arg15[%parallel_loop3A_799, %parallel_loop3A_800, %parallel_loop3A_801] {strides = array<i32>} : memref<2x128x128xf32, #tpu.memory_space<vmem>>, vector<16xf32>,
        %parallel_loop3A_803 = arith.constant 0 : i32
        %parallel_loop3A_804 = arith.index_cast %parallel_loop3A_803 : i32 to index
        %parallel_loop3A_805 = arith.index_cast %parallel_loop3A_707 : i32 to index
        %parallel_loop3A_806 = arith.constant 80 : index
        %parallel_loop3A_807 = tpu.vector_load %arg16[%parallel_loop3A_804, %parallel_loop3A_805, %parallel_loop3A_806] {strides = array<i32>} : memref<2x128x128xf32, #tpu.memory_space<vmem>>, vector<16xf32>,
        %parallel_loop3A_808 = arith.addf %parallel_loop3A_802, %parallel_loop3A_807 : vector<16xf32>
        %parallel_loop3A_809 = arith.mulf %parallel_loop3A_797, %parallel_loop3A_808 : vector<16xf32>
        %parallel_loop3A_810 = arith.constant 0 : i32
        %parallel_loop3A_811 = arith.index_cast %parallel_loop3A_810 : i32 to index
        %parallel_loop3A_812 = arith.index_cast %parallel_loop3A_707 : i32 to index
        %parallel_loop3A_813 = arith.constant 96 : index
        %parallel_loop3A_814 = tpu.vector_load %arg14[%parallel_loop3A_811, %parallel_loop3A_812, %parallel_loop3A_813] {strides = array<i32>} : memref<2x128x128xf32, #tpu.memory_space<vmem>>, vector<16xf32>,
        %parallel_loop3A_815 = arith.constant 0 : i32
        %parallel_loop3A_816 = arith.index_cast %parallel_loop3A_815 : i32 to index
        %parallel_loop3A_817 = arith.index_cast %parallel_loop3A_707 : i32 to index
        %parallel_loop3A_818 = arith.constant 96 : index
        %parallel_loop3A_819 = tpu.vector_load %arg15[%parallel_loop3A_816, %parallel_loop3A_817, %parallel_loop3A_818] {strides = array<i32>} : memref<2x128x128xf32, #tpu.memory_space<vmem>>, vector<16xf32>,
        %parallel_loop3A_820 = arith.constant 0 : i32
        %parallel_loop3A_821 = arith.index_cast %parallel_loop3A_820 : i32 to index
        %parallel_loop3A_822 = arith.index_cast %parallel_loop3A_707 : i32 to index
        %parallel_loop3A_823 = arith.constant 96 : index
        %parallel_loop3A_824 = tpu.vector_load %arg16[%parallel_loop3A_821, %parallel_loop3A_822, %parallel_loop3A_823] {strides = array<i32>} : memref<2x128x128xf32, #tpu.memory_space<vmem>>, vector<16xf32>,
        %parallel_loop3A_825 = arith.addf %parallel_loop3A_819, %parallel_loop3A_824 : vector<16xf32>
        %parallel_loop3A_826 = arith.mulf %parallel_loop3A_814, %parallel_loop3A_825 : vector<16xf32>
        %parallel_loop3A_827 = arith.constant 0 : i32
        %parallel_loop3A_828 = arith.index_cast %parallel_loop3A_827 : i32 to index
        %parallel_loop3A_829 = arith.index_cast %parallel_loop3A_707 : i32 to index
        %parallel_loop3A_830 = arith.constant 112 : index
        %parallel_loop3A_831 = tpu.vector_load %arg14[%parallel_loop3A_828, %parallel_loop3A_829, %parallel_loop3A_830] {strides = array<i32>} : memref<2x128x128xf32, #tpu.memory_space<vmem>>, vector<16xf32>,
        %parallel_loop3A_832 = arith.constant 0 : i32
        %parallel_loop3A_833 = arith.index_cast %parallel_loop3A_832 : i32 to index
        %parallel_loop3A_834 = arith.index_cast %parallel_loop3A_707 : i32 to index
        %parallel_loop3A_835 = arith.constant 112 : index
        %parallel_loop3A_836 = tpu.vector_load %arg15[%parallel_loop3A_833, %parallel_loop3A_834, %parallel_loop3A_835] {strides = array<i32>} : memref<2x128x128xf32, #tpu.memory_space<vmem>>, vector<16xf32>,
        %parallel_loop3A_837 = arith.constant 0 : i32
        %parallel_loop3A_838 = arith.index_cast %parallel_loop3A_837 : i32 to index
        %parallel_loop3A_839 = arith.index_cast %parallel_loop3A_707 : i32 to index
        %parallel_loop3A_840 = arith.constant 112 : index
        %parallel_loop3A_841 = tpu.vector_load %arg16[%parallel_loop3A_838, %parallel_loop3A_839, %parallel_loop3A_840] {strides = array<i32>} : memref<2x128x128xf32, #tpu.memory_space<vmem>>, vector<16xf32>,
        %parallel_loop3A_842 = arith.addf %parallel_loop3A_836, %parallel_loop3A_841 : vector<16xf32>
        %parallel_loop3A_843 = arith.mulf %parallel_loop3A_831, %parallel_loop3A_842 : vector<16xf32>
        %parallel_loop3A_844 = arith.addf %parallel_loop3A_724, %parallel_loop3A_741 : vector<16xf32>
        %parallel_loop3A_845 = arith.addf %parallel_loop3A_758, %parallel_loop3A_775 : vector<16xf32>
        %parallel_loop3A_846 = arith.addf %parallel_loop3A_792, %parallel_loop3A_809 : vector<16xf32>
        %parallel_loop3A_847 = arith.addf %parallel_loop3A_826, %parallel_loop3A_843 : vector<16xf32>
        %parallel_loop3A_848 = arith.addf %parallel_loop3A_844, %parallel_loop3A_845 : vector<16xf32>
        %parallel_loop3A_849 = arith.addf %parallel_loop3A_846, %parallel_loop3A_847 : vector<16xf32>
        %parallel_loop3A_850 = arith.addf %parallel_loop3A_848, %parallel_loop3A_849 : vector<16xf32>
        %parallel_loop3A_851 = arith.constant true
        %parallel_loop3A_852 = vector.broadcast %parallel_loop3A_851 : i1 to vector<16xi1>
        %parallel_loop3A_853 = tpu.scan <sum>, %parallel_loop3A_850 masked %parallel_loop3A_852 : vector<16xf32>, vector<16xi1> -> vector<16xf32>
        %parallel_loop3A_854 = vector.extract %parallel_loop3A_853[15] : f32 from vector<16xf32>
        %parallel_loop3A_855 = vector.broadcast %parallel_loop3A_705 : i32 to vector<16xi32>
        %parallel_loop3A_856 = arith.cmpi eq, %parallel_loop3A_696, %parallel_loop3A_855 : vector<16xi32>
        %parallel_loop3A_857 = arith.extui %parallel_loop3A_856 : vector<16xi1> to vector<16xi32>
        %parallel_loop3A_858 = arith.sitofp %parallel_loop3A_857 : vector<16xi32> to vector<16xf32>
        %parallel_loop3A_859 = vector.broadcast %parallel_loop3A_854 : f32 to vector<16xf32>
        %parallel_loop3A_860 = arith.mulf %parallel_loop3A_859, %parallel_loop3A_858 : vector<16xf32>
        %parallel_loop3A_861 = arith.addf %parallel_loop3A_706, %parallel_loop3A_860 : vector<16xf32>
        scf.yield %parallel_loop3A_861 : vector<16xf32>
      } {sc.loop_unroll_factor = 2 : i64, sc.parallel_access}
      %parallel_loop3A_701 = arith.constant 0 : i32
      %parallel_loop3A_702 = arith.addi %parallel_loop3A_701, %parallel_loop3A_686 : i32
      %parallel_loop3A_703 = arith.index_cast %parallel_loop3A_702 : i32 to index
      %parallel_loop3A_704 = tpu.vector_load %arg19[%parallel_loop3A_703] {strides = array<i32>} : memref<512xf32, #tpu.memory_space<vmem>>, vector<16xf32>,
      tpu.vector_store %arg19[%parallel_loop3A_703], %parallel_loop3A_700 {strides = array<i32>} : memref<512xf32, #tpu.memory_space<vmem>>, vector<16xf32>,
    } {sc.loop_unroll_factor = 1 : i64, sc.parallel_access}
    %dma_wait3A_341 = arith.constant 2 : i32
    %dma_wait3A_342 = arith.constant 0 : i32
    %dma_wait3A_343 = tpu.memref_slice %arg11[%dma_wait3A_341, %dma_wait3A_342] : memref<4x128xi32, #tpu.memory_space<vmem>> -> memref<1x128xi32, #tpu.memory_space<vmem>>
    %dma_wait3A_344 = tpu.memref_squeeze %dma_wait3A_343 : memref<1x128xi32, #tpu.memory_space<vmem>> -> memref<128xi32, #tpu.memory_space<vmem>>
    %dma_wait3A_345 = tpu.memref_slice %arg2[%add3A_61] : memref<16384xi32, #tpu.memory_space<hbm>> -> memref<128xi32, #tpu.memory_space<hbm>>
    %dma_wait3A_346 = arith.constant 0 : i32
    %dma_wait3A_347 = tpu.memref_slice %arg11[%dma_wait3A_341, %dma_wait3A_346] : memref<4x128xi32, #tpu.memory_space<vmem>> -> memref<1x128xi32, #tpu.memory_space<vmem>>
    %dma_wait3A_348 = tpu.memref_squeeze %dma_wait3A_347 : memref<1x128xi32, #tpu.memory_space<vmem>> -> memref<128xi32, #tpu.memory_space<vmem>>
    %dma_wait3A_349 = tpu.memref_slice %arg2[%add3A_61] : memref<16384xi32, #tpu.memory_space<hbm>> -> memref<128xi32, #tpu.memory_space<hbm>>
    tpu.wait_dma2 semaphore(%arg20 : memref<!tpu.dma_semaphore, #tpu.memory_space<semaphore_mem>>) src(%dma_wait3A_349 : memref<128xi32, #tpu.memory_space<hbm>>) dst(%dma_wait3A_348 : memref<128xi32, #tpu.memory_space<vmem>>)
    %dma_wait3A_350 = arith.constant 2 : i32
    %dma_wait3A_351 = arith.constant 0 : i32
    %dma_wait3A_352 = tpu.memref_slice %arg12[%dma_wait3A_350, %dma_wait3A_351] : memref<4x128xi32, #tpu.memory_space<vmem>> -> memref<1x128xi32, #tpu.memory_space<vmem>>
    %dma_wait3A_353 = tpu.memref_squeeze %dma_wait3A_352 : memref<1x128xi32, #tpu.memory_space<vmem>> -> memref<128xi32, #tpu.memory_space<vmem>>
    %dma_wait3A_354 = tpu.memref_slice %arg3[%add3A_61] : memref<16384xi32, #tpu.memory_space<hbm>> -> memref<128xi32, #tpu.memory_space<hbm>>
    %dma_wait3A_355 = arith.constant 0 : i32
    %dma_wait3A_356 = tpu.memref_slice %arg12[%dma_wait3A_350, %dma_wait3A_355] : memref<4x128xi32, #tpu.memory_space<vmem>> -> memref<1x128xi32, #tpu.memory_space<vmem>>
    %dma_wait3A_357 = tpu.memref_squeeze %dma_wait3A_356 : memref<1x128xi32, #tpu.memory_space<vmem>> -> memref<128xi32, #tpu.memory_space<vmem>>
    %dma_wait3A_358 = tpu.memref_slice %arg3[%add3A_61] : memref<16384xi32, #tpu.memory_space<hbm>> -> memref<128xi32, #tpu.memory_space<hbm>>
    tpu.wait_dma2 semaphore(%arg20 : memref<!tpu.dma_semaphore, #tpu.memory_space<semaphore_mem>>) src(%dma_wait3A_358 : memref<128xi32, #tpu.memory_space<hbm>>) dst(%dma_wait3A_357 : memref<128xi32, #tpu.memory_space<vmem>>)
    %dma_wait3A_359 = arith.constant 2 : i32
    %dma_wait3A_360 = arith.constant 0 : i32
    %dma_wait3A_361 = tpu.memref_slice %arg13[%dma_wait3A_359, %dma_wait3A_360] : memref<4x128xi32, #tpu.memory_space<vmem>> -> memref<1x128xi32, #tpu.memory_space<vmem>>
    %dma_wait3A_362 = tpu.memref_squeeze %dma_wait3A_361 : memref<1x128xi32, #tpu.memory_space<vmem>> -> memref<128xi32, #tpu.memory_space<vmem>>
    %dma_wait3A_363 = tpu.memref_slice %arg4[%add3A_61] : memref<16384xi32, #tpu.memory_space<hbm>> -> memref<128xi32, #tpu.memory_space<hbm>>
    %dma_wait3A_364 = arith.constant 0 : i32
    %dma_wait3A_365 = tpu.memref_slice %arg13[%dma_wait3A_359, %dma_wait3A_364] : memref<4x128xi32, #tpu.memory_space<vmem>> -> memref<1x128xi32, #tpu.memory_space<vmem>>
    %dma_wait3A_366 = tpu.memref_squeeze %dma_wait3A_365 : memref<1x128xi32, #tpu.memory_space<vmem>> -> memref<128xi32, #tpu.memory_space<vmem>>
    %dma_wait3A_367 = tpu.memref_slice %arg4[%add3A_61] : memref<16384xi32, #tpu.memory_space<hbm>> -> memref<128xi32, #tpu.memory_space<hbm>>
    tpu.wait_dma2 semaphore(%arg20 : memref<!tpu.dma_semaphore, #tpu.memory_space<semaphore_mem>>) src(%dma_wait3A_367 : memref<128xi32, #tpu.memory_space<hbm>>) dst(%dma_wait3A_366 : memref<128xi32, #tpu.memory_space<vmem>>)
    %dma_start3A_368 = arith.constant 2 : i32
    %dma_start3A_369 = arith.constant 0 : i32
    %dma_start3A_370 = arith.constant 0 : i32
    %dma_start3A_371 = arith.constant 0 : i32
    %dma_start3A_372 = tpu.memref_slice %arg14[%dma_start3A_369, %dma_start3A_370, %dma_start3A_371] : memref<2x128x128xf32, #tpu.memory_space<vmem>> -> memref<1x128x128xf32, #tpu.memory_space<vmem>>
    %dma_start3A_373 = tpu.memref_squeeze %dma_start3A_372 : memref<1x128x128xf32, #tpu.memory_space<vmem>> -> memref<128x128xf32, #tpu.memory_space<vmem>>
    %dma_start3A_374 = arith.constant 0 : i32
    %dma_start3A_375 = tpu.memref_slice %arg11[%dma_start3A_368, %dma_start3A_374] : memref<4x128xi32, #tpu.memory_space<vmem>> -> memref<1x128xi32, #tpu.memory_space<vmem>>
    %dma_start3A_376 = tpu.memref_squeeze %dma_start3A_375 : memref<1x128xi32, #tpu.memory_space<vmem>> -> memref<128xi32, #tpu.memory_space<vmem>>
    %dma_start3A_377 = arith.constant 0 : i32
    %dma_start3A_378 = arith.constant 0 : i32
    %dma_start3A_379 = tpu.memref_slice %arg7[%dma_start3A_377, %dma_start3A_378] : memref<100000x128xf32, #tpu.memory_space<hbm>> -> memref<100000x128xf32, #tpu.memory_space<hbm>>
    tpu.enqueue_indirect_dma source(%dma_start3A_379 : memref<100000x128xf32, #tpu.memory_space<hbm>>) target(%dma_start3A_373 : memref<128x128xf32, #tpu.memory_space<vmem>>) offsets(%dma_start3A_376 : memref<128xi32, #tpu.memory_space<vmem>>) semaphore(%arg21 : memref<!tpu.dma_semaphore, #tpu.memory_space<semaphore_mem>>)
    %dma_start3A_380 = arith.constant 2 : i32
    %dma_start3A_381 = arith.constant 0 : i32
    %dma_start3A_382 = arith.constant 0 : i32
    %dma_start3A_383 = arith.constant 0 : i32
    %dma_start3A_384 = tpu.memref_slice %arg15[%dma_start3A_381, %dma_start3A_382, %dma_start3A_383] : memref<2x128x128xf32, #tpu.memory_space<vmem>> -> memref<1x128x128xf32, #tpu.memory_space<vmem>>
    %dma_start3A_385 = tpu.memref_squeeze %dma_start3A_384 : memref<1x128x128xf32, #tpu.memory_space<vmem>> -> memref<128x128xf32, #tpu.memory_space<vmem>>
    %dma_start3A_386 = arith.constant 0 : i32
    %dma_start3A_387 = tpu.memref_slice %arg12[%dma_start3A_380, %dma_start3A_386] : memref<4x128xi32, #tpu.memory_space<vmem>> -> memref<1x128xi32, #tpu.memory_space<vmem>>
    %dma_start3A_388 = tpu.memref_squeeze %dma_start3A_387 : memref<1x128xi32, #tpu.memory_space<vmem>> -> memref<128xi32, #tpu.memory_space<vmem>>
    %dma_start3A_389 = arith.constant 0 : i32
    %dma_start3A_390 = arith.constant 0 : i32
    %dma_start3A_391 = tpu.memref_slice %arg8[%dma_start3A_389, %dma_start3A_390] : memref<100000x128xf32, #tpu.memory_space<hbm>> -> memref<100000x128xf32, #tpu.memory_space<hbm>>
    tpu.enqueue_indirect_dma source(%dma_start3A_391 : memref<100000x128xf32, #tpu.memory_space<hbm>>) target(%dma_start3A_385 : memref<128x128xf32, #tpu.memory_space<vmem>>) offsets(%dma_start3A_388 : memref<128xi32, #tpu.memory_space<vmem>>) semaphore(%arg21 : memref<!tpu.dma_semaphore, #tpu.memory_space<semaphore_mem>>)
    %dma_start3A_392 = arith.constant 2 : i32
    %dma_start3A_393 = arith.constant 0 : i32
    %dma_start3A_394 = arith.constant 0 : i32
    %dma_start3A_395 = arith.constant 0 : i32
    %dma_start3A_396 = tpu.memref_slice %arg16[%dma_start3A_393, %dma_start3A_394, %dma_start3A_395] : memref<2x128x128xf32, #tpu.memory_space<vmem>> -> memref<1x128x128xf32, #tpu.memory_space<vmem>>
    %dma_start3A_397 = tpu.memref_squeeze %dma_start3A_396 : memref<1x128x128xf32, #tpu.memory_space<vmem>> -> memref<128x128xf32, #tpu.memory_space<vmem>>
    %dma_start3A_398 = arith.constant 0 : i32
    %dma_start3A_399 = tpu.memref_slice %arg13[%dma_start3A_392, %dma_start3A_398] : memref<4x128xi32, #tpu.memory_space<vmem>> -> memref<1x128xi32, #tpu.memory_space<vmem>>
    %dma_start3A_400 = tpu.memref_squeeze %dma_start3A_399 : memref<1x128xi32, #tpu.memory_space<vmem>> -> memref<128xi32, #tpu.memory_space<vmem>>
    %dma_start3A_401 = arith.constant 0 : i32
    %dma_start3A_402 = arith.constant 0 : i32
    %dma_start3A_403 = tpu.memref_slice %arg9[%dma_start3A_401, %dma_start3A_402] : memref<1000x128xf32, #tpu.memory_space<hbm>> -> memref<1000x128xf32, #tpu.memory_space<hbm>>
    tpu.enqueue_indirect_dma source(%dma_start3A_403 : memref<1000x128xf32, #tpu.memory_space<hbm>>) target(%dma_start3A_397 : memref<128x128xf32, #tpu.memory_space<vmem>>) offsets(%dma_start3A_400 : memref<128xi32, #tpu.memory_space<vmem>>) semaphore(%arg21 : memref<!tpu.dma_semaphore, #tpu.memory_space<semaphore_mem>>)
    %dma_start3A_404 = arith.constant 2 : i32
    %dma_start3A_405 = arith.constant 0 : i32
    %dma_start3A_406 = arith.constant 0 : i32
    %dma_start3A_407 = tpu.memref_slice %arg17[%dma_start3A_405, %dma_start3A_406] : memref<2x128xf32, #tpu.memory_space<vmem>> -> memref<1x128xf32, #tpu.memory_space<vmem>>
    %dma_start3A_408 = tpu.memref_squeeze %dma_start3A_407 : memref<1x128xf32, #tpu.memory_space<vmem>> -> memref<128xf32, #tpu.memory_space<vmem>>
    %dma_start3A_409 = arith.constant 0 : i32
    %dma_start3A_410 = tpu.memref_slice %arg11[%dma_start3A_404, %dma_start3A_409] : memref<4x128xi32, #tpu.memory_space<vmem>> -> memref<1x128xi32, #tpu.memory_space<vmem>>
    %dma_start3A_411 = tpu.memref_squeeze %dma_start3A_410 : memref<1x128xi32, #tpu.memory_space<vmem>> -> memref<128xi32, #tpu.memory_space<vmem>>
    %dma_start3A_412 = arith.constant 0 : i32
    %dma_start3A_413 = tpu.memref_slice %arg5[%dma_start3A_412] : memref<100000xf32, #tpu.memory_space<hbm>> -> memref<100000xf32, #tpu.memory_space<hbm>>
    tpu.enqueue_indirect_dma source(%dma_start3A_413 : memref<100000xf32, #tpu.memory_space<hbm>>) target(%dma_start3A_408 : memref<128xf32, #tpu.memory_space<vmem>>) offsets(%dma_start3A_411 : memref<128xi32, #tpu.memory_space<vmem>>) semaphore(%arg21 : memref<!tpu.dma_semaphore, #tpu.memory_space<semaphore_mem>>)
    %dma_start3A_414 = arith.constant 2 : i32
    %dma_start3A_415 = arith.constant 0 : i32
    %dma_start3A_416 = arith.constant 0 : i32
    %dma_start3A_417 = tpu.memref_slice %arg18[%dma_start3A_415, %dma_start3A_416] : memref<2x128xf32, #tpu.memory_space<vmem>> -> memref<1x128xf32, #tpu.memory_space<vmem>>
    %dma_start3A_418 = tpu.memref_squeeze %dma_start3A_417 : memref<1x128xf32, #tpu.memory_space<vmem>> -> memref<128xf32, #tpu.memory_space<vmem>>
    %dma_start3A_419 = arith.constant 0 : i32
    %dma_start3A_420 = tpu.memref_slice %arg12[%dma_start3A_414, %dma_start3A_419] : memref<4x128xi32, #tpu.memory_space<vmem>> -> memref<1x128xi32, #tpu.memory_space<vmem>>
    %dma_start3A_421 = tpu.memref_squeeze %dma_start3A_420 : memref<1x128xi32, #tpu.memory_space<vmem>> -> memref<128xi32, #tpu.memory_space<vmem>>
    %dma_start3A_422 = arith.constant 0 : i32
    %dma_start3A_423 = tpu.memref_slice %arg6[%dma_start3A_422] : memref<100000xf32, #tpu.memory_space<hbm>> -> memref<100000xf32, #tpu.memory_space<hbm>>
    tpu.enqueue_indirect_dma source(%dma_start3A_423 : memref<100000xf32, #tpu.memory_space<hbm>>) target(%dma_start3A_418 : memref<128xf32, #tpu.memory_space<vmem>>) offsets(%dma_start3A_421 : memref<128xi32, #tpu.memory_space<vmem>>) semaphore(%arg21 : memref<!tpu.dma_semaphore, #tpu.memory_space<semaphore_mem>>)
    %dma_wait3A_424 = arith.constant 1 : i32
    %dma_wait3A_425 = arith.constant 1 : i32
    %dma_wait3A_426 = arith.constant 0 : i32
    %dma_wait3A_427 = arith.constant 0 : i32
    %dma_wait3A_428 = tpu.memref_slice %arg14[%dma_wait3A_425, %dma_wait3A_426, %dma_wait3A_427] : memref<2x128x128xf32, #tpu.memory_space<vmem>> -> memref<1x128x128xf32, #tpu.memory_space<vmem>>
    %dma_wait3A_429 = tpu.memref_squeeze %dma_wait3A_428 : memref<1x128x128xf32, #tpu.memory_space<vmem>> -> memref<128x128xf32, #tpu.memory_space<vmem>>
    %dma_wait3A_430 = arith.constant 0 : i32
    %dma_wait3A_431 = tpu.memref_slice %arg11[%dma_wait3A_424, %dma_wait3A_430] : memref<4x128xi32, #tpu.memory_space<vmem>> -> memref<1x128xi32, #tpu.memory_space<vmem>>
    %dma_wait3A_432 = tpu.memref_squeeze %dma_wait3A_431 : memref<1x128xi32, #tpu.memory_space<vmem>> -> memref<128xi32, #tpu.memory_space<vmem>>
    %dma_wait3A_433 = arith.constant 0 : i32
    %dma_wait3A_434 = arith.constant 0 : i32
    %dma_wait3A_435 = tpu.memref_slice %arg7[%dma_wait3A_433, %dma_wait3A_434] : memref<100000x128xf32, #tpu.memory_space<hbm>> -> memref<100000x128xf32, #tpu.memory_space<hbm>>
    tpu.wait_indirect_dma semaphore(%arg22 : memref<!tpu.dma_semaphore, #tpu.memory_space<semaphore_mem>>) src(%dma_wait3A_435 : memref<100000x128xf32, #tpu.memory_space<hbm>>) dst(%dma_wait3A_429 : memref<128x128xf32, #tpu.memory_space<vmem>>)
    %dma_wait3A_436 = arith.constant 1 : i32
    %dma_wait3A_437 = arith.constant 1 : i32
    %dma_wait3A_438 = arith.constant 0 : i32
    %dma_wait3A_439 = arith.constant 0 : i32
    %dma_wait3A_440 = tpu.memref_slice %arg15[%dma_wait3A_437, %dma_wait3A_438, %dma_wait3A_439] : memref<2x128x128xf32, #tpu.memory_space<vmem>> -> memref<1x128x128xf32, #tpu.memory_space<vmem>>
    %dma_wait3A_441 = tpu.memref_squeeze %dma_wait3A_440 : memref<1x128x128xf32, #tpu.memory_space<vmem>> -> memref<128x128xf32, #tpu.memory_space<vmem>>
    %dma_wait3A_442 = arith.constant 0 : i32
    %dma_wait3A_443 = tpu.memref_slice %arg12[%dma_wait3A_436, %dma_wait3A_442] : memref<4x128xi32, #tpu.memory_space<vmem>> -> memref<1x128xi32, #tpu.memory_space<vmem>>
    %dma_wait3A_444 = tpu.memref_squeeze %dma_wait3A_443 : memref<1x128xi32, #tpu.memory_space<vmem>> -> memref<128xi32, #tpu.memory_space<vmem>>
    %dma_wait3A_445 = arith.constant 0 : i32
    %dma_wait3A_446 = arith.constant 0 : i32
    %dma_wait3A_447 = tpu.memref_slice %arg8[%dma_wait3A_445, %dma_wait3A_446] : memref<100000x128xf32, #tpu.memory_space<hbm>> -> memref<100000x128xf32, #tpu.memory_space<hbm>>
    tpu.wait_indirect_dma semaphore(%arg22 : memref<!tpu.dma_semaphore, #tpu.memory_space<semaphore_mem>>) src(%dma_wait3A_447 : memref<100000x128xf32, #tpu.memory_space<hbm>>) dst(%dma_wait3A_441 : memref<128x128xf32, #tpu.memory_space<vmem>>)
    %dma_wait3A_448 = arith.constant 1 : i32
    %dma_wait3A_449 = arith.constant 1 : i32
    %dma_wait3A_450 = arith.constant 0 : i32
    %dma_wait3A_451 = arith.constant 0 : i32
    %dma_wait3A_452 = tpu.memref_slice %arg16[%dma_wait3A_449, %dma_wait3A_450, %dma_wait3A_451] : memref<2x128x128xf32, #tpu.memory_space<vmem>> -> memref<1x128x128xf32, #tpu.memory_space<vmem>>
    %dma_wait3A_453 = tpu.memref_squeeze %dma_wait3A_452 : memref<1x128x128xf32, #tpu.memory_space<vmem>> -> memref<128x128xf32, #tpu.memory_space<vmem>>
    %dma_wait3A_454 = arith.constant 0 : i32
    %dma_wait3A_455 = tpu.memref_slice %arg13[%dma_wait3A_448, %dma_wait3A_454] : memref<4x128xi32, #tpu.memory_space<vmem>> -> memref<1x128xi32, #tpu.memory_space<vmem>>
    %dma_wait3A_456 = tpu.memref_squeeze %dma_wait3A_455 : memref<1x128xi32, #tpu.memory_space<vmem>> -> memref<128xi32, #tpu.memory_space<vmem>>
    %dma_wait3A_457 = arith.constant 0 : i32
    %dma_wait3A_458 = arith.constant 0 : i32
    %dma_wait3A_459 = tpu.memref_slice %arg9[%dma_wait3A_457, %dma_wait3A_458] : memref<1000x128xf32, #tpu.memory_space<hbm>> -> memref<1000x128xf32, #tpu.memory_space<hbm>>
    tpu.wait_indirect_dma semaphore(%arg22 : memref<!tpu.dma_semaphore, #tpu.memory_space<semaphore_mem>>) src(%dma_wait3A_459 : memref<1000x128xf32, #tpu.memory_space<hbm>>) dst(%dma_wait3A_453 : memref<128x128xf32, #tpu.memory_space<vmem>>)
    %dma_wait3A_460 = arith.constant 1 : i32
    %dma_wait3A_461 = arith.constant 1 : i32
    %dma_wait3A_462 = arith.constant 0 : i32
    %dma_wait3A_463 = tpu.memref_slice %arg17[%dma_wait3A_461, %dma_wait3A_462] : memref<2x128xf32, #tpu.memory_space<vmem>> -> memref<1x128xf32, #tpu.memory_space<vmem>>
    %dma_wait3A_464 = tpu.memref_squeeze %dma_wait3A_463 : memref<1x128xf32, #tpu.memory_space<vmem>> -> memref<128xf32, #tpu.memory_space<vmem>>
    %dma_wait3A_465 = arith.constant 0 : i32
    %dma_wait3A_466 = tpu.memref_slice %arg11[%dma_wait3A_460, %dma_wait3A_465] : memref<4x128xi32, #tpu.memory_space<vmem>> -> memref<1x128xi32, #tpu.memory_space<vmem>>
    %dma_wait3A_467 = tpu.memref_squeeze %dma_wait3A_466 : memref<1x128xi32, #tpu.memory_space<vmem>> -> memref<128xi32, #tpu.memory_space<vmem>>
    %dma_wait3A_468 = arith.constant 0 : i32
    %dma_wait3A_469 = tpu.memref_slice %arg5[%dma_wait3A_468] : memref<100000xf32, #tpu.memory_space<hbm>> -> memref<100000xf32, #tpu.memory_space<hbm>>
    tpu.wait_indirect_dma semaphore(%arg22 : memref<!tpu.dma_semaphore, #tpu.memory_space<semaphore_mem>>) src(%dma_wait3A_469 : memref<100000xf32, #tpu.memory_space<hbm>>) dst(%dma_wait3A_464 : memref<128xf32, #tpu.memory_space<vmem>>)
    %dma_wait3A_470 = arith.constant 1 : i32
    %dma_wait3A_471 = arith.constant 1 : i32
    %dma_wait3A_472 = arith.constant 0 : i32
    %dma_wait3A_473 = tpu.memref_slice %arg18[%dma_wait3A_471, %dma_wait3A_472] : memref<2x128xf32, #tpu.memory_space<vmem>> -> memref<1x128xf32, #tpu.memory_space<vmem>>
    %dma_wait3A_474 = tpu.memref_squeeze %dma_wait3A_473 : memref<1x128xf32, #tpu.memory_space<vmem>> -> memref<128xf32, #tpu.memory_space<vmem>>
    %dma_wait3A_475 = arith.constant 0 : i32
    %dma_wait3A_476 = tpu.memref_slice %arg12[%dma_wait3A_470, %dma_wait3A_475] : memref<4x128xi32, #tpu.memory_space<vmem>> -> memref<1x128xi32, #tpu.memory_space<vmem>>
    %dma_wait3A_477 = tpu.memref_squeeze %dma_wait3A_476 : memref<1x128xi32, #tpu.memory_space<vmem>> -> memref<128xi32, #tpu.memory_space<vmem>>
    %dma_wait3A_478 = arith.constant 0 : i32
    %dma_wait3A_479 = tpu.memref_slice %arg6[%dma_wait3A_478] : memref<100000xf32, #tpu.memory_space<hbm>> -> memref<100000xf32, #tpu.memory_space<hbm>>
    tpu.wait_indirect_dma semaphore(%arg22 : memref<!tpu.dma_semaphore, #tpu.memory_space<semaphore_mem>>) src(%dma_wait3A_479 : memref<100000xf32, #tpu.memory_space<hbm>>) dst(%dma_wait3A_474 : memref<128xf32, #tpu.memory_space<vmem>>)
    %parallel_loop3A_480 = arith.constant 0 : i32
    %parallel_loop3A_481 = arith.constant 8 : i32
    %parallel_loop3A_482 = arith.constant 1 : i32
    scf.for %parallel_loop3A_684 = %parallel_loop3A_480 to %parallel_loop3A_481 step %parallel_loop3A_482  : i32 {
      %parallel_loop3A_685 = arith.constant 16 : i32
      %parallel_loop3A_686 = arith.muli %parallel_loop3A_684, %parallel_loop3A_685 : i32
      %parallel_loop3A_687 = arith.constant 1 : i32
      %parallel_loop3A_688 = arith.index_cast %parallel_loop3A_687 : i32 to index
      %parallel_loop3A_689 = arith.index_cast %parallel_loop3A_686 : i32 to index
      %parallel_loop3A_690 = tpu.vector_load %arg17[%parallel_loop3A_688, %parallel_loop3A_689] {strides = array<i32>} : memref<2x128xf32, #tpu.memory_space<vmem>>, vector<16xf32>,
      %parallel_loop3A_691 = arith.constant 1 : i32
      %parallel_loop3A_692 = arith.index_cast %parallel_loop3A_691 : i32 to index
      %parallel_loop3A_693 = arith.index_cast %parallel_loop3A_686 : i32 to index
      %parallel_loop3A_694 = tpu.vector_load %arg18[%parallel_loop3A_692, %parallel_loop3A_693] {strides = array<i32>} : memref<2x128xf32, #tpu.memory_space<vmem>>, vector<16xf32>,
      %parallel_loop3A_695 = arith.addf %parallel_loop3A_690, %parallel_loop3A_694 : vector<16xf32>
      %parallel_loop3A_696 = tpu.iota {dimensions = array<i32: 0>} : vector<16xi32>
      %parallel_loop3A_697 = arith.constant 0 : i32
      %parallel_loop3A_698 = arith.constant 16 : i32
      %parallel_loop3A_699 = arith.constant 1 : i32
      %parallel_loop3A_700 = scf.for %parallel_loop3A_705 = %parallel_loop3A_697 to %parallel_loop3A_698 step %parallel_loop3A_699 iter_args(%parallel_loop3A_706 = %parallel_loop3A_695) -> (vector<16xf32>)  : i32 {
        %parallel_loop3A_707 = arith.addi %parallel_loop3A_686, %parallel_loop3A_705 : i32
        %parallel_loop3A_708 = arith.constant 1 : i32
        %parallel_loop3A_709 = arith.index_cast %parallel_loop3A_708 : i32 to index
        %parallel_loop3A_710 = arith.index_cast %parallel_loop3A_707 : i32 to index
        %parallel_loop3A_711 = arith.constant 0 : index
        %parallel_loop3A_712 = tpu.vector_load %arg14[%parallel_loop3A_709, %parallel_loop3A_710, %parallel_loop3A_711] {strides = array<i32>} : memref<2x128x128xf32, #tpu.memory_space<vmem>>, vector<16xf32>,
        %parallel_loop3A_713 = arith.constant 1 : i32
        %parallel_loop3A_714 = arith.index_cast %parallel_loop3A_713 : i32 to index
        %parallel_loop3A_715 = arith.index_cast %parallel_loop3A_707 : i32 to index
        %parallel_loop3A_716 = arith.constant 0 : index
        %parallel_loop3A_717 = tpu.vector_load %arg15[%parallel_loop3A_714, %parallel_loop3A_715, %parallel_loop3A_716] {strides = array<i32>} : memref<2x128x128xf32, #tpu.memory_space<vmem>>, vector<16xf32>,
        %parallel_loop3A_718 = arith.constant 1 : i32
        %parallel_loop3A_719 = arith.index_cast %parallel_loop3A_718 : i32 to index
        %parallel_loop3A_720 = arith.index_cast %parallel_loop3A_707 : i32 to index
        %parallel_loop3A_721 = arith.constant 0 : index
        %parallel_loop3A_722 = tpu.vector_load %arg16[%parallel_loop3A_719, %parallel_loop3A_720, %parallel_loop3A_721] {strides = array<i32>} : memref<2x128x128xf32, #tpu.memory_space<vmem>>, vector<16xf32>,
        %parallel_loop3A_723 = arith.addf %parallel_loop3A_717, %parallel_loop3A_722 : vector<16xf32>
        %parallel_loop3A_724 = arith.mulf %parallel_loop3A_712, %parallel_loop3A_723 : vector<16xf32>
        %parallel_loop3A_725 = arith.constant 1 : i32
        %parallel_loop3A_726 = arith.index_cast %parallel_loop3A_725 : i32 to index
        %parallel_loop3A_727 = arith.index_cast %parallel_loop3A_707 : i32 to index
        %parallel_loop3A_728 = arith.constant 16 : index
        %parallel_loop3A_729 = tpu.vector_load %arg14[%parallel_loop3A_726, %parallel_loop3A_727, %parallel_loop3A_728] {strides = array<i32>} : memref<2x128x128xf32, #tpu.memory_space<vmem>>, vector<16xf32>,
        %parallel_loop3A_730 = arith.constant 1 : i32
        %parallel_loop3A_731 = arith.index_cast %parallel_loop3A_730 : i32 to index
        %parallel_loop3A_732 = arith.index_cast %parallel_loop3A_707 : i32 to index
        %parallel_loop3A_733 = arith.constant 16 : index
        %parallel_loop3A_734 = tpu.vector_load %arg15[%parallel_loop3A_731, %parallel_loop3A_732, %parallel_loop3A_733] {strides = array<i32>} : memref<2x128x128xf32, #tpu.memory_space<vmem>>, vector<16xf32>,
        %parallel_loop3A_735 = arith.constant 1 : i32
        %parallel_loop3A_736 = arith.index_cast %parallel_loop3A_735 : i32 to index
        %parallel_loop3A_737 = arith.index_cast %parallel_loop3A_707 : i32 to index
        %parallel_loop3A_738 = arith.constant 16 : index
        %parallel_loop3A_739 = tpu.vector_load %arg16[%parallel_loop3A_736, %parallel_loop3A_737, %parallel_loop3A_738] {strides = array<i32>} : memref<2x128x128xf32, #tpu.memory_space<vmem>>, vector<16xf32>,
        %parallel_loop3A_740 = arith.addf %parallel_loop3A_734, %parallel_loop3A_739 : vector<16xf32>
        %parallel_loop3A_741 = arith.mulf %parallel_loop3A_729, %parallel_loop3A_740 : vector<16xf32>
        %parallel_loop3A_742 = arith.constant 1 : i32
        %parallel_loop3A_743 = arith.index_cast %parallel_loop3A_742 : i32 to index
        %parallel_loop3A_744 = arith.index_cast %parallel_loop3A_707 : i32 to index
        %parallel_loop3A_745 = arith.constant 32 : index
        %parallel_loop3A_746 = tpu.vector_load %arg14[%parallel_loop3A_743, %parallel_loop3A_744, %parallel_loop3A_745] {strides = array<i32>} : memref<2x128x128xf32, #tpu.memory_space<vmem>>, vector<16xf32>,
        %parallel_loop3A_747 = arith.constant 1 : i32
        %parallel_loop3A_748 = arith.index_cast %parallel_loop3A_747 : i32 to index
        %parallel_loop3A_749 = arith.index_cast %parallel_loop3A_707 : i32 to index
        %parallel_loop3A_750 = arith.constant 32 : index
        %parallel_loop3A_751 = tpu.vector_load %arg15[%parallel_loop3A_748, %parallel_loop3A_749, %parallel_loop3A_750] {strides = array<i32>} : memref<2x128x128xf32, #tpu.memory_space<vmem>>, vector<16xf32>,
        %parallel_loop3A_752 = arith.constant 1 : i32
        %parallel_loop3A_753 = arith.index_cast %parallel_loop3A_752 : i32 to index
        %parallel_loop3A_754 = arith.index_cast %parallel_loop3A_707 : i32 to index
        %parallel_loop3A_755 = arith.constant 32 : index
        %parallel_loop3A_756 = tpu.vector_load %arg16[%parallel_loop3A_753, %parallel_loop3A_754, %parallel_loop3A_755] {strides = array<i32>} : memref<2x128x128xf32, #tpu.memory_space<vmem>>, vector<16xf32>,
        %parallel_loop3A_757 = arith.addf %parallel_loop3A_751, %parallel_loop3A_756 : vector<16xf32>
        %parallel_loop3A_758 = arith.mulf %parallel_loop3A_746, %parallel_loop3A_757 : vector<16xf32>
        %parallel_loop3A_759 = arith.constant 1 : i32
        %parallel_loop3A_760 = arith.index_cast %parallel_loop3A_759 : i32 to index
        %parallel_loop3A_761 = arith.index_cast %parallel_loop3A_707 : i32 to index
        %parallel_loop3A_762 = arith.constant 48 : index
        %parallel_loop3A_763 = tpu.vector_load %arg14[%parallel_loop3A_760, %parallel_loop3A_761, %parallel_loop3A_762] {strides = array<i32>} : memref<2x128x128xf32, #tpu.memory_space<vmem>>, vector<16xf32>,
        %parallel_loop3A_764 = arith.constant 1 : i32
        %parallel_loop3A_765 = arith.index_cast %parallel_loop3A_764 : i32 to index
        %parallel_loop3A_766 = arith.index_cast %parallel_loop3A_707 : i32 to index
        %parallel_loop3A_767 = arith.constant 48 : index
        %parallel_loop3A_768 = tpu.vector_load %arg15[%parallel_loop3A_765, %parallel_loop3A_766, %parallel_loop3A_767] {strides = array<i32>} : memref<2x128x128xf32, #tpu.memory_space<vmem>>, vector<16xf32>,
        %parallel_loop3A_769 = arith.constant 1 : i32
        %parallel_loop3A_770 = arith.index_cast %parallel_loop3A_769 : i32 to index
        %parallel_loop3A_771 = arith.index_cast %parallel_loop3A_707 : i32 to index
        %parallel_loop3A_772 = arith.constant 48 : index
        %parallel_loop3A_773 = tpu.vector_load %arg16[%parallel_loop3A_770, %parallel_loop3A_771, %parallel_loop3A_772] {strides = array<i32>} : memref<2x128x128xf32, #tpu.memory_space<vmem>>, vector<16xf32>,
        %parallel_loop3A_774 = arith.addf %parallel_loop3A_768, %parallel_loop3A_773 : vector<16xf32>
        %parallel_loop3A_775 = arith.mulf %parallel_loop3A_763, %parallel_loop3A_774 : vector<16xf32>
        %parallel_loop3A_776 = arith.constant 1 : i32
        %parallel_loop3A_777 = arith.index_cast %parallel_loop3A_776 : i32 to index
        %parallel_loop3A_778 = arith.index_cast %parallel_loop3A_707 : i32 to index
        %parallel_loop3A_779 = arith.constant 64 : index
        %parallel_loop3A_780 = tpu.vector_load %arg14[%parallel_loop3A_777, %parallel_loop3A_778, %parallel_loop3A_779] {strides = array<i32>} : memref<2x128x128xf32, #tpu.memory_space<vmem>>, vector<16xf32>,
        %parallel_loop3A_781 = arith.constant 1 : i32
        %parallel_loop3A_782 = arith.index_cast %parallel_loop3A_781 : i32 to index
        %parallel_loop3A_783 = arith.index_cast %parallel_loop3A_707 : i32 to index
        %parallel_loop3A_784 = arith.constant 64 : index
        %parallel_loop3A_785 = tpu.vector_load %arg15[%parallel_loop3A_782, %parallel_loop3A_783, %parallel_loop3A_784] {strides = array<i32>} : memref<2x128x128xf32, #tpu.memory_space<vmem>>, vector<16xf32>,
        %parallel_loop3A_786 = arith.constant 1 : i32
        %parallel_loop3A_787 = arith.index_cast %parallel_loop3A_786 : i32 to index
        %parallel_loop3A_788 = arith.index_cast %parallel_loop3A_707 : i32 to index
        %parallel_loop3A_789 = arith.constant 64 : index
        %parallel_loop3A_790 = tpu.vector_load %arg16[%parallel_loop3A_787, %parallel_loop3A_788, %parallel_loop3A_789] {strides = array<i32>} : memref<2x128x128xf32, #tpu.memory_space<vmem>>, vector<16xf32>,
        %parallel_loop3A_791 = arith.addf %parallel_loop3A_785, %parallel_loop3A_790 : vector<16xf32>
        %parallel_loop3A_792 = arith.mulf %parallel_loop3A_780, %parallel_loop3A_791 : vector<16xf32>
        %parallel_loop3A_793 = arith.constant 1 : i32
        %parallel_loop3A_794 = arith.index_cast %parallel_loop3A_793 : i32 to index
        %parallel_loop3A_795 = arith.index_cast %parallel_loop3A_707 : i32 to index
        %parallel_loop3A_796 = arith.constant 80 : index
        %parallel_loop3A_797 = tpu.vector_load %arg14[%parallel_loop3A_794, %parallel_loop3A_795, %parallel_loop3A_796] {strides = array<i32>} : memref<2x128x128xf32, #tpu.memory_space<vmem>>, vector<16xf32>,
        %parallel_loop3A_798 = arith.constant 1 : i32
        %parallel_loop3A_799 = arith.index_cast %parallel_loop3A_798 : i32 to index
        %parallel_loop3A_800 = arith.index_cast %parallel_loop3A_707 : i32 to index
        %parallel_loop3A_801 = arith.constant 80 : index
        %parallel_loop3A_802 = tpu.vector_load %arg15[%parallel_loop3A_799, %parallel_loop3A_800, %parallel_loop3A_801] {strides = array<i32>} : memref<2x128x128xf32, #tpu.memory_space<vmem>>, vector<16xf32>,
        %parallel_loop3A_803 = arith.constant 1 : i32
        %parallel_loop3A_804 = arith.index_cast %parallel_loop3A_803 : i32 to index
        %parallel_loop3A_805 = arith.index_cast %parallel_loop3A_707 : i32 to index
        %parallel_loop3A_806 = arith.constant 80 : index
        %parallel_loop3A_807 = tpu.vector_load %arg16[%parallel_loop3A_804, %parallel_loop3A_805, %parallel_loop3A_806] {strides = array<i32>} : memref<2x128x128xf32, #tpu.memory_space<vmem>>, vector<16xf32>,
        %parallel_loop3A_808 = arith.addf %parallel_loop3A_802, %parallel_loop3A_807 : vector<16xf32>
        %parallel_loop3A_809 = arith.mulf %parallel_loop3A_797, %parallel_loop3A_808 : vector<16xf32>
        %parallel_loop3A_810 = arith.constant 1 : i32
        %parallel_loop3A_811 = arith.index_cast %parallel_loop3A_810 : i32 to index
        %parallel_loop3A_812 = arith.index_cast %parallel_loop3A_707 : i32 to index
        %parallel_loop3A_813 = arith.constant 96 : index
        %parallel_loop3A_814 = tpu.vector_load %arg14[%parallel_loop3A_811, %parallel_loop3A_812, %parallel_loop3A_813] {strides = array<i32>} : memref<2x128x128xf32, #tpu.memory_space<vmem>>, vector<16xf32>,
        %parallel_loop3A_815 = arith.constant 1 : i32
        %parallel_loop3A_816 = arith.index_cast %parallel_loop3A_815 : i32 to index
        %parallel_loop3A_817 = arith.index_cast %parallel_loop3A_707 : i32 to index
        %parallel_loop3A_818 = arith.constant 96 : index
        %parallel_loop3A_819 = tpu.vector_load %arg15[%parallel_loop3A_816, %parallel_loop3A_817, %parallel_loop3A_818] {strides = array<i32>} : memref<2x128x128xf32, #tpu.memory_space<vmem>>, vector<16xf32>,
        %parallel_loop3A_820 = arith.constant 1 : i32
        %parallel_loop3A_821 = arith.index_cast %parallel_loop3A_820 : i32 to index
        %parallel_loop3A_822 = arith.index_cast %parallel_loop3A_707 : i32 to index
        %parallel_loop3A_823 = arith.constant 96 : index
        %parallel_loop3A_824 = tpu.vector_load %arg16[%parallel_loop3A_821, %parallel_loop3A_822, %parallel_loop3A_823] {strides = array<i32>} : memref<2x128x128xf32, #tpu.memory_space<vmem>>, vector<16xf32>,
        %parallel_loop3A_825 = arith.addf %parallel_loop3A_819, %parallel_loop3A_824 : vector<16xf32>
        %parallel_loop3A_826 = arith.mulf %parallel_loop3A_814, %parallel_loop3A_825 : vector<16xf32>
        %parallel_loop3A_827 = arith.constant 1 : i32
        %parallel_loop3A_828 = arith.index_cast %parallel_loop3A_827 : i32 to index
        %parallel_loop3A_829 = arith.index_cast %parallel_loop3A_707 : i32 to index
        %parallel_loop3A_830 = arith.constant 112 : index
        %parallel_loop3A_831 = tpu.vector_load %arg14[%parallel_loop3A_828, %parallel_loop3A_829, %parallel_loop3A_830] {strides = array<i32>} : memref<2x128x128xf32, #tpu.memory_space<vmem>>, vector<16xf32>,
        %parallel_loop3A_832 = arith.constant 1 : i32
        %parallel_loop3A_833 = arith.index_cast %parallel_loop3A_832 : i32 to index
        %parallel_loop3A_834 = arith.index_cast %parallel_loop3A_707 : i32 to index
        %parallel_loop3A_835 = arith.constant 112 : index
        %parallel_loop3A_836 = tpu.vector_load %arg15[%parallel_loop3A_833, %parallel_loop3A_834, %parallel_loop3A_835] {strides = array<i32>} : memref<2x128x128xf32, #tpu.memory_space<vmem>>, vector<16xf32>,
        %parallel_loop3A_837 = arith.constant 1 : i32
        %parallel_loop3A_838 = arith.index_cast %parallel_loop3A_837 : i32 to index
        %parallel_loop3A_839 = arith.index_cast %parallel_loop3A_707 : i32 to index
        %parallel_loop3A_840 = arith.constant 112 : index
        %parallel_loop3A_841 = tpu.vector_load %arg16[%parallel_loop3A_838, %parallel_loop3A_839, %parallel_loop3A_840] {strides = array<i32>} : memref<2x128x128xf32, #tpu.memory_space<vmem>>, vector<16xf32>,
        %parallel_loop3A_842 = arith.addf %parallel_loop3A_836, %parallel_loop3A_841 : vector<16xf32>
        %parallel_loop3A_843 = arith.mulf %parallel_loop3A_831, %parallel_loop3A_842 : vector<16xf32>
        %parallel_loop3A_844 = arith.addf %parallel_loop3A_724, %parallel_loop3A_741 : vector<16xf32>
        %parallel_loop3A_845 = arith.addf %parallel_loop3A_758, %parallel_loop3A_775 : vector<16xf32>
        %parallel_loop3A_846 = arith.addf %parallel_loop3A_792, %parallel_loop3A_809 : vector<16xf32>
        %parallel_loop3A_847 = arith.addf %parallel_loop3A_826, %parallel_loop3A_843 : vector<16xf32>
        %parallel_loop3A_848 = arith.addf %parallel_loop3A_844, %parallel_loop3A_845 : vector<16xf32>
        %parallel_loop3A_849 = arith.addf %parallel_loop3A_846, %parallel_loop3A_847 : vector<16xf32>
        %parallel_loop3A_850 = arith.addf %parallel_loop3A_848, %parallel_loop3A_849 : vector<16xf32>
        %parallel_loop3A_851 = arith.constant true
        %parallel_loop3A_852 = vector.broadcast %parallel_loop3A_851 : i1 to vector<16xi1>
        %parallel_loop3A_853 = tpu.scan <sum>, %parallel_loop3A_850 masked %parallel_loop3A_852 : vector<16xf32>, vector<16xi1> -> vector<16xf32>
        %parallel_loop3A_854 = vector.extract %parallel_loop3A_853[15] : f32 from vector<16xf32>
        %parallel_loop3A_855 = vector.broadcast %parallel_loop3A_705 : i32 to vector<16xi32>
        %parallel_loop3A_856 = arith.cmpi eq, %parallel_loop3A_696, %parallel_loop3A_855 : vector<16xi32>
        %parallel_loop3A_857 = arith.extui %parallel_loop3A_856 : vector<16xi1> to vector<16xi32>
        %parallel_loop3A_858 = arith.sitofp %parallel_loop3A_857 : vector<16xi32> to vector<16xf32>
        %parallel_loop3A_859 = vector.broadcast %parallel_loop3A_854 : f32 to vector<16xf32>
        %parallel_loop3A_860 = arith.mulf %parallel_loop3A_859, %parallel_loop3A_858 : vector<16xf32>
        %parallel_loop3A_861 = arith.addf %parallel_loop3A_706, %parallel_loop3A_860 : vector<16xf32>
        scf.yield %parallel_loop3A_861 : vector<16xf32>
      } {sc.loop_unroll_factor = 2 : i64, sc.parallel_access}
      %parallel_loop3A_701 = arith.constant 128 : i32
      %parallel_loop3A_702 = arith.addi %parallel_loop3A_701, %parallel_loop3A_686 : i32
      %parallel_loop3A_703 = arith.index_cast %parallel_loop3A_702 : i32 to index
      %parallel_loop3A_704 = tpu.vector_load %arg19[%parallel_loop3A_703] {strides = array<i32>} : memref<512xf32, #tpu.memory_space<vmem>>, vector<16xf32>,
      tpu.vector_store %arg19[%parallel_loop3A_703], %parallel_loop3A_700 {strides = array<i32>} : memref<512xf32, #tpu.memory_space<vmem>>, vector<16xf32>,
    } {sc.loop_unroll_factor = 1 : i64, sc.parallel_access}
    %dma_wait3A_483 = arith.constant 3 : i32
    %dma_wait3A_484 = arith.constant 0 : i32
    %dma_wait3A_485 = tpu.memref_slice %arg11[%dma_wait3A_483, %dma_wait3A_484] : memref<4x128xi32, #tpu.memory_space<vmem>> -> memref<1x128xi32, #tpu.memory_space<vmem>>
    %dma_wait3A_486 = tpu.memref_squeeze %dma_wait3A_485 : memref<1x128xi32, #tpu.memory_space<vmem>> -> memref<128xi32, #tpu.memory_space<vmem>>
    %dma_wait3A_487 = tpu.memref_slice %arg2[%add3A_90] : memref<16384xi32, #tpu.memory_space<hbm>> -> memref<128xi32, #tpu.memory_space<hbm>>
    %dma_wait3A_488 = arith.constant 0 : i32
    %dma_wait3A_489 = tpu.memref_slice %arg11[%dma_wait3A_483, %dma_wait3A_488] : memref<4x128xi32, #tpu.memory_space<vmem>> -> memref<1x128xi32, #tpu.memory_space<vmem>>
    %dma_wait3A_490 = tpu.memref_squeeze %dma_wait3A_489 : memref<1x128xi32, #tpu.memory_space<vmem>> -> memref<128xi32, #tpu.memory_space<vmem>>
    %dma_wait3A_491 = tpu.memref_slice %arg2[%add3A_90] : memref<16384xi32, #tpu.memory_space<hbm>> -> memref<128xi32, #tpu.memory_space<hbm>>
    tpu.wait_dma2 semaphore(%arg20 : memref<!tpu.dma_semaphore, #tpu.memory_space<semaphore_mem>>) src(%dma_wait3A_491 : memref<128xi32, #tpu.memory_space<hbm>>) dst(%dma_wait3A_490 : memref<128xi32, #tpu.memory_space<vmem>>)
    %dma_wait3A_492 = arith.constant 3 : i32
    %dma_wait3A_493 = arith.constant 0 : i32
    %dma_wait3A_494 = tpu.memref_slice %arg12[%dma_wait3A_492, %dma_wait3A_493] : memref<4x128xi32, #tpu.memory_space<vmem>> -> memref<1x128xi32, #tpu.memory_space<vmem>>
    %dma_wait3A_495 = tpu.memref_squeeze %dma_wait3A_494 : memref<1x128xi32, #tpu.memory_space<vmem>> -> memref<128xi32, #tpu.memory_space<vmem>>
    %dma_wait3A_496 = tpu.memref_slice %arg3[%add3A_90] : memref<16384xi32, #tpu.memory_space<hbm>> -> memref<128xi32, #tpu.memory_space<hbm>>
    %dma_wait3A_497 = arith.constant 0 : i32
    %dma_wait3A_498 = tpu.memref_slice %arg12[%dma_wait3A_492, %dma_wait3A_497] : memref<4x128xi32, #tpu.memory_space<vmem>> -> memref<1x128xi32, #tpu.memory_space<vmem>>
    %dma_wait3A_499 = tpu.memref_squeeze %dma_wait3A_498 : memref<1x128xi32, #tpu.memory_space<vmem>> -> memref<128xi32, #tpu.memory_space<vmem>>
    %dma_wait3A_500 = tpu.memref_slice %arg3[%add3A_90] : memref<16384xi32, #tpu.memory_space<hbm>> -> memref<128xi32, #tpu.memory_space<hbm>>
    tpu.wait_dma2 semaphore(%arg20 : memref<!tpu.dma_semaphore, #tpu.memory_space<semaphore_mem>>) src(%dma_wait3A_500 : memref<128xi32, #tpu.memory_space<hbm>>) dst(%dma_wait3A_499 : memref<128xi32, #tpu.memory_space<vmem>>)
    %dma_wait3A_501 = arith.constant 3 : i32
    %dma_wait3A_502 = arith.constant 0 : i32
    %dma_wait3A_503 = tpu.memref_slice %arg13[%dma_wait3A_501, %dma_wait3A_502] : memref<4x128xi32, #tpu.memory_space<vmem>> -> memref<1x128xi32, #tpu.memory_space<vmem>>
    %dma_wait3A_504 = tpu.memref_squeeze %dma_wait3A_503 : memref<1x128xi32, #tpu.memory_space<vmem>> -> memref<128xi32, #tpu.memory_space<vmem>>
    %dma_wait3A_505 = tpu.memref_slice %arg4[%add3A_90] : memref<16384xi32, #tpu.memory_space<hbm>> -> memref<128xi32, #tpu.memory_space<hbm>>
    %dma_wait3A_506 = arith.constant 0 : i32
    %dma_wait3A_507 = tpu.memref_slice %arg13[%dma_wait3A_501, %dma_wait3A_506] : memref<4x128xi32, #tpu.memory_space<vmem>> -> memref<1x128xi32, #tpu.memory_space<vmem>>
    %dma_wait3A_508 = tpu.memref_squeeze %dma_wait3A_507 : memref<1x128xi32, #tpu.memory_space<vmem>> -> memref<128xi32, #tpu.memory_space<vmem>>
    %dma_wait3A_509 = tpu.memref_slice %arg4[%add3A_90] : memref<16384xi32, #tpu.memory_space<hbm>> -> memref<128xi32, #tpu.memory_space<hbm>>
    tpu.wait_dma2 semaphore(%arg20 : memref<!tpu.dma_semaphore, #tpu.memory_space<semaphore_mem>>) src(%dma_wait3A_509 : memref<128xi32, #tpu.memory_space<hbm>>) dst(%dma_wait3A_508 : memref<128xi32, #tpu.memory_space<vmem>>)
    %dma_start3A_510 = arith.constant 3 : i32
    %dma_start3A_511 = arith.constant 1 : i32
    %dma_start3A_512 = arith.constant 0 : i32
    %dma_start3A_513 = arith.constant 0 : i32
    %dma_start3A_514 = tpu.memref_slice %arg14[%dma_start3A_511, %dma_start3A_512, %dma_start3A_513] : memref<2x128x128xf32, #tpu.memory_space<vmem>> -> memref<1x128x128xf32, #tpu.memory_space<vmem>>
    %dma_start3A_515 = tpu.memref_squeeze %dma_start3A_514 : memref<1x128x128xf32, #tpu.memory_space<vmem>> -> memref<128x128xf32, #tpu.memory_space<vmem>>
    %dma_start3A_516 = arith.constant 0 : i32
    %dma_start3A_517 = tpu.memref_slice %arg11[%dma_start3A_510, %dma_start3A_516] : memref<4x128xi32, #tpu.memory_space<vmem>> -> memref<1x128xi32, #tpu.memory_space<vmem>>
    %dma_start3A_518 = tpu.memref_squeeze %dma_start3A_517 : memref<1x128xi32, #tpu.memory_space<vmem>> -> memref<128xi32, #tpu.memory_space<vmem>>
    %dma_start3A_519 = arith.constant 0 : i32
    %dma_start3A_520 = arith.constant 0 : i32
    %dma_start3A_521 = tpu.memref_slice %arg7[%dma_start3A_519, %dma_start3A_520] : memref<100000x128xf32, #tpu.memory_space<hbm>> -> memref<100000x128xf32, #tpu.memory_space<hbm>>
    tpu.enqueue_indirect_dma source(%dma_start3A_521 : memref<100000x128xf32, #tpu.memory_space<hbm>>) target(%dma_start3A_515 : memref<128x128xf32, #tpu.memory_space<vmem>>) offsets(%dma_start3A_518 : memref<128xi32, #tpu.memory_space<vmem>>) semaphore(%arg22 : memref<!tpu.dma_semaphore, #tpu.memory_space<semaphore_mem>>)
    %dma_start3A_522 = arith.constant 3 : i32
    %dma_start3A_523 = arith.constant 1 : i32
    %dma_start3A_524 = arith.constant 0 : i32
    %dma_start3A_525 = arith.constant 0 : i32
    %dma_start3A_526 = tpu.memref_slice %arg15[%dma_start3A_523, %dma_start3A_524, %dma_start3A_525] : memref<2x128x128xf32, #tpu.memory_space<vmem>> -> memref<1x128x128xf32, #tpu.memory_space<vmem>>
    %dma_start3A_527 = tpu.memref_squeeze %dma_start3A_526 : memref<1x128x128xf32, #tpu.memory_space<vmem>> -> memref<128x128xf32, #tpu.memory_space<vmem>>
    %dma_start3A_528 = arith.constant 0 : i32
    %dma_start3A_529 = tpu.memref_slice %arg12[%dma_start3A_522, %dma_start3A_528] : memref<4x128xi32, #tpu.memory_space<vmem>> -> memref<1x128xi32, #tpu.memory_space<vmem>>
    %dma_start3A_530 = tpu.memref_squeeze %dma_start3A_529 : memref<1x128xi32, #tpu.memory_space<vmem>> -> memref<128xi32, #tpu.memory_space<vmem>>
    %dma_start3A_531 = arith.constant 0 : i32
    %dma_start3A_532 = arith.constant 0 : i32
    %dma_start3A_533 = tpu.memref_slice %arg8[%dma_start3A_531, %dma_start3A_532] : memref<100000x128xf32, #tpu.memory_space<hbm>> -> memref<100000x128xf32, #tpu.memory_space<hbm>>
    tpu.enqueue_indirect_dma source(%dma_start3A_533 : memref<100000x128xf32, #tpu.memory_space<hbm>>) target(%dma_start3A_527 : memref<128x128xf32, #tpu.memory_space<vmem>>) offsets(%dma_start3A_530 : memref<128xi32, #tpu.memory_space<vmem>>) semaphore(%arg22 : memref<!tpu.dma_semaphore, #tpu.memory_space<semaphore_mem>>)
    %dma_start3A_534 = arith.constant 3 : i32
    %dma_start3A_535 = arith.constant 1 : i32
    %dma_start3A_536 = arith.constant 0 : i32
    %dma_start3A_537 = arith.constant 0 : i32
    %dma_start3A_538 = tpu.memref_slice %arg16[%dma_start3A_535, %dma_start3A_536, %dma_start3A_537] : memref<2x128x128xf32, #tpu.memory_space<vmem>> -> memref<1x128x128xf32, #tpu.memory_space<vmem>>
    %dma_start3A_539 = tpu.memref_squeeze %dma_start3A_538 : memref<1x128x128xf32, #tpu.memory_space<vmem>> -> memref<128x128xf32, #tpu.memory_space<vmem>>
    %dma_start3A_540 = arith.constant 0 : i32
    %dma_start3A_541 = tpu.memref_slice %arg13[%dma_start3A_534, %dma_start3A_540] : memref<4x128xi32, #tpu.memory_space<vmem>> -> memref<1x128xi32, #tpu.memory_space<vmem>>
    %dma_start3A_542 = tpu.memref_squeeze %dma_start3A_541 : memref<1x128xi32, #tpu.memory_space<vmem>> -> memref<128xi32, #tpu.memory_space<vmem>>
    %dma_start3A_543 = arith.constant 0 : i32
    %dma_start3A_544 = arith.constant 0 : i32
    %dma_start3A_545 = tpu.memref_slice %arg9[%dma_start3A_543, %dma_start3A_544] : memref<1000x128xf32, #tpu.memory_space<hbm>> -> memref<1000x128xf32, #tpu.memory_space<hbm>>
    tpu.enqueue_indirect_dma source(%dma_start3A_545 : memref<1000x128xf32, #tpu.memory_space<hbm>>) target(%dma_start3A_539 : memref<128x128xf32, #tpu.memory_space<vmem>>) offsets(%dma_start3A_542 : memref<128xi32, #tpu.memory_space<vmem>>) semaphore(%arg22 : memref<!tpu.dma_semaphore, #tpu.memory_space<semaphore_mem>>)
    %dma_start3A_546 = arith.constant 3 : i32
    %dma_start3A_547 = arith.constant 1 : i32
    %dma_start3A_548 = arith.constant 0 : i32
    %dma_start3A_549 = tpu.memref_slice %arg17[%dma_start3A_547, %dma_start3A_548] : memref<2x128xf32, #tpu.memory_space<vmem>> -> memref<1x128xf32, #tpu.memory_space<vmem>>
    %dma_start3A_550 = tpu.memref_squeeze %dma_start3A_549 : memref<1x128xf32, #tpu.memory_space<vmem>> -> memref<128xf32, #tpu.memory_space<vmem>>
    %dma_start3A_551 = arith.constant 0 : i32
    %dma_start3A_552 = tpu.memref_slice %arg11[%dma_start3A_546, %dma_start3A_551] : memref<4x128xi32, #tpu.memory_space<vmem>> -> memref<1x128xi32, #tpu.memory_space<vmem>>
    %dma_start3A_553 = tpu.memref_squeeze %dma_start3A_552 : memref<1x128xi32, #tpu.memory_space<vmem>> -> memref<128xi32, #tpu.memory_space<vmem>>
    %dma_start3A_554 = arith.constant 0 : i32
    %dma_start3A_555 = tpu.memref_slice %arg5[%dma_start3A_554] : memref<100000xf32, #tpu.memory_space<hbm>> -> memref<100000xf32, #tpu.memory_space<hbm>>
    tpu.enqueue_indirect_dma source(%dma_start3A_555 : memref<100000xf32, #tpu.memory_space<hbm>>) target(%dma_start3A_550 : memref<128xf32, #tpu.memory_space<vmem>>) offsets(%dma_start3A_553 : memref<128xi32, #tpu.memory_space<vmem>>) semaphore(%arg22 : memref<!tpu.dma_semaphore, #tpu.memory_space<semaphore_mem>>)
    %dma_start3A_556 = arith.constant 3 : i32
    %dma_start3A_557 = arith.constant 1 : i32
    %dma_start3A_558 = arith.constant 0 : i32
    %dma_start3A_559 = tpu.memref_slice %arg18[%dma_start3A_557, %dma_start3A_558] : memref<2x128xf32, #tpu.memory_space<vmem>> -> memref<1x128xf32, #tpu.memory_space<vmem>>
    %dma_start3A_560 = tpu.memref_squeeze %dma_start3A_559 : memref<1x128xf32, #tpu.memory_space<vmem>> -> memref<128xf32, #tpu.memory_space<vmem>>
    %dma_start3A_561 = arith.constant 0 : i32
    %dma_start3A_562 = tpu.memref_slice %arg12[%dma_start3A_556, %dma_start3A_561] : memref<4x128xi32, #tpu.memory_space<vmem>> -> memref<1x128xi32, #tpu.memory_space<vmem>>
    %dma_start3A_563 = tpu.memref_squeeze %dma_start3A_562 : memref<1x128xi32, #tpu.memory_space<vmem>> -> memref<128xi32, #tpu.memory_space<vmem>>
    %dma_start3A_564 = arith.constant 0 : i32
    %dma_start3A_565 = tpu.memref_slice %arg6[%dma_start3A_564] : memref<100000xf32, #tpu.memory_space<hbm>> -> memref<100000xf32, #tpu.memory_space<hbm>>
    tpu.enqueue_indirect_dma source(%dma_start3A_565 : memref<100000xf32, #tpu.memory_space<hbm>>) target(%dma_start3A_560 : memref<128xf32, #tpu.memory_space<vmem>>) offsets(%dma_start3A_563 : memref<128xi32, #tpu.memory_space<vmem>>) semaphore(%arg22 : memref<!tpu.dma_semaphore, #tpu.memory_space<semaphore_mem>>)
    %dma_wait3A_566 = arith.constant 2 : i32
    %dma_wait3A_567 = arith.constant 0 : i32
    %dma_wait3A_568 = arith.constant 0 : i32
    %dma_wait3A_569 = arith.constant 0 : i32
    %dma_wait3A_570 = tpu.memref_slice %arg14[%dma_wait3A_567, %dma_wait3A_568, %dma_wait3A_569] : memref<2x128x128xf32, #tpu.memory_space<vmem>> -> memref<1x128x128xf32, #tpu.memory_space<vmem>>
    %dma_wait3A_571 = tpu.memref_squeeze %dma_wait3A_570 : memref<1x128x128xf32, #tpu.memory_space<vmem>> -> memref<128x128xf32, #tpu.memory_space<vmem>>
    %dma_wait3A_572 = arith.constant 0 : i32
    %dma_wait3A_573 = tpu.memref_slice %arg11[%dma_wait3A_566, %dma_wait3A_572] : memref<4x128xi32, #tpu.memory_space<vmem>> -> memref<1x128xi32, #tpu.memory_space<vmem>>
    %dma_wait3A_574 = tpu.memref_squeeze %dma_wait3A_573 : memref<1x128xi32, #tpu.memory_space<vmem>> -> memref<128xi32, #tpu.memory_space<vmem>>
    %dma_wait3A_575 = arith.constant 0 : i32
    %dma_wait3A_576 = arith.constant 0 : i32
    %dma_wait3A_577 = tpu.memref_slice %arg7[%dma_wait3A_575, %dma_wait3A_576] : memref<100000x128xf32, #tpu.memory_space<hbm>> -> memref<100000x128xf32, #tpu.memory_space<hbm>>
    tpu.wait_indirect_dma semaphore(%arg21 : memref<!tpu.dma_semaphore, #tpu.memory_space<semaphore_mem>>) src(%dma_wait3A_577 : memref<100000x128xf32, #tpu.memory_space<hbm>>) dst(%dma_wait3A_571 : memref<128x128xf32, #tpu.memory_space<vmem>>)
    %dma_wait3A_578 = arith.constant 2 : i32
    %dma_wait3A_579 = arith.constant 0 : i32
    %dma_wait3A_580 = arith.constant 0 : i32
    %dma_wait3A_581 = arith.constant 0 : i32
    %dma_wait3A_582 = tpu.memref_slice %arg15[%dma_wait3A_579, %dma_wait3A_580, %dma_wait3A_581] : memref<2x128x128xf32, #tpu.memory_space<vmem>> -> memref<1x128x128xf32, #tpu.memory_space<vmem>>
    %dma_wait3A_583 = tpu.memref_squeeze %dma_wait3A_582 : memref<1x128x128xf32, #tpu.memory_space<vmem>> -> memref<128x128xf32, #tpu.memory_space<vmem>>
    %dma_wait3A_584 = arith.constant 0 : i32
    %dma_wait3A_585 = tpu.memref_slice %arg12[%dma_wait3A_578, %dma_wait3A_584] : memref<4x128xi32, #tpu.memory_space<vmem>> -> memref<1x128xi32, #tpu.memory_space<vmem>>
    %dma_wait3A_586 = tpu.memref_squeeze %dma_wait3A_585 : memref<1x128xi32, #tpu.memory_space<vmem>> -> memref<128xi32, #tpu.memory_space<vmem>>
    %dma_wait3A_587 = arith.constant 0 : i32
    %dma_wait3A_588 = arith.constant 0 : i32
    %dma_wait3A_589 = tpu.memref_slice %arg8[%dma_wait3A_587, %dma_wait3A_588] : memref<100000x128xf32, #tpu.memory_space<hbm>> -> memref<100000x128xf32, #tpu.memory_space<hbm>>
    tpu.wait_indirect_dma semaphore(%arg21 : memref<!tpu.dma_semaphore, #tpu.memory_space<semaphore_mem>>) src(%dma_wait3A_589 : memref<100000x128xf32, #tpu.memory_space<hbm>>) dst(%dma_wait3A_583 : memref<128x128xf32, #tpu.memory_space<vmem>>)
    %dma_wait3A_590 = arith.constant 2 : i32
    %dma_wait3A_591 = arith.constant 0 : i32
    %dma_wait3A_592 = arith.constant 0 : i32
    %dma_wait3A_593 = arith.constant 0 : i32
    %dma_wait3A_594 = tpu.memref_slice %arg16[%dma_wait3A_591, %dma_wait3A_592, %dma_wait3A_593] : memref<2x128x128xf32, #tpu.memory_space<vmem>> -> memref<1x128x128xf32, #tpu.memory_space<vmem>>
    %dma_wait3A_595 = tpu.memref_squeeze %dma_wait3A_594 : memref<1x128x128xf32, #tpu.memory_space<vmem>> -> memref<128x128xf32, #tpu.memory_space<vmem>>
    %dma_wait3A_596 = arith.constant 0 : i32
    %dma_wait3A_597 = tpu.memref_slice %arg13[%dma_wait3A_590, %dma_wait3A_596] : memref<4x128xi32, #tpu.memory_space<vmem>> -> memref<1x128xi32, #tpu.memory_space<vmem>>
    %dma_wait3A_598 = tpu.memref_squeeze %dma_wait3A_597 : memref<1x128xi32, #tpu.memory_space<vmem>> -> memref<128xi32, #tpu.memory_space<vmem>>
    %dma_wait3A_599 = arith.constant 0 : i32
    %dma_wait3A_600 = arith.constant 0 : i32
    %dma_wait3A_601 = tpu.memref_slice %arg9[%dma_wait3A_599, %dma_wait3A_600] : memref<1000x128xf32, #tpu.memory_space<hbm>> -> memref<1000x128xf32, #tpu.memory_space<hbm>>
    tpu.wait_indirect_dma semaphore(%arg21 : memref<!tpu.dma_semaphore, #tpu.memory_space<semaphore_mem>>) src(%dma_wait3A_601 : memref<1000x128xf32, #tpu.memory_space<hbm>>) dst(%dma_wait3A_595 : memref<128x128xf32, #tpu.memory_space<vmem>>)
    %dma_wait3A_602 = arith.constant 2 : i32
    %dma_wait3A_603 = arith.constant 0 : i32
    %dma_wait3A_604 = arith.constant 0 : i32
    %dma_wait3A_605 = tpu.memref_slice %arg17[%dma_wait3A_603, %dma_wait3A_604] : memref<2x128xf32, #tpu.memory_space<vmem>> -> memref<1x128xf32, #tpu.memory_space<vmem>>
    %dma_wait3A_606 = tpu.memref_squeeze %dma_wait3A_605 : memref<1x128xf32, #tpu.memory_space<vmem>> -> memref<128xf32, #tpu.memory_space<vmem>>
    %dma_wait3A_607 = arith.constant 0 : i32
    %dma_wait3A_608 = tpu.memref_slice %arg11[%dma_wait3A_602, %dma_wait3A_607] : memref<4x128xi32, #tpu.memory_space<vmem>> -> memref<1x128xi32, #tpu.memory_space<vmem>>
    %dma_wait3A_609 = tpu.memref_squeeze %dma_wait3A_608 : memref<1x128xi32, #tpu.memory_space<vmem>> -> memref<128xi32, #tpu.memory_space<vmem>>
    %dma_wait3A_610 = arith.constant 0 : i32
    %dma_wait3A_611 = tpu.memref_slice %arg5[%dma_wait3A_610] : memref<100000xf32, #tpu.memory_space<hbm>> -> memref<100000xf32, #tpu.memory_space<hbm>>
    tpu.wait_indirect_dma semaphore(%arg21 : memref<!tpu.dma_semaphore, #tpu.memory_space<semaphore_mem>>) src(%dma_wait3A_611 : memref<100000xf32, #tpu.memory_space<hbm>>) dst(%dma_wait3A_606 : memref<128xf32, #tpu.memory_space<vmem>>)
    %dma_wait3A_612 = arith.constant 2 : i32
    %dma_wait3A_613 = arith.constant 0 : i32
    %dma_wait3A_614 = arith.constant 0 : i32
    %dma_wait3A_615 = tpu.memref_slice %arg18[%dma_wait3A_613, %dma_wait3A_614] : memref<2x128xf32, #tpu.memory_space<vmem>> -> memref<1x128xf32, #tpu.memory_space<vmem>>
    %dma_wait3A_616 = tpu.memref_squeeze %dma_wait3A_615 : memref<1x128xf32, #tpu.memory_space<vmem>> -> memref<128xf32, #tpu.memory_space<vmem>>
    %dma_wait3A_617 = arith.constant 0 : i32
    %dma_wait3A_618 = tpu.memref_slice %arg12[%dma_wait3A_612, %dma_wait3A_617] : memref<4x128xi32, #tpu.memory_space<vmem>> -> memref<1x128xi32, #tpu.memory_space<vmem>>
    %dma_wait3A_619 = tpu.memref_squeeze %dma_wait3A_618 : memref<1x128xi32, #tpu.memory_space<vmem>> -> memref<128xi32, #tpu.memory_space<vmem>>
    %dma_wait3A_620 = arith.constant 0 : i32
    %dma_wait3A_621 = tpu.memref_slice %arg6[%dma_wait3A_620] : memref<100000xf32, #tpu.memory_space<hbm>> -> memref<100000xf32, #tpu.memory_space<hbm>>
    tpu.wait_indirect_dma semaphore(%arg21 : memref<!tpu.dma_semaphore, #tpu.memory_space<semaphore_mem>>) src(%dma_wait3A_621 : memref<100000xf32, #tpu.memory_space<hbm>>) dst(%dma_wait3A_616 : memref<128xf32, #tpu.memory_space<vmem>>)
    %parallel_loop3A_622 = arith.constant 0 : i32
    %parallel_loop3A_623 = arith.constant 8 : i32
    %parallel_loop3A_624 = arith.constant 1 : i32
    scf.for %parallel_loop3A_684 = %parallel_loop3A_622 to %parallel_loop3A_623 step %parallel_loop3A_624  : i32 {
      %parallel_loop3A_685 = arith.constant 16 : i32
      %parallel_loop3A_686 = arith.muli %parallel_loop3A_684, %parallel_loop3A_685 : i32
      %parallel_loop3A_687 = arith.constant 0 : i32
      %parallel_loop3A_688 = arith.index_cast %parallel_loop3A_687 : i32 to index
      %parallel_loop3A_689 = arith.index_cast %parallel_loop3A_686 : i32 to index
      %parallel_loop3A_690 = tpu.vector_load %arg17[%parallel_loop3A_688, %parallel_loop3A_689] {strides = array<i32>} : memref<2x128xf32, #tpu.memory_space<vmem>>, vector<16xf32>,
      %parallel_loop3A_691 = arith.constant 0 : i32
      %parallel_loop3A_692 = arith.index_cast %parallel_loop3A_691 : i32 to index
      %parallel_loop3A_693 = arith.index_cast %parallel_loop3A_686 : i32 to index
      %parallel_loop3A_694 = tpu.vector_load %arg18[%parallel_loop3A_692, %parallel_loop3A_693] {strides = array<i32>} : memref<2x128xf32, #tpu.memory_space<vmem>>, vector<16xf32>,
      %parallel_loop3A_695 = arith.addf %parallel_loop3A_690, %parallel_loop3A_694 : vector<16xf32>
      %parallel_loop3A_696 = tpu.iota {dimensions = array<i32: 0>} : vector<16xi32>
      %parallel_loop3A_697 = arith.constant 0 : i32
      %parallel_loop3A_698 = arith.constant 16 : i32
      %parallel_loop3A_699 = arith.constant 1 : i32
      %parallel_loop3A_700 = scf.for %parallel_loop3A_705 = %parallel_loop3A_697 to %parallel_loop3A_698 step %parallel_loop3A_699 iter_args(%parallel_loop3A_706 = %parallel_loop3A_695) -> (vector<16xf32>)  : i32 {
        %parallel_loop3A_707 = arith.addi %parallel_loop3A_686, %parallel_loop3A_705 : i32
        %parallel_loop3A_708 = arith.constant 0 : i32
        %parallel_loop3A_709 = arith.index_cast %parallel_loop3A_708 : i32 to index
        %parallel_loop3A_710 = arith.index_cast %parallel_loop3A_707 : i32 to index
        %parallel_loop3A_711 = arith.constant 0 : index
        %parallel_loop3A_712 = tpu.vector_load %arg14[%parallel_loop3A_709, %parallel_loop3A_710, %parallel_loop3A_711] {strides = array<i32>} : memref<2x128x128xf32, #tpu.memory_space<vmem>>, vector<16xf32>,
        %parallel_loop3A_713 = arith.constant 0 : i32
        %parallel_loop3A_714 = arith.index_cast %parallel_loop3A_713 : i32 to index
        %parallel_loop3A_715 = arith.index_cast %parallel_loop3A_707 : i32 to index
        %parallel_loop3A_716 = arith.constant 0 : index
        %parallel_loop3A_717 = tpu.vector_load %arg15[%parallel_loop3A_714, %parallel_loop3A_715, %parallel_loop3A_716] {strides = array<i32>} : memref<2x128x128xf32, #tpu.memory_space<vmem>>, vector<16xf32>,
        %parallel_loop3A_718 = arith.constant 0 : i32
        %parallel_loop3A_719 = arith.index_cast %parallel_loop3A_718 : i32 to index
        %parallel_loop3A_720 = arith.index_cast %parallel_loop3A_707 : i32 to index
        %parallel_loop3A_721 = arith.constant 0 : index
        %parallel_loop3A_722 = tpu.vector_load %arg16[%parallel_loop3A_719, %parallel_loop3A_720, %parallel_loop3A_721] {strides = array<i32>} : memref<2x128x128xf32, #tpu.memory_space<vmem>>, vector<16xf32>,
        %parallel_loop3A_723 = arith.addf %parallel_loop3A_717, %parallel_loop3A_722 : vector<16xf32>
        %parallel_loop3A_724 = arith.mulf %parallel_loop3A_712, %parallel_loop3A_723 : vector<16xf32>
        %parallel_loop3A_725 = arith.constant 0 : i32
        %parallel_loop3A_726 = arith.index_cast %parallel_loop3A_725 : i32 to index
        %parallel_loop3A_727 = arith.index_cast %parallel_loop3A_707 : i32 to index
        %parallel_loop3A_728 = arith.constant 16 : index
        %parallel_loop3A_729 = tpu.vector_load %arg14[%parallel_loop3A_726, %parallel_loop3A_727, %parallel_loop3A_728] {strides = array<i32>} : memref<2x128x128xf32, #tpu.memory_space<vmem>>, vector<16xf32>,
        %parallel_loop3A_730 = arith.constant 0 : i32
        %parallel_loop3A_731 = arith.index_cast %parallel_loop3A_730 : i32 to index
        %parallel_loop3A_732 = arith.index_cast %parallel_loop3A_707 : i32 to index
        %parallel_loop3A_733 = arith.constant 16 : index
        %parallel_loop3A_734 = tpu.vector_load %arg15[%parallel_loop3A_731, %parallel_loop3A_732, %parallel_loop3A_733] {strides = array<i32>} : memref<2x128x128xf32, #tpu.memory_space<vmem>>, vector<16xf32>,
        %parallel_loop3A_735 = arith.constant 0 : i32
        %parallel_loop3A_736 = arith.index_cast %parallel_loop3A_735 : i32 to index
        %parallel_loop3A_737 = arith.index_cast %parallel_loop3A_707 : i32 to index
        %parallel_loop3A_738 = arith.constant 16 : index
        %parallel_loop3A_739 = tpu.vector_load %arg16[%parallel_loop3A_736, %parallel_loop3A_737, %parallel_loop3A_738] {strides = array<i32>} : memref<2x128x128xf32, #tpu.memory_space<vmem>>, vector<16xf32>,
        %parallel_loop3A_740 = arith.addf %parallel_loop3A_734, %parallel_loop3A_739 : vector<16xf32>
        %parallel_loop3A_741 = arith.mulf %parallel_loop3A_729, %parallel_loop3A_740 : vector<16xf32>
        %parallel_loop3A_742 = arith.constant 0 : i32
        %parallel_loop3A_743 = arith.index_cast %parallel_loop3A_742 : i32 to index
        %parallel_loop3A_744 = arith.index_cast %parallel_loop3A_707 : i32 to index
        %parallel_loop3A_745 = arith.constant 32 : index
        %parallel_loop3A_746 = tpu.vector_load %arg14[%parallel_loop3A_743, %parallel_loop3A_744, %parallel_loop3A_745] {strides = array<i32>} : memref<2x128x128xf32, #tpu.memory_space<vmem>>, vector<16xf32>,
        %parallel_loop3A_747 = arith.constant 0 : i32
        %parallel_loop3A_748 = arith.index_cast %parallel_loop3A_747 : i32 to index
        %parallel_loop3A_749 = arith.index_cast %parallel_loop3A_707 : i32 to index
        %parallel_loop3A_750 = arith.constant 32 : index
        %parallel_loop3A_751 = tpu.vector_load %arg15[%parallel_loop3A_748, %parallel_loop3A_749, %parallel_loop3A_750] {strides = array<i32>} : memref<2x128x128xf32, #tpu.memory_space<vmem>>, vector<16xf32>,
        %parallel_loop3A_752 = arith.constant 0 : i32
        %parallel_loop3A_753 = arith.index_cast %parallel_loop3A_752 : i32 to index
        %parallel_loop3A_754 = arith.index_cast %parallel_loop3A_707 : i32 to index
        %parallel_loop3A_755 = arith.constant 32 : index
        %parallel_loop3A_756 = tpu.vector_load %arg16[%parallel_loop3A_753, %parallel_loop3A_754, %parallel_loop3A_755] {strides = array<i32>} : memref<2x128x128xf32, #tpu.memory_space<vmem>>, vector<16xf32>,
        %parallel_loop3A_757 = arith.addf %parallel_loop3A_751, %parallel_loop3A_756 : vector<16xf32>
        %parallel_loop3A_758 = arith.mulf %parallel_loop3A_746, %parallel_loop3A_757 : vector<16xf32>
        %parallel_loop3A_759 = arith.constant 0 : i32
        %parallel_loop3A_760 = arith.index_cast %parallel_loop3A_759 : i32 to index
        %parallel_loop3A_761 = arith.index_cast %parallel_loop3A_707 : i32 to index
        %parallel_loop3A_762 = arith.constant 48 : index
        %parallel_loop3A_763 = tpu.vector_load %arg14[%parallel_loop3A_760, %parallel_loop3A_761, %parallel_loop3A_762] {strides = array<i32>} : memref<2x128x128xf32, #tpu.memory_space<vmem>>, vector<16xf32>,
        %parallel_loop3A_764 = arith.constant 0 : i32
        %parallel_loop3A_765 = arith.index_cast %parallel_loop3A_764 : i32 to index
        %parallel_loop3A_766 = arith.index_cast %parallel_loop3A_707 : i32 to index
        %parallel_loop3A_767 = arith.constant 48 : index
        %parallel_loop3A_768 = tpu.vector_load %arg15[%parallel_loop3A_765, %parallel_loop3A_766, %parallel_loop3A_767] {strides = array<i32>} : memref<2x128x128xf32, #tpu.memory_space<vmem>>, vector<16xf32>,
        %parallel_loop3A_769 = arith.constant 0 : i32
        %parallel_loop3A_770 = arith.index_cast %parallel_loop3A_769 : i32 to index
        %parallel_loop3A_771 = arith.index_cast %parallel_loop3A_707 : i32 to index
        %parallel_loop3A_772 = arith.constant 48 : index
        %parallel_loop3A_773 = tpu.vector_load %arg16[%parallel_loop3A_770, %parallel_loop3A_771, %parallel_loop3A_772] {strides = array<i32>} : memref<2x128x128xf32, #tpu.memory_space<vmem>>, vector<16xf32>,
        %parallel_loop3A_774 = arith.addf %parallel_loop3A_768, %parallel_loop3A_773 : vector<16xf32>
        %parallel_loop3A_775 = arith.mulf %parallel_loop3A_763, %parallel_loop3A_774 : vector<16xf32>
        %parallel_loop3A_776 = arith.constant 0 : i32
        %parallel_loop3A_777 = arith.index_cast %parallel_loop3A_776 : i32 to index
        %parallel_loop3A_778 = arith.index_cast %parallel_loop3A_707 : i32 to index
        %parallel_loop3A_779 = arith.constant 64 : index
        %parallel_loop3A_780 = tpu.vector_load %arg14[%parallel_loop3A_777, %parallel_loop3A_778, %parallel_loop3A_779] {strides = array<i32>} : memref<2x128x128xf32, #tpu.memory_space<vmem>>, vector<16xf32>,
        %parallel_loop3A_781 = arith.constant 0 : i32
        %parallel_loop3A_782 = arith.index_cast %parallel_loop3A_781 : i32 to index
        %parallel_loop3A_783 = arith.index_cast %parallel_loop3A_707 : i32 to index
        %parallel_loop3A_784 = arith.constant 64 : index
        %parallel_loop3A_785 = tpu.vector_load %arg15[%parallel_loop3A_782, %parallel_loop3A_783, %parallel_loop3A_784] {strides = array<i32>} : memref<2x128x128xf32, #tpu.memory_space<vmem>>, vector<16xf32>,
        %parallel_loop3A_786 = arith.constant 0 : i32
        %parallel_loop3A_787 = arith.index_cast %parallel_loop3A_786 : i32 to index
        %parallel_loop3A_788 = arith.index_cast %parallel_loop3A_707 : i32 to index
        %parallel_loop3A_789 = arith.constant 64 : index
        %parallel_loop3A_790 = tpu.vector_load %arg16[%parallel_loop3A_787, %parallel_loop3A_788, %parallel_loop3A_789] {strides = array<i32>} : memref<2x128x128xf32, #tpu.memory_space<vmem>>, vector<16xf32>,
        %parallel_loop3A_791 = arith.addf %parallel_loop3A_785, %parallel_loop3A_790 : vector<16xf32>
        %parallel_loop3A_792 = arith.mulf %parallel_loop3A_780, %parallel_loop3A_791 : vector<16xf32>
        %parallel_loop3A_793 = arith.constant 0 : i32
        %parallel_loop3A_794 = arith.index_cast %parallel_loop3A_793 : i32 to index
        %parallel_loop3A_795 = arith.index_cast %parallel_loop3A_707 : i32 to index
        %parallel_loop3A_796 = arith.constant 80 : index
        %parallel_loop3A_797 = tpu.vector_load %arg14[%parallel_loop3A_794, %parallel_loop3A_795, %parallel_loop3A_796] {strides = array<i32>} : memref<2x128x128xf32, #tpu.memory_space<vmem>>, vector<16xf32>,
        %parallel_loop3A_798 = arith.constant 0 : i32
        %parallel_loop3A_799 = arith.index_cast %parallel_loop3A_798 : i32 to index
        %parallel_loop3A_800 = arith.index_cast %parallel_loop3A_707 : i32 to index
        %parallel_loop3A_801 = arith.constant 80 : index
        %parallel_loop3A_802 = tpu.vector_load %arg15[%parallel_loop3A_799, %parallel_loop3A_800, %parallel_loop3A_801] {strides = array<i32>} : memref<2x128x128xf32, #tpu.memory_space<vmem>>, vector<16xf32>,
        %parallel_loop3A_803 = arith.constant 0 : i32
        %parallel_loop3A_804 = arith.index_cast %parallel_loop3A_803 : i32 to index
        %parallel_loop3A_805 = arith.index_cast %parallel_loop3A_707 : i32 to index
        %parallel_loop3A_806 = arith.constant 80 : index
        %parallel_loop3A_807 = tpu.vector_load %arg16[%parallel_loop3A_804, %parallel_loop3A_805, %parallel_loop3A_806] {strides = array<i32>} : memref<2x128x128xf32, #tpu.memory_space<vmem>>, vector<16xf32>,
        %parallel_loop3A_808 = arith.addf %parallel_loop3A_802, %parallel_loop3A_807 : vector<16xf32>
        %parallel_loop3A_809 = arith.mulf %parallel_loop3A_797, %parallel_loop3A_808 : vector<16xf32>
        %parallel_loop3A_810 = arith.constant 0 : i32
        %parallel_loop3A_811 = arith.index_cast %parallel_loop3A_810 : i32 to index
        %parallel_loop3A_812 = arith.index_cast %parallel_loop3A_707 : i32 to index
        %parallel_loop3A_813 = arith.constant 96 : index
        %parallel_loop3A_814 = tpu.vector_load %arg14[%parallel_loop3A_811, %parallel_loop3A_812, %parallel_loop3A_813] {strides = array<i32>} : memref<2x128x128xf32, #tpu.memory_space<vmem>>, vector<16xf32>,
        %parallel_loop3A_815 = arith.constant 0 : i32
        %parallel_loop3A_816 = arith.index_cast %parallel_loop3A_815 : i32 to index
        %parallel_loop3A_817 = arith.index_cast %parallel_loop3A_707 : i32 to index
        %parallel_loop3A_818 = arith.constant 96 : index
        %parallel_loop3A_819 = tpu.vector_load %arg15[%parallel_loop3A_816, %parallel_loop3A_817, %parallel_loop3A_818] {strides = array<i32>} : memref<2x128x128xf32, #tpu.memory_space<vmem>>, vector<16xf32>,
        %parallel_loop3A_820 = arith.constant 0 : i32
        %parallel_loop3A_821 = arith.index_cast %parallel_loop3A_820 : i32 to index
        %parallel_loop3A_822 = arith.index_cast %parallel_loop3A_707 : i32 to index
        %parallel_loop3A_823 = arith.constant 96 : index
        %parallel_loop3A_824 = tpu.vector_load %arg16[%parallel_loop3A_821, %parallel_loop3A_822, %parallel_loop3A_823] {strides = array<i32>} : memref<2x128x128xf32, #tpu.memory_space<vmem>>, vector<16xf32>,
        %parallel_loop3A_825 = arith.addf %parallel_loop3A_819, %parallel_loop3A_824 : vector<16xf32>
        %parallel_loop3A_826 = arith.mulf %parallel_loop3A_814, %parallel_loop3A_825 : vector<16xf32>
        %parallel_loop3A_827 = arith.constant 0 : i32
        %parallel_loop3A_828 = arith.index_cast %parallel_loop3A_827 : i32 to index
        %parallel_loop3A_829 = arith.index_cast %parallel_loop3A_707 : i32 to index
        %parallel_loop3A_830 = arith.constant 112 : index
        %parallel_loop3A_831 = tpu.vector_load %arg14[%parallel_loop3A_828, %parallel_loop3A_829, %parallel_loop3A_830] {strides = array<i32>} : memref<2x128x128xf32, #tpu.memory_space<vmem>>, vector<16xf32>,
        %parallel_loop3A_832 = arith.constant 0 : i32
        %parallel_loop3A_833 = arith.index_cast %parallel_loop3A_832 : i32 to index
        %parallel_loop3A_834 = arith.index_cast %parallel_loop3A_707 : i32 to index
        %parallel_loop3A_835 = arith.constant 112 : index
        %parallel_loop3A_836 = tpu.vector_load %arg15[%parallel_loop3A_833, %parallel_loop3A_834, %parallel_loop3A_835] {strides = array<i32>} : memref<2x128x128xf32, #tpu.memory_space<vmem>>, vector<16xf32>,
        %parallel_loop3A_837 = arith.constant 0 : i32
        %parallel_loop3A_838 = arith.index_cast %parallel_loop3A_837 : i32 to index
        %parallel_loop3A_839 = arith.index_cast %parallel_loop3A_707 : i32 to index
        %parallel_loop3A_840 = arith.constant 112 : index
        %parallel_loop3A_841 = tpu.vector_load %arg16[%parallel_loop3A_838, %parallel_loop3A_839, %parallel_loop3A_840] {strides = array<i32>} : memref<2x128x128xf32, #tpu.memory_space<vmem>>, vector<16xf32>,
        %parallel_loop3A_842 = arith.addf %parallel_loop3A_836, %parallel_loop3A_841 : vector<16xf32>
        %parallel_loop3A_843 = arith.mulf %parallel_loop3A_831, %parallel_loop3A_842 : vector<16xf32>
        %parallel_loop3A_844 = arith.addf %parallel_loop3A_724, %parallel_loop3A_741 : vector<16xf32>
        %parallel_loop3A_845 = arith.addf %parallel_loop3A_758, %parallel_loop3A_775 : vector<16xf32>
        %parallel_loop3A_846 = arith.addf %parallel_loop3A_792, %parallel_loop3A_809 : vector<16xf32>
        %parallel_loop3A_847 = arith.addf %parallel_loop3A_826, %parallel_loop3A_843 : vector<16xf32>
        %parallel_loop3A_848 = arith.addf %parallel_loop3A_844, %parallel_loop3A_845 : vector<16xf32>
        %parallel_loop3A_849 = arith.addf %parallel_loop3A_846, %parallel_loop3A_847 : vector<16xf32>
        %parallel_loop3A_850 = arith.addf %parallel_loop3A_848, %parallel_loop3A_849 : vector<16xf32>
        %parallel_loop3A_851 = arith.constant true
        %parallel_loop3A_852 = vector.broadcast %parallel_loop3A_851 : i1 to vector<16xi1>
        %parallel_loop3A_853 = tpu.scan <sum>, %parallel_loop3A_850 masked %parallel_loop3A_852 : vector<16xf32>, vector<16xi1> -> vector<16xf32>
        %parallel_loop3A_854 = vector.extract %parallel_loop3A_853[15] : f32 from vector<16xf32>
        %parallel_loop3A_855 = vector.broadcast %parallel_loop3A_705 : i32 to vector<16xi32>
        %parallel_loop3A_856 = arith.cmpi eq, %parallel_loop3A_696, %parallel_loop3A_855 : vector<16xi32>
        %parallel_loop3A_857 = arith.extui %parallel_loop3A_856 : vector<16xi1> to vector<16xi32>
        %parallel_loop3A_858 = arith.sitofp %parallel_loop3A_857 : vector<16xi32> to vector<16xf32>
        %parallel_loop3A_859 = vector.broadcast %parallel_loop3A_854 : f32 to vector<16xf32>
        %parallel_loop3A_860 = arith.mulf %parallel_loop3A_859, %parallel_loop3A_858 : vector<16xf32>
        %parallel_loop3A_861 = arith.addf %parallel_loop3A_706, %parallel_loop3A_860 : vector<16xf32>
        scf.yield %parallel_loop3A_861 : vector<16xf32>
      } {sc.loop_unroll_factor = 2 : i64, sc.parallel_access}
      %parallel_loop3A_701 = arith.constant 256 : i32
      %parallel_loop3A_702 = arith.addi %parallel_loop3A_701, %parallel_loop3A_686 : i32
      %parallel_loop3A_703 = arith.index_cast %parallel_loop3A_702 : i32 to index
      %parallel_loop3A_704 = tpu.vector_load %arg19[%parallel_loop3A_703] {strides = array<i32>} : memref<512xf32, #tpu.memory_space<vmem>>, vector<16xf32>,
      tpu.vector_store %arg19[%parallel_loop3A_703], %parallel_loop3A_700 {strides = array<i32>} : memref<512xf32, #tpu.memory_space<vmem>>, vector<16xf32>,
    } {sc.loop_unroll_factor = 1 : i64, sc.parallel_access}
    %dma_wait3A_625 = arith.constant 3 : i32
    %dma_wait3A_626 = arith.constant 1 : i32
    %dma_wait3A_627 = arith.constant 0 : i32
    %dma_wait3A_628 = arith.constant 0 : i32
    %dma_wait3A_629 = tpu.memref_slice %arg14[%dma_wait3A_626, %dma_wait3A_627, %dma_wait3A_628] : memref<2x128x128xf32, #tpu.memory_space<vmem>> -> memref<1x128x128xf32, #tpu.memory_space<vmem>>
    %dma_wait3A_630 = tpu.memref_squeeze %dma_wait3A_629 : memref<1x128x128xf32, #tpu.memory_space<vmem>> -> memref<128x128xf32, #tpu.memory_space<vmem>>
    %dma_wait3A_631 = arith.constant 0 : i32
    %dma_wait3A_632 = tpu.memref_slice %arg11[%dma_wait3A_625, %dma_wait3A_631] : memref<4x128xi32, #tpu.memory_space<vmem>> -> memref<1x128xi32, #tpu.memory_space<vmem>>
    %dma_wait3A_633 = tpu.memref_squeeze %dma_wait3A_632 : memref<1x128xi32, #tpu.memory_space<vmem>> -> memref<128xi32, #tpu.memory_space<vmem>>
    %dma_wait3A_634 = arith.constant 0 : i32
    %dma_wait3A_635 = arith.constant 0 : i32
    %dma_wait3A_636 = tpu.memref_slice %arg7[%dma_wait3A_634, %dma_wait3A_635] : memref<100000x128xf32, #tpu.memory_space<hbm>> -> memref<100000x128xf32, #tpu.memory_space<hbm>>
    tpu.wait_indirect_dma semaphore(%arg22 : memref<!tpu.dma_semaphore, #tpu.memory_space<semaphore_mem>>) src(%dma_wait3A_636 : memref<100000x128xf32, #tpu.memory_space<hbm>>) dst(%dma_wait3A_630 : memref<128x128xf32, #tpu.memory_space<vmem>>)
    %dma_wait3A_637 = arith.constant 3 : i32
    %dma_wait3A_638 = arith.constant 1 : i32
    %dma_wait3A_639 = arith.constant 0 : i32
    %dma_wait3A_640 = arith.constant 0 : i32
    %dma_wait3A_641 = tpu.memref_slice %arg15[%dma_wait3A_638, %dma_wait3A_639, %dma_wait3A_640] : memref<2x128x128xf32, #tpu.memory_space<vmem>> -> memref<1x128x128xf32, #tpu.memory_space<vmem>>
    %dma_wait3A_642 = tpu.memref_squeeze %dma_wait3A_641 : memref<1x128x128xf32, #tpu.memory_space<vmem>> -> memref<128x128xf32, #tpu.memory_space<vmem>>
    %dma_wait3A_643 = arith.constant 0 : i32
    %dma_wait3A_644 = tpu.memref_slice %arg12[%dma_wait3A_637, %dma_wait3A_643] : memref<4x128xi32, #tpu.memory_space<vmem>> -> memref<1x128xi32, #tpu.memory_space<vmem>>
    %dma_wait3A_645 = tpu.memref_squeeze %dma_wait3A_644 : memref<1x128xi32, #tpu.memory_space<vmem>> -> memref<128xi32, #tpu.memory_space<vmem>>
    %dma_wait3A_646 = arith.constant 0 : i32
    %dma_wait3A_647 = arith.constant 0 : i32
    %dma_wait3A_648 = tpu.memref_slice %arg8[%dma_wait3A_646, %dma_wait3A_647] : memref<100000x128xf32, #tpu.memory_space<hbm>> -> memref<100000x128xf32, #tpu.memory_space<hbm>>
    tpu.wait_indirect_dma semaphore(%arg22 : memref<!tpu.dma_semaphore, #tpu.memory_space<semaphore_mem>>) src(%dma_wait3A_648 : memref<100000x128xf32, #tpu.memory_space<hbm>>) dst(%dma_wait3A_642 : memref<128x128xf32, #tpu.memory_space<vmem>>)
    %dma_wait3A_649 = arith.constant 3 : i32
    %dma_wait3A_650 = arith.constant 1 : i32
    %dma_wait3A_651 = arith.constant 0 : i32
    %dma_wait3A_652 = arith.constant 0 : i32
    %dma_wait3A_653 = tpu.memref_slice %arg16[%dma_wait3A_650, %dma_wait3A_651, %dma_wait3A_652] : memref<2x128x128xf32, #tpu.memory_space<vmem>> -> memref<1x128x128xf32, #tpu.memory_space<vmem>>
    %dma_wait3A_654 = tpu.memref_squeeze %dma_wait3A_653 : memref<1x128x128xf32, #tpu.memory_space<vmem>> -> memref<128x128xf32, #tpu.memory_space<vmem>>
    %dma_wait3A_655 = arith.constant 0 : i32
    %dma_wait3A_656 = tpu.memref_slice %arg13[%dma_wait3A_649, %dma_wait3A_655] : memref<4x128xi32, #tpu.memory_space<vmem>> -> memref<1x128xi32, #tpu.memory_space<vmem>>
    %dma_wait3A_657 = tpu.memref_squeeze %dma_wait3A_656 : memref<1x128xi32, #tpu.memory_space<vmem>> -> memref<128xi32, #tpu.memory_space<vmem>>
    %dma_wait3A_658 = arith.constant 0 : i32
    %dma_wait3A_659 = arith.constant 0 : i32
    %dma_wait3A_660 = tpu.memref_slice %arg9[%dma_wait3A_658, %dma_wait3A_659] : memref<1000x128xf32, #tpu.memory_space<hbm>> -> memref<1000x128xf32, #tpu.memory_space<hbm>>
    tpu.wait_indirect_dma semaphore(%arg22 : memref<!tpu.dma_semaphore, #tpu.memory_space<semaphore_mem>>) src(%dma_wait3A_660 : memref<1000x128xf32, #tpu.memory_space<hbm>>) dst(%dma_wait3A_654 : memref<128x128xf32, #tpu.memory_space<vmem>>)
    %dma_wait3A_661 = arith.constant 3 : i32
    %dma_wait3A_662 = arith.constant 1 : i32
    %dma_wait3A_663 = arith.constant 0 : i32
    %dma_wait3A_664 = tpu.memref_slice %arg17[%dma_wait3A_662, %dma_wait3A_663] : memref<2x128xf32, #tpu.memory_space<vmem>> -> memref<1x128xf32, #tpu.memory_space<vmem>>
    %dma_wait3A_665 = tpu.memref_squeeze %dma_wait3A_664 : memref<1x128xf32, #tpu.memory_space<vmem>> -> memref<128xf32, #tpu.memory_space<vmem>>
    %dma_wait3A_666 = arith.constant 0 : i32
    %dma_wait3A_667 = tpu.memref_slice %arg11[%dma_wait3A_661, %dma_wait3A_666] : memref<4x128xi32, #tpu.memory_space<vmem>> -> memref<1x128xi32, #tpu.memory_space<vmem>>
    %dma_wait3A_668 = tpu.memref_squeeze %dma_wait3A_667 : memref<1x128xi32, #tpu.memory_space<vmem>> -> memref<128xi32, #tpu.memory_space<vmem>>
    %dma_wait3A_669 = arith.constant 0 : i32
    %dma_wait3A_670 = tpu.memref_slice %arg5[%dma_wait3A_669] : memref<100000xf32, #tpu.memory_space<hbm>> -> memref<100000xf32, #tpu.memory_space<hbm>>
    tpu.wait_indirect_dma semaphore(%arg22 : memref<!tpu.dma_semaphore, #tpu.memory_space<semaphore_mem>>) src(%dma_wait3A_670 : memref<100000xf32, #tpu.memory_space<hbm>>) dst(%dma_wait3A_665 : memref<128xf32, #tpu.memory_space<vmem>>)
    %dma_wait3A_671 = arith.constant 3 : i32
    %dma_wait3A_672 = arith.constant 1 : i32
    %dma_wait3A_673 = arith.constant 0 : i32
    %dma_wait3A_674 = tpu.memref_slice %arg18[%dma_wait3A_672, %dma_wait3A_673] : memref<2x128xf32, #tpu.memory_space<vmem>> -> memref<1x128xf32, #tpu.memory_space<vmem>>
    %dma_wait3A_675 = tpu.memref_squeeze %dma_wait3A_674 : memref<1x128xf32, #tpu.memory_space<vmem>> -> memref<128xf32, #tpu.memory_space<vmem>>
    %dma_wait3A_676 = arith.constant 0 : i32
    %dma_wait3A_677 = tpu.memref_slice %arg12[%dma_wait3A_671, %dma_wait3A_676] : memref<4x128xi32, #tpu.memory_space<vmem>> -> memref<1x128xi32, #tpu.memory_space<vmem>>
    %dma_wait3A_678 = tpu.memref_squeeze %dma_wait3A_677 : memref<1x128xi32, #tpu.memory_space<vmem>> -> memref<128xi32, #tpu.memory_space<vmem>>
    %dma_wait3A_679 = arith.constant 0 : i32
    %dma_wait3A_680 = tpu.memref_slice %arg6[%dma_wait3A_679] : memref<100000xf32, #tpu.memory_space<hbm>> -> memref<100000xf32, #tpu.memory_space<hbm>>
    tpu.wait_indirect_dma semaphore(%arg22 : memref<!tpu.dma_semaphore, #tpu.memory_space<semaphore_mem>>) src(%dma_wait3A_680 : memref<100000xf32, #tpu.memory_space<hbm>>) dst(%dma_wait3A_675 : memref<128xf32, #tpu.memory_space<vmem>>)
    %parallel_loop3A_681 = arith.constant 0 : i32
    %parallel_loop3A_682 = arith.constant 8 : i32
    %parallel_loop3A_683 = arith.constant 1 : i32
    scf.for %parallel_loop3A_684 = %parallel_loop3A_681 to %parallel_loop3A_682 step %parallel_loop3A_683  : i32 {
      %parallel_loop3A_685 = arith.constant 16 : i32
      %parallel_loop3A_686 = arith.muli %parallel_loop3A_684, %parallel_loop3A_685 : i32
      %parallel_loop3A_687 = arith.constant 1 : i32
      %parallel_loop3A_688 = arith.index_cast %parallel_loop3A_687 : i32 to index
      %parallel_loop3A_689 = arith.index_cast %parallel_loop3A_686 : i32 to index
      %parallel_loop3A_690 = tpu.vector_load %arg17[%parallel_loop3A_688, %parallel_loop3A_689] {strides = array<i32>} : memref<2x128xf32, #tpu.memory_space<vmem>>, vector<16xf32>,
      %parallel_loop3A_691 = arith.constant 1 : i32
      %parallel_loop3A_692 = arith.index_cast %parallel_loop3A_691 : i32 to index
      %parallel_loop3A_693 = arith.index_cast %parallel_loop3A_686 : i32 to index
      %parallel_loop3A_694 = tpu.vector_load %arg18[%parallel_loop3A_692, %parallel_loop3A_693] {strides = array<i32>} : memref<2x128xf32, #tpu.memory_space<vmem>>, vector<16xf32>,
      %parallel_loop3A_695 = arith.addf %parallel_loop3A_690, %parallel_loop3A_694 : vector<16xf32>
      %parallel_loop3A_696 = tpu.iota {dimensions = array<i32: 0>} : vector<16xi32>
      %parallel_loop3A_697 = arith.constant 0 : i32
      %parallel_loop3A_698 = arith.constant 16 : i32
      %parallel_loop3A_699 = arith.constant 1 : i32
      %parallel_loop3A_700 = scf.for %parallel_loop3A_705 = %parallel_loop3A_697 to %parallel_loop3A_698 step %parallel_loop3A_699 iter_args(%parallel_loop3A_706 = %parallel_loop3A_695) -> (vector<16xf32>)  : i32 {
        %parallel_loop3A_707 = arith.addi %parallel_loop3A_686, %parallel_loop3A_705 : i32
        %parallel_loop3A_708 = arith.constant 1 : i32
        %parallel_loop3A_709 = arith.index_cast %parallel_loop3A_708 : i32 to index
        %parallel_loop3A_710 = arith.index_cast %parallel_loop3A_707 : i32 to index
        %parallel_loop3A_711 = arith.constant 0 : index
        %parallel_loop3A_712 = tpu.vector_load %arg14[%parallel_loop3A_709, %parallel_loop3A_710, %parallel_loop3A_711] {strides = array<i32>} : memref<2x128x128xf32, #tpu.memory_space<vmem>>, vector<16xf32>,
        %parallel_loop3A_713 = arith.constant 1 : i32
        %parallel_loop3A_714 = arith.index_cast %parallel_loop3A_713 : i32 to index
        %parallel_loop3A_715 = arith.index_cast %parallel_loop3A_707 : i32 to index
        %parallel_loop3A_716 = arith.constant 0 : index
        %parallel_loop3A_717 = tpu.vector_load %arg15[%parallel_loop3A_714, %parallel_loop3A_715, %parallel_loop3A_716] {strides = array<i32>} : memref<2x128x128xf32, #tpu.memory_space<vmem>>, vector<16xf32>,
        %parallel_loop3A_718 = arith.constant 1 : i32
        %parallel_loop3A_719 = arith.index_cast %parallel_loop3A_718 : i32 to index
        %parallel_loop3A_720 = arith.index_cast %parallel_loop3A_707 : i32 to index
        %parallel_loop3A_721 = arith.constant 0 : index
        %parallel_loop3A_722 = tpu.vector_load %arg16[%parallel_loop3A_719, %parallel_loop3A_720, %parallel_loop3A_721] {strides = array<i32>} : memref<2x128x128xf32, #tpu.memory_space<vmem>>, vector<16xf32>,
        %parallel_loop3A_723 = arith.addf %parallel_loop3A_717, %parallel_loop3A_722 : vector<16xf32>
        %parallel_loop3A_724 = arith.mulf %parallel_loop3A_712, %parallel_loop3A_723 : vector<16xf32>
        %parallel_loop3A_725 = arith.constant 1 : i32
        %parallel_loop3A_726 = arith.index_cast %parallel_loop3A_725 : i32 to index
        %parallel_loop3A_727 = arith.index_cast %parallel_loop3A_707 : i32 to index
        %parallel_loop3A_728 = arith.constant 16 : index
        %parallel_loop3A_729 = tpu.vector_load %arg14[%parallel_loop3A_726, %parallel_loop3A_727, %parallel_loop3A_728] {strides = array<i32>} : memref<2x128x128xf32, #tpu.memory_space<vmem>>, vector<16xf32>,
        %parallel_loop3A_730 = arith.constant 1 : i32
        %parallel_loop3A_731 = arith.index_cast %parallel_loop3A_730 : i32 to index
        %parallel_loop3A_732 = arith.index_cast %parallel_loop3A_707 : i32 to index
        %parallel_loop3A_733 = arith.constant 16 : index
        %parallel_loop3A_734 = tpu.vector_load %arg15[%parallel_loop3A_731, %parallel_loop3A_732, %parallel_loop3A_733] {strides = array<i32>} : memref<2x128x128xf32, #tpu.memory_space<vmem>>, vector<16xf32>,
        %parallel_loop3A_735 = arith.constant 1 : i32
        %parallel_loop3A_736 = arith.index_cast %parallel_loop3A_735 : i32 to index
        %parallel_loop3A_737 = arith.index_cast %parallel_loop3A_707 : i32 to index
        %parallel_loop3A_738 = arith.constant 16 : index
        %parallel_loop3A_739 = tpu.vector_load %arg16[%parallel_loop3A_736, %parallel_loop3A_737, %parallel_loop3A_738] {strides = array<i32>} : memref<2x128x128xf32, #tpu.memory_space<vmem>>, vector<16xf32>,
        %parallel_loop3A_740 = arith.addf %parallel_loop3A_734, %parallel_loop3A_739 : vector<16xf32>
        %parallel_loop3A_741 = arith.mulf %parallel_loop3A_729, %parallel_loop3A_740 : vector<16xf32>
        %parallel_loop3A_742 = arith.constant 1 : i32
        %parallel_loop3A_743 = arith.index_cast %parallel_loop3A_742 : i32 to index
        %parallel_loop3A_744 = arith.index_cast %parallel_loop3A_707 : i32 to index
        %parallel_loop3A_745 = arith.constant 32 : index
        %parallel_loop3A_746 = tpu.vector_load %arg14[%parallel_loop3A_743, %parallel_loop3A_744, %parallel_loop3A_745] {strides = array<i32>} : memref<2x128x128xf32, #tpu.memory_space<vmem>>, vector<16xf32>,
        %parallel_loop3A_747 = arith.constant 1 : i32
        %parallel_loop3A_748 = arith.index_cast %parallel_loop3A_747 : i32 to index
        %parallel_loop3A_749 = arith.index_cast %parallel_loop3A_707 : i32 to index
        %parallel_loop3A_750 = arith.constant 32 : index
        %parallel_loop3A_751 = tpu.vector_load %arg15[%parallel_loop3A_748, %parallel_loop3A_749, %parallel_loop3A_750] {strides = array<i32>} : memref<2x128x128xf32, #tpu.memory_space<vmem>>, vector<16xf32>,
        %parallel_loop3A_752 = arith.constant 1 : i32
        %parallel_loop3A_753 = arith.index_cast %parallel_loop3A_752 : i32 to index
        %parallel_loop3A_754 = arith.index_cast %parallel_loop3A_707 : i32 to index
        %parallel_loop3A_755 = arith.constant 32 : index
        %parallel_loop3A_756 = tpu.vector_load %arg16[%parallel_loop3A_753, %parallel_loop3A_754, %parallel_loop3A_755] {strides = array<i32>} : memref<2x128x128xf32, #tpu.memory_space<vmem>>, vector<16xf32>,
        %parallel_loop3A_757 = arith.addf %parallel_loop3A_751, %parallel_loop3A_756 : vector<16xf32>
        %parallel_loop3A_758 = arith.mulf %parallel_loop3A_746, %parallel_loop3A_757 : vector<16xf32>
        %parallel_loop3A_759 = arith.constant 1 : i32
        %parallel_loop3A_760 = arith.index_cast %parallel_loop3A_759 : i32 to index
        %parallel_loop3A_761 = arith.index_cast %parallel_loop3A_707 : i32 to index
        %parallel_loop3A_762 = arith.constant 48 : index
        %parallel_loop3A_763 = tpu.vector_load %arg14[%parallel_loop3A_760, %parallel_loop3A_761, %parallel_loop3A_762] {strides = array<i32>} : memref<2x128x128xf32, #tpu.memory_space<vmem>>, vector<16xf32>,
        %parallel_loop3A_764 = arith.constant 1 : i32
        %parallel_loop3A_765 = arith.index_cast %parallel_loop3A_764 : i32 to index
        %parallel_loop3A_766 = arith.index_cast %parallel_loop3A_707 : i32 to index
        %parallel_loop3A_767 = arith.constant 48 : index
        %parallel_loop3A_768 = tpu.vector_load %arg15[%parallel_loop3A_765, %parallel_loop3A_766, %parallel_loop3A_767] {strides = array<i32>} : memref<2x128x128xf32, #tpu.memory_space<vmem>>, vector<16xf32>,
        %parallel_loop3A_769 = arith.constant 1 : i32
        %parallel_loop3A_770 = arith.index_cast %parallel_loop3A_769 : i32 to index
        %parallel_loop3A_771 = arith.index_cast %parallel_loop3A_707 : i32 to index
        %parallel_loop3A_772 = arith.constant 48 : index
        %parallel_loop3A_773 = tpu.vector_load %arg16[%parallel_loop3A_770, %parallel_loop3A_771, %parallel_loop3A_772] {strides = array<i32>} : memref<2x128x128xf32, #tpu.memory_space<vmem>>, vector<16xf32>,
        %parallel_loop3A_774 = arith.addf %parallel_loop3A_768, %parallel_loop3A_773 : vector<16xf32>
        %parallel_loop3A_775 = arith.mulf %parallel_loop3A_763, %parallel_loop3A_774 : vector<16xf32>
        %parallel_loop3A_776 = arith.constant 1 : i32
        %parallel_loop3A_777 = arith.index_cast %parallel_loop3A_776 : i32 to index
        %parallel_loop3A_778 = arith.index_cast %parallel_loop3A_707 : i32 to index
        %parallel_loop3A_779 = arith.constant 64 : index
        %parallel_loop3A_780 = tpu.vector_load %arg14[%parallel_loop3A_777, %parallel_loop3A_778, %parallel_loop3A_779] {strides = array<i32>} : memref<2x128x128xf32, #tpu.memory_space<vmem>>, vector<16xf32>,
        %parallel_loop3A_781 = arith.constant 1 : i32
        %parallel_loop3A_782 = arith.index_cast %parallel_loop3A_781 : i32 to index
        %parallel_loop3A_783 = arith.index_cast %parallel_loop3A_707 : i32 to index
        %parallel_loop3A_784 = arith.constant 64 : index
        %parallel_loop3A_785 = tpu.vector_load %arg15[%parallel_loop3A_782, %parallel_loop3A_783, %parallel_loop3A_784] {strides = array<i32>} : memref<2x128x128xf32, #tpu.memory_space<vmem>>, vector<16xf32>,
        %parallel_loop3A_786 = arith.constant 1 : i32
        %parallel_loop3A_787 = arith.index_cast %parallel_loop3A_786 : i32 to index
        %parallel_loop3A_788 = arith.index_cast %parallel_loop3A_707 : i32 to index
        %parallel_loop3A_789 = arith.constant 64 : index
        %parallel_loop3A_790 = tpu.vector_load %arg16[%parallel_loop3A_787, %parallel_loop3A_788, %parallel_loop3A_789] {strides = array<i32>} : memref<2x128x128xf32, #tpu.memory_space<vmem>>, vector<16xf32>,
        %parallel_loop3A_791 = arith.addf %parallel_loop3A_785, %parallel_loop3A_790 : vector<16xf32>
        %parallel_loop3A_792 = arith.mulf %parallel_loop3A_780, %parallel_loop3A_791 : vector<16xf32>
        %parallel_loop3A_793 = arith.constant 1 : i32
        %parallel_loop3A_794 = arith.index_cast %parallel_loop3A_793 : i32 to index
        %parallel_loop3A_795 = arith.index_cast %parallel_loop3A_707 : i32 to index
        %parallel_loop3A_796 = arith.constant 80 : index
        %parallel_loop3A_797 = tpu.vector_load %arg14[%parallel_loop3A_794, %parallel_loop3A_795, %parallel_loop3A_796] {strides = array<i32>} : memref<2x128x128xf32, #tpu.memory_space<vmem>>, vector<16xf32>,
        %parallel_loop3A_798 = arith.constant 1 : i32
        %parallel_loop3A_799 = arith.index_cast %parallel_loop3A_798 : i32 to index
        %parallel_loop3A_800 = arith.index_cast %parallel_loop3A_707 : i32 to index
        %parallel_loop3A_801 = arith.constant 80 : index
        %parallel_loop3A_802 = tpu.vector_load %arg15[%parallel_loop3A_799, %parallel_loop3A_800, %parallel_loop3A_801] {strides = array<i32>} : memref<2x128x128xf32, #tpu.memory_space<vmem>>, vector<16xf32>,
        %parallel_loop3A_803 = arith.constant 1 : i32
        %parallel_loop3A_804 = arith.index_cast %parallel_loop3A_803 : i32 to index
        %parallel_loop3A_805 = arith.index_cast %parallel_loop3A_707 : i32 to index
        %parallel_loop3A_806 = arith.constant 80 : index
        %parallel_loop3A_807 = tpu.vector_load %arg16[%parallel_loop3A_804, %parallel_loop3A_805, %parallel_loop3A_806] {strides = array<i32>} : memref<2x128x128xf32, #tpu.memory_space<vmem>>, vector<16xf32>,
        %parallel_loop3A_808 = arith.addf %parallel_loop3A_802, %parallel_loop3A_807 : vector<16xf32>
        %parallel_loop3A_809 = arith.mulf %parallel_loop3A_797, %parallel_loop3A_808 : vector<16xf32>
        %parallel_loop3A_810 = arith.constant 1 : i32
        %parallel_loop3A_811 = arith.index_cast %parallel_loop3A_810 : i32 to index
        %parallel_loop3A_812 = arith.index_cast %parallel_loop3A_707 : i32 to index
        %parallel_loop3A_813 = arith.constant 96 : index
        %parallel_loop3A_814 = tpu.vector_load %arg14[%parallel_loop3A_811, %parallel_loop3A_812, %parallel_loop3A_813] {strides = array<i32>} : memref<2x128x128xf32, #tpu.memory_space<vmem>>, vector<16xf32>,
        %parallel_loop3A_815 = arith.constant 1 : i32
        %parallel_loop3A_816 = arith.index_cast %parallel_loop3A_815 : i32 to index
        %parallel_loop3A_817 = arith.index_cast %parallel_loop3A_707 : i32 to index
        %parallel_loop3A_818 = arith.constant 96 : index
        %parallel_loop3A_819 = tpu.vector_load %arg15[%parallel_loop3A_816, %parallel_loop3A_817, %parallel_loop3A_818] {strides = array<i32>} : memref<2x128x128xf32, #tpu.memory_space<vmem>>, vector<16xf32>,
        %parallel_loop3A_820 = arith.constant 1 : i32
        %parallel_loop3A_821 = arith.index_cast %parallel_loop3A_820 : i32 to index
        %parallel_loop3A_822 = arith.index_cast %parallel_loop3A_707 : i32 to index
        %parallel_loop3A_823 = arith.constant 96 : index
        %parallel_loop3A_824 = tpu.vector_load %arg16[%parallel_loop3A_821, %parallel_loop3A_822, %parallel_loop3A_823] {strides = array<i32>} : memref<2x128x128xf32, #tpu.memory_space<vmem>>, vector<16xf32>,
        %parallel_loop3A_825 = arith.addf %parallel_loop3A_819, %parallel_loop3A_824 : vector<16xf32>
        %parallel_loop3A_826 = arith.mulf %parallel_loop3A_814, %parallel_loop3A_825 : vector<16xf32>
        %parallel_loop3A_827 = arith.constant 1 : i32
        %parallel_loop3A_828 = arith.index_cast %parallel_loop3A_827 : i32 to index
        %parallel_loop3A_829 = arith.index_cast %parallel_loop3A_707 : i32 to index
        %parallel_loop3A_830 = arith.constant 112 : index
        %parallel_loop3A_831 = tpu.vector_load %arg14[%parallel_loop3A_828, %parallel_loop3A_829, %parallel_loop3A_830] {strides = array<i32>} : memref<2x128x128xf32, #tpu.memory_space<vmem>>, vector<16xf32>,
        %parallel_loop3A_832 = arith.constant 1 : i32
        %parallel_loop3A_833 = arith.index_cast %parallel_loop3A_832 : i32 to index
        %parallel_loop3A_834 = arith.index_cast %parallel_loop3A_707 : i32 to index
        %parallel_loop3A_835 = arith.constant 112 : index
        %parallel_loop3A_836 = tpu.vector_load %arg15[%parallel_loop3A_833, %parallel_loop3A_834, %parallel_loop3A_835] {strides = array<i32>} : memref<2x128x128xf32, #tpu.memory_space<vmem>>, vector<16xf32>,
        %parallel_loop3A_837 = arith.constant 1 : i32
        %parallel_loop3A_838 = arith.index_cast %parallel_loop3A_837 : i32 to index
        %parallel_loop3A_839 = arith.index_cast %parallel_loop3A_707 : i32 to index
        %parallel_loop3A_840 = arith.constant 112 : index
        %parallel_loop3A_841 = tpu.vector_load %arg16[%parallel_loop3A_838, %parallel_loop3A_839, %parallel_loop3A_840] {strides = array<i32>} : memref<2x128x128xf32, #tpu.memory_space<vmem>>, vector<16xf32>,
        %parallel_loop3A_842 = arith.addf %parallel_loop3A_836, %parallel_loop3A_841 : vector<16xf32>
        %parallel_loop3A_843 = arith.mulf %parallel_loop3A_831, %parallel_loop3A_842 : vector<16xf32>
        %parallel_loop3A_844 = arith.addf %parallel_loop3A_724, %parallel_loop3A_741 : vector<16xf32>
        %parallel_loop3A_845 = arith.addf %parallel_loop3A_758, %parallel_loop3A_775 : vector<16xf32>
        %parallel_loop3A_846 = arith.addf %parallel_loop3A_792, %parallel_loop3A_809 : vector<16xf32>
        %parallel_loop3A_847 = arith.addf %parallel_loop3A_826, %parallel_loop3A_843 : vector<16xf32>
        %parallel_loop3A_848 = arith.addf %parallel_loop3A_844, %parallel_loop3A_845 : vector<16xf32>
        %parallel_loop3A_849 = arith.addf %parallel_loop3A_846, %parallel_loop3A_847 : vector<16xf32>
        %parallel_loop3A_850 = arith.addf %parallel_loop3A_848, %parallel_loop3A_849 : vector<16xf32>
        %parallel_loop3A_851 = arith.constant true
        %parallel_loop3A_852 = vector.broadcast %parallel_loop3A_851 : i1 to vector<16xi1>
        %parallel_loop3A_853 = tpu.scan <sum>, %parallel_loop3A_850 masked %parallel_loop3A_852 : vector<16xf32>, vector<16xi1> -> vector<16xf32>
        %parallel_loop3A_854 = vector.extract %parallel_loop3A_853[15] : f32 from vector<16xf32>
        %parallel_loop3A_855 = vector.broadcast %parallel_loop3A_705 : i32 to vector<16xi32>
        %parallel_loop3A_856 = arith.cmpi eq, %parallel_loop3A_696, %parallel_loop3A_855 : vector<16xi32>
        %parallel_loop3A_857 = arith.extui %parallel_loop3A_856 : vector<16xi1> to vector<16xi32>
        %parallel_loop3A_858 = arith.sitofp %parallel_loop3A_857 : vector<16xi32> to vector<16xf32>
        %parallel_loop3A_859 = vector.broadcast %parallel_loop3A_854 : f32 to vector<16xf32>
        %parallel_loop3A_860 = arith.mulf %parallel_loop3A_859, %parallel_loop3A_858 : vector<16xf32>
        %parallel_loop3A_861 = arith.addf %parallel_loop3A_706, %parallel_loop3A_860 : vector<16xf32>
        scf.yield %parallel_loop3A_861 : vector<16xf32>
      } {sc.loop_unroll_factor = 2 : i64, sc.parallel_access}
      %parallel_loop3A_701 = arith.constant 384 : i32
      %parallel_loop3A_702 = arith.addi %parallel_loop3A_701, %parallel_loop3A_686 : i32
      %parallel_loop3A_703 = arith.index_cast %parallel_loop3A_702 : i32 to index
      %parallel_loop3A_704 = tpu.vector_load %arg19[%parallel_loop3A_703] {strides = array<i32>} : memref<512xf32, #tpu.memory_space<vmem>>, vector<16xf32>,
      tpu.vector_store %arg19[%parallel_loop3A_703], %parallel_loop3A_700 {strides = array<i32>} : memref<512xf32, #tpu.memory_space<vmem>>, vector<16xf32>,
    } {sc.loop_unroll_factor = 1 : i64, sc.parallel_access}
    "tpu.region"() ({
      %run_scoped3A = tpu.sem_alloc : memref<!tpu.dma_semaphore, #tpu.memory_space<semaphore_mem>>
      %dma_start3A_684 = tpu.memref_slice %arg10[%mul3A_2] : memref<16384xf32, #tpu.memory_space<hbm>> -> memref<512xf32, #tpu.memory_space<hbm>>
      %dma_start3A_685 = tpu.memref_slice %arg10[%mul3A_2] : memref<16384xf32, #tpu.memory_space<hbm>> -> memref<512xf32, #tpu.memory_space<hbm>>
      tpu.enqueue_dma source(%arg19 : memref<512xf32, #tpu.memory_space<vmem>>) target(%dma_start3A_685 : memref<512xf32, #tpu.memory_space<hbm>>) target_semaphore(%run_scoped3A : memref<!tpu.dma_semaphore, #tpu.memory_space<semaphore_mem>>)
      %dma_wait3A_686 = tpu.memref_slice %arg10[%mul3A_2] : memref<16384xf32, #tpu.memory_space<hbm>> -> memref<512xf32, #tpu.memory_space<hbm>>
      %dma_wait3A_687 = tpu.memref_slice %arg10[%mul3A_2] : memref<16384xf32, #tpu.memory_space<hbm>> -> memref<512xf32, #tpu.memory_space<hbm>>
      tpu.wait_dma2 semaphore(%run_scoped3A : memref<!tpu.dma_semaphore, #tpu.memory_space<semaphore_mem>>) src(%arg19 : memref<512xf32, #tpu.memory_space<vmem>>) dst(%dma_wait3A_687 : memref<512xf32, #tpu.memory_space<hbm>>)
      tpu.yield
    }) : () -> ()
    return
  }
}

</mosaic_0001>

<sc_bundles>
// kernel: _run.3.cloned.1.call-start
scs
__scs_entry_jumppad:
0x0: {  	(pc) =	sbr.rel $0x88, $3  }
0x1: {  	(tag) =	ssettag $0x0;
	lr =	simm.s32 $0x1  }
0x2: {  	[smem:$0x3F99] =	sst lr;
	_ =	strace $0xD0000000  }
0x3: {  	_ = 	snop  }
0x4: {  	_ = 	snop  }
0x5: {  	_ = 	snop  }
0x6: {  	_ = 	snop  }
0x7: {  	_ = 	snop  }
__scs_overlays_trampoline_lowered:
0x8: {  	[smem:$0x3FA8] =	sst s0  }
0x9: {  	[smem:$0x3FA9] =	sst s1  }
0xa: {  	[smem:$0x3FAA] =	sst s2  }
0xb: {  	[smem:$0x3FAB] =	sst s3  }
0xc: {  	[smem:$0x3FAC] =	sst s4  }
0xd: {  	[smem:$0x3FAD] =	sst s5  }
0xe: {  	[smem:$0x3FAE] =	sst s6  }
0xf: {  	[smem:$0x3FAF] =	sst s7  }
0x10: {  	[smem:$0x3FB0] =	sst s8  }
0x11: {  	[smem:$0x3FB1] =	sst s9;
	s0 =	simm.s32 @!p0 $0x0  }
0x12: {  	s1 =	sld [smem:$0x3F97];
	s0 =	simm.s32 @p0 $0x1  }
0x13: {  	[smem:$0x3FB2] =	sst s0;
	s0 =	simm.s32 @!p1 $0x0  }
0x14: {  	s2 =	sld [smem:$0x3F96];
	s0 =	simm.s32 @p1 $0x1  }
0x15: {  	[smem:$0x3FB3] =	sst s0;
	s0 =	simm.s32 @!p2 $0x0  }
0x16: {  	s3 =	sld [smem:$0x3FDB];
	s0 =	simm.s32 @p2 $0x1  }
0x17: {  	s4 =	simm.s32 $0x1BF5;
	[smem:$0x3FB5] =	sst s0  }
0x18: {  	s0 =	sld [smem:$0x3F98];
	_ =	swait.ge [sflag:s4], $0x0  }
0x19: {  	s7 =	sld [smem:$0x3F99]  }
0x1a: {  	s8 =	sadd.s32 $0xFFFFE003, lr  }
0x1b: {  	s9 =	sadd.s32 $0xFFFFFEF7, lr;
	s5 =	simm.s32 $0xFFFFFFFF;
	p2 =	slt.u32 s8, $0xFFFFF086  }
0x1c: {  	p1 =	slt.u32 s9, $0xF7A;
	s5 =	simm.s32 @!p2 $0x0  }
0x1d: {  	s5 =	simm.s32 @p1 $0x1;
	p0 =	seq.s32 s7, s2  }
0x1e: {  	s7 =	smul.u32 @!p0 $0xF7A, s2;
	p2 =	seq.s32 @!p0 s5, $0x0  }
0x1f: {  	s9 =	smul.u32 $0xF7A, s1;
	s8 =	simm.s32 @!p0 $0x1BF5;
	p2 =	por !p2, p0  }
0x20: {  	[sflag:s8] =	ssyncset.s32 @!p0 $0xFFFFF086;
	s6 =	sadd.s32 @!p0 s3, s7;
	s7 =	simm.s32 @!p0 $0x108  }
0x21: {  	s3 =	sadd.s32 s3, s9;
	s6 =	sadd.s32 @!p0 $0x88, s6;
	s7 =	simm.s32 @p2 $0x1082  }
0x22: {  	[simem:s7], [sflag:s8] =	dma.local @!p0 [hbm:s6], $0xF7A  }
0x23: {  	s9 =	sor.u32 $0xD0000000, s2;
	s6 =	simm.s32 $0x108;
	_ =	swait.ge @!p0 [sflag:s8], $0x0  }
0x24: {  	s3 =	sadd.s32 $0x88, s3;
	s6 =	simm.s32 @!p1 $0x1082;
	[sflag:s4] =	ssyncset.s32 $0xFFFFF086  }
0x25: {  	[simem:s6], [sflag:s4] =	dma.local [hbm:s3], $0xF7A  }
0x26: {  	[smem:$0x3F99] =	sst s1;
	(tag) =	ssettag s2;
	_ =	strace s9  }
0x27: {  	s1 =	sld [smem:$0x3FA9]  }
0x28: {  	s2 =	sld [smem:$0x3FAA]  }
0x29: {  	s4 =	sld [smem:$0x3FAC]  }
0x2a: {  	p0 =	seq.s32 s5, $0x0;
	s5 =	sld [smem:$0x3FAD]  }
0x2b: {  	s6 =	sld [smem:$0x3FAE]  }
0x2c: {  	s7 =	sld [smem:$0x3FAF]  }
0x2d: {  	s3 =	simm.s32 $0x108;
	s8 =	sld [smem:$0x3FB0]  }
0x2e: {  	s3 =	simm.s32 @!p0 $0x1082;
	s9 =	sld [smem:$0x3FB1]  }
0x2f: {  	lr =	sadd.s32 s0, s3;
	s0 =	sld [smem:$0x3FA8]  }
0x30: {  	s3 =	sld [smem:$0x3FAB]  }
0x31: {  	[smem:$0x3FB4] =	sst s10  }
0x32: {  	s10 =	sld [smem:$0x3FB2];
	_ =	sdelay $0x3  }
0x33: {  	p0 =	seq.s32 s10, $0x1;
	s10 =	sld [smem:$0x3FB4];
	_ =	sdelay $0x3  }
0x34: {  	[smem:$0x3FB4] =	sst s10  }
0x35: {  	s10 =	sld [smem:$0x3FB3];
	_ =	sdelay $0x3  }
0x36: {  	p1 =	seq.s32 s10, $0x1;
	s10 =	sld [smem:$0x3FB4];
	_ =	sdelay $0x3  }
0x37: {  	[smem:$0x3FB4] =	sst s10  }
0x38: {  	s10 =	sld [smem:$0x3FB5]  }
0x39: {  	_ = 	snop;
	(pc) =	sbr.ind lr, $3  }
0x3a: {  	_ = 	snop  }
0x3b: {  	_ = 	snop  }
0x3c: {  	p2 =	seq.s32 s10, $0x1;
	s10 =	sld [smem:$0x3FB4]  }
0x3d: {  	_ =	shalt  }
0x3e: {  	_ =	shalt  }
0x3f: {  	_ =	shalt  }
0x40: {  	_ =	shalt  }
0x41: {  	_ =	shalt  }
0x42: {  	_ =	shalt  }
0x43: {  	_ =	shalt  }
0x44: {  	_ =	shalt  }
0x45: {  	_ =	shalt  }
0x46: {  	_ =	shalt  }
0x47: {  	_ =	shalt  }
0x48: {  	_ =	shalt  }
0x49: {  	_ =	shalt  }
0x4a: {  	_ =	shalt  }
0x4b: {  	_ =	shalt  }
0x4c: {  	_ =	shalt  }
0x4d: {  	_ =	shalt  }
0x4e: {  	_ =	shalt  }
0x4f: {  	_ =	shalt  }
0x50: {  	_ =	shalt  }
0x51: {  	_ =	shalt  }
0x52: {  	_ =	shalt  }
0x53: {  	_ =	shalt  }
0x54: {  	_ =	shalt  }
0x55: {  	_ =	shalt  }
0x56: {  	_ =	shalt  }
0x57: {  	_ =	shalt  }
0x58: {  	_ =	shalt  }
0x59: {  	_ =	shalt  }
0x5a: {  	_ =	shalt  }
0x5b: {  	_ =	shalt  }
0x5c: {  	_ =	shalt  }
0x5d: {  	_ =	shalt  }
0x5e: {  	_ =	shalt  }
0x5f: {  	_ =	shalt  }
0x60: {  	_ =	shalt  }
0x61: {  	_ =	shalt  }
0x62: {  	_ =	shalt  }
0x63: {  	_ =	shalt  }
0x64: {  	_ =	shalt  }
0x65: {  	_ =	shalt  }
0x66: {  	_ =	shalt  }
0x67: {  	_ =	shalt  }
0x68: {  	_ =	shalt  }
0x69: {  	_ =	shalt  }
0x6a: {  	_ =	shalt  }
0x6b: {  	_ =	shalt  }
0x6c: {  	_ =	shalt  }
0x6d: {  	_ =	shalt  }
0x6e: {  	_ =	shalt  }
0x6f: {  	_ =	shalt  }
0x70: {  	_ =	shalt  }
0x71: {  	_ =	shalt  }
0x72: {  	_ =	shalt  }
0x73: {  	_ =	shalt  }
0x74: {  	_ =	shalt  }
0x75: {  	_ =	shalt  }
0x76: {  	_ =	shalt  }
0x77: {  	_ =	shalt  }
0x78: {  	_ =	shalt  }
0x79: {  	_ =	shalt  }
0x7a: {  	_ =	shalt  }
0x7b: {  	_ =	shalt  }
0x7c: {  	_ =	shalt  }
0x7d: {  	_ =	shalt  }
0x7e: {  	_ =	shalt  }
0x7f: {  	_ =	shalt  }
0x80: {  	_ =	shalt  }
0x81: {  	_ =	shalt  }
0x82: {  	_ =	shalt  }
0x83: {  	_ =	shalt  }
0x84: {  	_ =	shalt  }
0x85: {  	_ =	shalt  }
0x86: {  	_ =	shalt  }
0x87: {  	_ =	shalt  }
.Lfunc_end0:
.L_simem_size_0:
called_computation_lowered:
.L_overlay_start_0:
0x88: {  	s2 =	sld [smem:$0x3FD9]  }
0x89: {  	s3 =	sld [smem:$0x3FFE];
	_ =	sdelay $0x1  }
0x8a: {  	s1 =	srdreg.scid  }
0x8b: {  	s0 =	sand.u32 $0x1, s1  }
0x8c: {  	s18 =	sshll.u32 s0, $0xA;
	s2 =	sadd.s32 s3, s2  }
0x8d: {  	s2 =	sadd.s32 s2, s18  }
0x8e: {  	[smem:$0x3FC0] =	sst s2  }
0x8f: {  	_ = 	snop  }
0x90: {  	s2 =	sld [smem:$0x3FC9]  }
0x91: {  	s19 =	sld [smem:$0x3FC8]  }
0x92: {  	s4 =	sld [smem:$0x3FC7]  }
0x93: {  	s5 =	sld [smem:$0x3FC6]  }
0x94: {  	s6 =	sld [smem:$0x3FC5]  }
0x95: {  	s7 =	sld [smem:$0x3FC4]  }
0x96: {  	s8 =	sld [smem:$0x3FC3]  }
0x97: {  	s9 =	sld [smem:$0x3FC2]  }
0x98: {  	s10 =	sld [smem:$0x3FD0];
	(tm) =	ssettm $0x1  }
0x99: {  	s11 =	sld [smem:$0x3FFB];
	_ =	sdelay $0x3  }
0x9a: {  	_ =	strace s11  }
0x9b: {  	s11 =	sld [smem:$0x3FFC];
	_ =	sdelay $0x3  }
0x9c: {  	_ =	strace s11  }
0x9d: {  	s11 =	sld [smem:$0x3FFD];
	_ =	sdelay $0x3  }
0x9e: {  	_ =	strace s11  }
0x9f: {  	_ =	strace $0x8FFFFFFF  }
0xa0: {  	s20 =	sld [smem:$0x3FDB];
	_ =	sdelay $0x1  }
0xa1: {  	s12 =	simm.s32 $_scs_section_size  }
0xa2: {  	s13 =	simm.s32 $_size__tile_overlayer_lowered;
	s14 =	simm.s32 $_tile_overlayer_lowered  }
0xa3: {  	s23 =	simm.s32 $0x1BFF;
	s22 =	sshll.u32 s14, $0x1;
	s11 =	sadd.s32 s12, s20  }
0xa4: {  	s15 =	simm.s32 $0x0;
	s21 =	sshll.u32 s13, $0x1;
	s13 =	sadd.s32 s22, s11  }
0xa5: {  	[timem:s15], [sflag:s23] =	dma.local [hbm:s13], s21  }
0xa6: {  	_ =	swait.ge [sflag:s23], s21  }
0xa7: {  	s12 =	ssub.s32 $0x0, s21;
	[sflag:s23] =	ssyncset.done $0x0  }
0xa8: {  	[sflag:s23] =	ssyncadd.s32 s12;
	_ =	sdelay $0x1  }
0xa9: {  	s24 =	simm.s32 $0x1B8B  }
0xaa: {  	_ =	swait.ge [sflag:s24], $0x1  }
0xab: {  	[sflag:s24] =	ssyncset.done $0x0  }
0xac: {  	s25 =	simm.s32 $0x1B8E;
	[sflag:s24] =	ssyncadd.s32 $0xFFFFFFFF  }
0xad: {  	s26 =	simm.s32 $execute0_lowered;
	[smem:$0x3FD2] =	sst s25  }
0xae: {  	s12 =	sshll.u32 s26, $0x1;
	_ =	strace $0x80000046;
	[dreg:$0x1] =	wrdreg $0xFFFFFFFF  }
0xaf: {  	s28 =	simm.s32 $_size_execute0_lowered;
	s11 =	sadd.s32 s11, s12;
	[dreg:$0x0] =	wrdreg $0x0  }
0xb0: {  	s12 =	sshll.u32 s28, $0x1;
	[dreg:$0x2] =	wrdreg s11  }
0xb1: {  	[dreg:$0x3] =	wrdreg s12  }
0xb2: {  	[dreg:$0x4] =	wrdreg $0xC0  }
0xb3: {  	_ =	task [dreg:s15], $0x5FFFF  }
0xb4: {  	[dreg:$0x1] =	wrdreg $0xFFFFFFFF  }
0xb5: {  	[dreg:$0x0] =	wrdreg $0x60  }
0xb6: {  	[dreg:$0x2] =	wrdreg s2  }
0xb7: {  	[dreg:$0x3] =	wrdreg s19  }
0xb8: {  	[dreg:$0x4] =	wrdreg s4  }
0xb9: {  	[dreg:$0x5] =	wrdreg s5  }
0xba: {  	[dreg:$0x6] =	wrdreg s6  }
0xbb: {  	[dreg:$0x7] =	wrdreg s7  }
0xbc: {  	[dreg:$0x8] =	wrdreg s8  }
0xbd: {  	[dreg:$0x9] =	wrdreg s9  }
0xbe: {  	[dreg:$0xa] =	wrdreg s10  }
0xbf: {  	[dreg:$0xb] =	wrdreg $0x9  }
0xc0: {  	_ =	task.clear_ibuf [dreg:s15], $0xCFFFF;
	_ =	strace $0x90000046  }
0xc1: {  	s29 =	simm.s32 $0x9;
	_ =	strace $0x80000048  }
0xc2: {  	_ =	swait.ge [sflag:s29], $0x1  }
0xc3: {  	[sflag:s29] =	ssyncadd.s32 $0xFFFFFFFF  }
0xc4: {  	_ =	strace $0x90000048  }
0xc5: {  	_ =	sfence  }
0xc6: {  	s30 =	sld [smem:$0x0];
	_ =	sdelay $0x2  }
0xc7: {  	s31 =	sshll.u32 s1, $0xD;
	s1 =	sshrl.u32 s1, $0x2  }
0xc8: {  	s3 =	sand.u32 $0x4000, s31;
	s1 =	sadd.s32 s1, s30  }
0xc9: {  	s0 =	sor.u32 s3, s0;
	s1 =	sshll.u32 s1, $0x11  }
0xca: {  	s0 =	sor.u32 s1, s0  }
0xcb: {  	s0 =	sadd.s32 $0x8F2B, s0  }
0xcc: {  	[sflag:s0] =	ssyncadd.remote.s32 $0x1  }
0xcd: {  	_ =	sfence.sel $0xFFFF  }
0xce: {  	[dreg:$0x0] =	wrdreg $0xFFFFFFFF;
	(pc) =	sbr.abs _section_cstart, $3  }
0xcf: {  	[dreg:$0x1] =	wrdreg $0xFFFFFFFF  }
0xd0: {  	_ =	task.clear_ibuf [dreg:s15], $0x2FFFF;
	_ =	strace $0x9FFFFFFF  }
0xd1: {  	(tm) =	ssettm $0x7FFFFFFF  }
tec
execute0_lowered:
.L_overlay_start_1:
0x0: {  	(tag) =	ssettag $0x1  }
0x1: {  	s0 =	rddreg [dreg:$0x0]  }
0x2: {  	s6 =	rddreg [dreg:$0x1]  }
0x3: {  	s8 =	rddreg [dreg:$0x2]  }
0x4: {  	s1 =	rddreg [dreg:$0x3]  }
0x5: {  	s2 =	rddreg [dreg:$0x4]  }
0x6: {  	s3 =	rddreg [dreg:$0x5]  }
0x7: {  	s4 =	rddreg [dreg:$0x6]  }
0x8: {  	s5 =	rddreg [dreg:$0x7]  }
0x9: {  	s9 =	rddreg [dreg:$0x8];
	s10 =	srdreg.scid  }
0xa: {  	s7 =	simm.s32 $0x0;
	s12 =	stileid.u32;
	s10 =	sand.u32 $0x1, s10  }
0xb: {  	s12 =	sshll.u32 s12, $0x7;
	s11 =	ssub.s32 $0x2, s10;
	s10 =	sshll.u32 s10, $0x6  }
0xc: {  	s28 =	simm.s32 $0x100;
	s29 =	simm.s32 $0x300;
	s10 =	sor.u32 s10, s12  }
0xd: {  	s31 =	simm.s32 $0x180;
	[smem:$0x7FF] =	sst s7;
	s12 =	sadd.s32 s0, s10  }
0xe: {  	_ =	strace $0x80000047;
	s17 =	sadd.s32 s6, s10;
	[dreg:$0xa] =	wrdreg s12  }
0xf: {  	s14 =	simm.s32 $0x2;
	s18 =	sadd.s32 s8, s10;
	[dreg:$0xb] =	wrdreg s17  }
0x10: {  	s16 =	sor.u32 $0x10, s10;
	s30 =	sadd.s32 s9, s10;
	[dreg:$0xc] =	wrdreg s18  }
0x11: {  	s15 =	simm.s32 $0x4;
	s19 =	sadd.s32 s0, s16;
	[dreg:$0x16] =	wrdreg s30  }
0x12: {  	s13 =	sshrl.u32 s11, $0x1;
	s20 =	sadd.s32 s6, s16;
	[dreg:$0xd] =	wrdreg s19  }
0x13: {  	s21 =	sor.u32 $0x20, s10;
	s12 =	sadd.s32 s8, s16;
	[dreg:$0xe] =	wrdreg s20  }
0x14: {  	s11 =	ssub.s32 s11, s13;
	s22 =	sadd.s32 s0, s21;
	[dreg:$0xf] =	wrdreg s12  }
0x15: {  	s24 =	sor.u32 $0x30, s10;
	s23 =	sadd.s32 s6, s21;
	[dreg:$0x10] =	wrdreg s22  }
0x16: {  	s9 =	simm.s32 $0x0;
	s0 =	sadd.s32 s0, s24;
	[dreg:$0x11] =	wrdreg s23  }
0x17: {  	s25 =	sadd.s32 s6, s24;
	s26 =	sadd.s32 s8, s24;
	[dreg:$0x13] =	wrdreg s0  }
0x18: {  	s24 =	simm.s32 $0x80;
	s12 =	sadd.s32 s8, s21;
	[dreg:$0x14] =	wrdreg s25  }
0x19: {  	[dreg:$0x15] =	wrdreg s26;
	s21 =	smax.u32 s11, $0x1;
	s22 =	simm.s32 $0x200  }
0x1a: {  	s25 =	simm.s32 $0x280;
	s0 =	simm.s32 $0x380;
	s23 =	simm.s32 $0x1  }
0x1b: {  	v0 =	vlaneseq.u32;
	v1 =	vimm.s32 $0x0;
	s26 =	simm.s32 $0x18780;
	s8 =	simm.s32 $0x3;
	[dreg:$0x12] =	wrdreg s12  }
.LBB2_1:
0x1c: {  	s6 =	rddreg [dreg:$0xa]  }
0x1d: {  	[tilespmem:s7], [sflag:$0x1] =	stream.linear.gather [hbm4b:s6+s7], $0x80, $0x38;
	[tilespmem:$0x18A00] =	vst v63  }
0x1e: {  	s11 =	rddreg [dreg:$0xb]  }
0x1f: {  	[tilespmem:s22], [sflag:$0x1] =	stream.linear.gather [hbm4b:s11+s7], $0x80, $0x38;
	[tilespmem:$0x18A00] =	vst v63  }
0x20: {  	s12 =	rddreg [dreg:$0xc];
	s10 =	simm.s32 $0x400  }
0x21: {  	[tilespmem:s10], [sflag:$0x1] =	stream.linear.gather [hbm4b:s12+s7], $0x80, $0x38;
	[tilespmem:$0x18A00] =	vst v63  }
0x22: {  	s13 =	rddreg [dreg:$0xd]  }
0x23: {  	[tilespmem:s24], [sflag:$0x1] =	stream.linear.gather [hbm4b:s13+s7], $0x80, $0x38;
	[tilespmem:$0x18A00] =	vst v63  }
0x24: {  	s16 =	rddreg [dreg:$0xe]  }
0x25: {  	[tilespmem:s25], [sflag:$0x1] =	stream.linear.gather [hbm4b:s16+s7], $0x80, $0x38;
	[tilespmem:$0x18A00] =	vst v63  }
0x26: {  	s17 =	rddreg [dreg:$0xf];
	s11 =	simm.s32 $0x480  }
0x27: {  	[tilespmem:s11], [sflag:$0x1] =	stream.linear.gather [hbm4b:s17+s7], $0x80, $0x38;
	[tilespmem:$0x18A00] =	vst v63  }
0x28: {  	s18 =	rddreg [dreg:$0x10]  }
0x29: {  	[tilespmem:s28], [sflag:$0x1] =	stream.linear.gather [hbm4b:s18+s7], $0x80, $0x38;
	[tilespmem:$0x18A00] =	vst v63  }
0x2a: {  	s19 =	rddreg [dreg:$0x11]  }
0x2b: {  	[tilespmem:s29], [sflag:$0x1] =	stream.linear.gather [hbm4b:s19+s7], $0x80, $0x38;
	[tilespmem:$0x18A00] =	vst v63  }
0x2c: {  	s20 =	rddreg [dreg:$0x12];
	s12 =	simm.s32 $0x500  }
0x2d: {  	[tilespmem:s12], [sflag:$0x1] =	stream.linear.gather [hbm4b:s20+s7], $0x80, $0x38;
	[tilespmem:$0x18A00] =	vst v63  }
0x2e: {  	s13 =	rddreg [dreg:$0x13]  }
0x2f: {  	[tilespmem:s31], [sflag:$0x1] =	stream.linear.gather [hbm4b:s13+s7], $0x80, $0x38;
	[tilespmem:$0x18A00] =	vst v63  }
0x30: {  	s16 =	rddreg [dreg:$0x14]  }
0x31: {  	[tilespmem:s0], [sflag:$0x1] =	stream.linear.gather [hbm4b:s16+s7], $0x80, $0x38;
	[tilespmem:$0x18A00] =	vst v63  }
0x32: {  	s17 =	rddreg [dreg:$0x15];
	s18 =	simm.s32 $0x580  }
0x33: {  	[tilespmem:s18], [sflag:$0x1] =	stream.linear.gather [hbm4b:s17+s7], $0x80, $0x38;
	[tilespmem:$0x18A00] =	vst v63  }
0x34: {  	_ =	swait.ge [sflag:s23], $0x80  }
0x35: {  	[sflag:s23] =	ssyncset.done $0x0  }
0x36: {  	[sflag:s23] =	ssyncadd.s32 $0xFFFFFF80  }
0x37: {  	_ =	swait.ge [sflag:s23], $0x80  }
0x38: {  	[sflag:s23] =	ssyncset.done $0x0  }
0x39: {  	[sflag:s23] =	ssyncadd.s32 $0xFFFFFF80  }
0x3a: {  	_ =	swait.ge [sflag:s23], $0x80  }
0x3b: {  	[sflag:s23] =	ssyncset.done $0x0  }
0x3c: {  	s19 =	simm.s32 $0x600;
	[sflag:s23] =	ssyncadd.s32 $0xFFFFFF80  }
0x3d: {  	[tilespmem:s19], [sflag:$0x2] =	stream.indirect.gather [hbm4b:s3+s24], $0x80, s7, s24, $0xb8;
	[tilespmem:$0x18A00] =	vst v63  }
0x3e: {  	s20 =	simm.s32 $0x8600  }
0x3f: {  	[tilespmem:s20], [sflag:$0x2] =	stream.indirect.gather [hbm4b:s4+s24], $0x80, s22, s24, $0xb8;
	[tilespmem:$0x18A00] =	vst v63  }
0x40: {  	s12 =	simm.s32 $0x10600  }
0x41: {  	[tilespmem:s12], [sflag:$0x2] =	stream.indirect.gather [hbm4b:s5+s24], $0x80, s10, s24, $0xb8;
	[tilespmem:$0x18A00] =	vst v63  }
0x42: {  	s13 =	simm.s32 $0x18600  }
0x43: {  	[tilespmem:s13], [sflag:$0x2] =	stream.indirect.gather [hbm4b:s1+s24], $0x1, s7, s24, $0xb8;
	[tilespmem:$0x18A00] =	vst v63  }
0x44: {  	s16 =	simm.s32 $0x18700  }
0x45: {  	[tilespmem:s16], [sflag:$0x2] =	stream.indirect.gather [hbm4b:s2+s24], $0x1, s22, s24, $0xb8;
	[tilespmem:$0x18A00] =	vst v63  }
0x46: {  	_ =	swait.ge [sflag:s23], $0x80  }
0x47: {  	[sflag:s23] =	ssyncset.done $0x0  }
0x48: {  	[sflag:s23] =	ssyncadd.s32 $0xFFFFFF80  }
0x49: {  	_ =	swait.ge [sflag:s23], $0x80  }
0x4a: {  	[sflag:s23] =	ssyncset.done $0x0  }
0x4b: {  	[sflag:s23] =	ssyncadd.s32 $0xFFFFFF80  }
0x4c: {  	_ =	swait.ge [sflag:s23], $0x80  }
0x4d: {  	[sflag:s23] =	ssyncset.done $0x0  }
0x4e: {  	s17 =	simm.s32 $0x4600;
	[sflag:s23] =	ssyncadd.s32 $0xFFFFFF80  }
0x4f: {  	[tilespmem:s17], [sflag:$0x3] =	stream.indirect.gather [hbm4b:s3+s24], $0x80, s24, s24, $0xb8;
	[tilespmem:$0x18A00] =	vst v63  }
0x50: {  	s18 =	simm.s32 $0xC600  }
0x51: {  	[tilespmem:s18], [sflag:$0x3] =	stream.indirect.gather [hbm4b:s4+s24], $0x80, s25, s24, $0xb8;
	[tilespmem:$0x18A00] =	vst v63  }
0x52: {  	s19 =	simm.s32 $0x14600  }
0x53: {  	[tilespmem:s19], [sflag:$0x3] =	stream.indirect.gather [hbm4b:s5+s24], $0x80, s11, s24, $0xb8;
	[tilespmem:$0x18A00] =	vst v63  }
0x54: {  	s20 =	simm.s32 $0x18680  }
0x55: {  	[tilespmem:s20], [sflag:$0x3] =	stream.indirect.gather [hbm4b:s1+s24], $0x1, s24, s24, $0xb8;
	[tilespmem:$0x18A00] =	vst v63  }
0x56: {  	_ = 	snop  }
0x57: {  	[tilespmem:s26], [sflag:$0x3] =	stream.indirect.gather [hbm4b:s2+s24], $0x1, s25, s24, $0xb8;
	[tilespmem:$0x18A00] =	vst v63  }
0x58: {  	_ =	swait.ge [sflag:s14], $0x4000  }
0x59: {  	[sflag:s14] =	ssyncset.done $0x0  }
0x5a: {  	[sflag:s14] =	ssyncadd.s32 $0xFFFFC000  }
0x5b: {  	_ =	swait.ge [sflag:s14], $0x4000  }
0x5c: {  	[sflag:s14] =	ssyncset.done $0x0  }
0x5d: {  	[sflag:s14] =	ssyncadd.s32 $0xFFFFC000  }
0x5e: {  	_ =	swait.ge [sflag:s14], $0x4000  }
0x5f: {  	[sflag:s14] =	ssyncset.done $0x0  }
0x60: {  	[sflag:s14] =	ssyncadd.s32 $0xFFFFC000  }
0x61: {  	_ =	swait.ge [sflag:s14], $0x80  }
0x62: {  	[sflag:s14] =	ssyncset.done $0x0  }
0x63: {  	[sflag:s14] =	ssyncadd.s32 $0xFFFFFF80  }
0x64: {  	_ =	swait.ge [sflag:s14], $0x80  }
0x65: {  	s30 =	simm.s32 $0x8680;
	s10 =	simm.s32 $0x680;
	[sflag:s14] =	ssyncset.done $0x0  }
0x66: {  	s16 =	simm.s32 $0x10680;
	s17 =	simm.s32 $0x0;
	[sflag:s14] =	ssyncadd.s32 $0xFFFFFF80  }
.LBB2_2:
0x67: {  	v12 =	vld [tilespmem:s10+$0x0]  }
0x68: {  	v13 =	vld [tilespmem:s10+$0x10]  }
0x69: {  	v14 =	vld [tilespmem:s10+$0x20]  }
0x6a: {  	v15 =	vld [tilespmem:s10+$0x30]  }
0x6b: {  	v34 =	vld [tilespmem:s10+$0x40]  }
0x6c: {  	v4 =	vld [tilespmem:s10+$0x50]  }
0x6d: {  	v5 =	vld [tilespmem:s10+$0x60]  }
0x6e: {  	v3 =	vld [tilespmem:s10+$0x70]  }
0x6f: {  	v10 =	vld [tilespmem:s10+$0xFFFFFF80]  }
0x70: {  	v6 =	vld [tilespmem:s10+$0xFFFFFF90]  }
0x71: {  	v9 =	vld [tilespmem:s10+$0xFFFFFFA0]  }
0x72: {  	v7 =	vld [tilespmem:s10+$0xFFFFFFB0]  }
0x73: {  	v8 =	vld [tilespmem:s10+$0xFFFFFFC0]  }
0x74: {  	v17 =	vld [tilespmem:s30+$0x0]  }
0x75: {  	v20 =	vld [tilespmem:s16+$0x0]  }
0x76: {  	v21 =	vld [tilespmem:s30+$0x10]  }
0x77: {  	v22 =	vld [tilespmem:s16+$0x10]  }
0x78: {  	v23 =	vld [tilespmem:s30+$0x20]  }
0x79: {  	v24 =	vld [tilespmem:s16+$0x20]  }
0x7a: {  	v25 =	vld [tilespmem:s30+$0x30]  }
0x7b: {  	v26 =	vld [tilespmem:s16+$0x30]  }
0x7c: {  	v27 =	vld [tilespmem:s30+$0x40]  }
0x7d: {  	v28 =	vld [tilespmem:s16+$0x40]  }
0x7e: {  	v29 =	vld [tilespmem:s30+$0x50]  }
0x7f: {  	v30 =	vld [tilespmem:s16+$0x50]  }
0x80: {  	v32 =	vld [tilespmem:s30+$0x60]  }
0x81: {  	v33 =	vld [tilespmem:s16+$0x60]  }
0x82: {  	v35 =	vld [tilespmem:s30+$0x70]  }
0x83: {  	v36 =	vld [tilespmem:s16+$0x70]  }
0x84: {  	v37 =	vld [tilespmem:s30+$0xFFFFFF80]  }
0x85: {  	v38 =	vld [tilespmem:s16+$0xFFFFFF80]  }
0x86: {  	v39 =	vld [tilespmem:s30+$0xFFFFFF90]  }
0x87: {  	v40 =	vld [tilespmem:s16+$0xFFFFFF90]  }
0x88: {  	v41 =	vld [tilespmem:s30+$0xFFFFFFA0]  }
0x89: {  	v42 =	vld [tilespmem:s16+$0xFFFFFFA0]  }
0x8a: {  	v43 =	vld [tilespmem:s30+$0xFFFFFFB0]  }
0x8b: {  	v44 =	vld [tilespmem:s16+$0xFFFFFFB0]  }
0x8c: {  	s11 =	sshll.u32 s17, $0x4;
	v18 =	vld [tilespmem:s30+$0xFFFFFFC0]  }
0x8d: {  	v2 =	vld [tilespmem:s11+$0x18600]  }
0x8e: {  	v11 =	vld [tilespmem:s11+$0x18700]  }
0x8f: {  	v19 =	vld [tilespmem:s16+$0xFFFFFFC0];
	v45 =	vadd.f32 v22, v21  }
0x90: {  	v16 =	vld [tilespmem:s30+$0xFFFFFFD0];
	v46 =	vadd.f32 v24, v23;
	v47 =	vadd.f32 v26, v25  }
0x91: {  	v48 =	vadd.f32 v28, v27;
	v31 =	vadd.f32 v30, v29;
	v22 =	vld [tilespmem:s16+$0xFFFFFFE0]  }
0x92: {  	v32 =	vadd.f32 v33, v32;
	v27 =	vadd.f32 v36, v35;
	v23 =	vld [tilespmem:s30+$0xFFFFFFF0]  }
0x93: {  	v2 =	vadd.f32 v11, v2;
	v11 =	vadd.f32 v20, v17;
	v20 =	vld [tilespmem:s16+$0xFFFFFFD0]  }
0x94: {  	v33 =	vadd.f32 v38, v37;
	v28 =	vadd.f32 v40, v39;
	v17 =	vld [tilespmem:s30+$0xFFFFFFE0];
	v24 =	vmul.f32 v45, v13  }
0x95: {  	s18 =	simm.s32 $0x0;
	s19 =	simm.s32 $0x2;
	v30 =	vadd.f32 v42, v41;
	v26 =	vld [tilespmem:s16+$0xFFFFFFF0];
	v25 =	vmul.f32 v46, v14;
	v14 =	vmul.f32 v47, v15  }
0x96: {  	s12 =	smov.u32 s10;
	s6 =	smov.u32 s30;
	s20 =	smov.u32 s16;
	v29 =	vld [tilespmem:s10+$0xFFFFFFD0];
	v13 =	vadd.f32 v44, v43;
	v15 =	vmul.f32 v48, v34;
	v21 =	vmul.f32 v11, v12  }
.LBB2_3:
0x97: {  	p0 =	slt.u32 s19, $0xE;
	v18 =	vadd.f32 v19, v18;
	v19 =	vld [tilespmem:s12+$0xFFFFFFE0];
	v4 =	vmul.f32 v31, v4;
	v5 =	vmul.f32 v32, v5  }
0x98: {  	v10 =	vmul.f32 v33, v10;
	v16 =	vadd.f32 v20, v16;
	v3 =	vmul.f32 v27, v3;
	v20 =	vld [tilespmem:s12+$0xFFFFFFF0];
	s12 =	sadd.s32 $0x100, s12  }
0x99: {  	v6 =	vmul.f32 v28, v6;
	v9 =	vmul.f32 v30, v9;
	v17 =	vadd.f32 v22, v17;
	v11 =	vld [tilespmem:s12+$0x0]  }
0x9a: {  	v7 =	vmul.f32 v13, v7;
	v8 =	vmul.f32 v18, v8;
	v12 =	vld [tilespmem:s12+$0x10];
	v18 =	vadd.f32 v26, v23  }
0x9b: {  	v21 =	vadd.f32 v24, v21;
	v22 =	vadd.f32 v14, v25;
	v13 =	vld [tilespmem:s12+$0x20];
	v16 =	vmul.f32 v16, v29  }
0x9c: {  	v3 =	vadd.f32 v3, v5;
	v14 =	vld [tilespmem:s12+$0x30];
	v17 =	vmul.f32 v17, v19;
	v19 =	vadd.f32 v4, v15  }
0x9d: {  	v6 =	vadd.f32 v6, v10;
	v7 =	vadd.f32 v7, v9;
	v15 =	vld [tilespmem:s12+$0x40];
	v18 =	vmul.f32 v18, v20  }
0x9e: {  	v9 =	vadd.f32 v22, v21;
	v4 =	vld [tilespmem:s12+$0x50];
	v10 =	vadd.f32 v3, v19  }
0x9f: {  	v8 =	vadd.f32 v16, v8;
	v5 =	vld [tilespmem:s12+$0x60];
	v16 =	vadd.f32 v18, v17  }
0xa0: {  	v3 =	vld [tilespmem:s12+$0x70];
	v9 =	vadd.f32 v10, v9  }
0xa1: {  	v7 =	vadd.f32 v7, v6;
	v10 =	vld [tilespmem:s12+$0xFFFFFF80];
	v8 =	vadd.f32 v16, v8  }
0xa2: {  	v6 =	vld [tilespmem:s12+$0xFFFFFF90];
	(xrf2) =	vadd.scan.msk.f32 $0xffff, v9  }
0xa3: {  	v9 =	vld [tilespmem:s12+$0xFFFFFFA0];
	v16 =	vadd.f32 v8, v7  }
0xa4: {  	v7 =	vld [tilespmem:s12+$0xFFFFFFB0]  }
0xa5: {  	s6 =	sadd.s32 $0x100, s6;
	v8 =	vld [tilespmem:s12+$0xFFFFFFC0];
	(xrf2) =	vadd.scan.msk.f32 $0xffff, v16  }
0xa6: {  	s20 =	sadd.s32 $0x100, s20;
	v17 =	vld [tilespmem:s6+$0x0]  }
0xa7: {  	v20 =	vld [tilespmem:s20+$0x0]  }
0xa8: {  	v21 =	vld [tilespmem:s6+$0x10]  }
0xa9: {  	v22 =	vld [tilespmem:s20+$0x10]  }
0xaa: {  	v23 =	vld [tilespmem:s6+$0x20]  }
0xab: {  	v24 =	vld [tilespmem:s20+$0x20]  }
0xac: {  	v25 =	vld [tilespmem:s6+$0x30];
	v16, _, _ =	vpop (xrf2)  }
0xad: {  	v26 =	vld [tilespmem:s20+$0x30]  }
0xae: {  	v27 =	vld [tilespmem:s6+$0x40]  }
0xaf: {  	v18 =	vmov s18;
	v28 =	vld [tilespmem:s20+$0x40];
	v19, _, _ =	vpop (xrf2)  }
0xb0: {  	s13 =	sadd.s32 $0x1, s18;
	s18 =	smov.u32 s19;
	vm0 =	veq.s32 v18, v0;
	v29 =	vld [tilespmem:s6+$0x50];
	v18 =	vbroadcast v19, $0xF  }
0xb1: {  	v31 =	vmov s13;
	v19 =	vsel vm0, $0x3F800000, v1;
	v30 =	vld [tilespmem:s20+$0x50]  }
0xb2: {  	v16 =	vbroadcast v16, $0xF;
	vm0 =	veq.s32 v31, v0;
	v32 =	vld [tilespmem:s6+$0x60];
	v18 =	vmul.f32 v19, v18  }
0xb3: {  	v19 =	vsel vm0, $0x3F800000, v1;
	v33 =	vld [tilespmem:s20+$0x60]  }
0xb4: {  	v16 =	vmul.f32 v19, v16;
	v34 =	vld [tilespmem:s6+$0x70];
	v2 =	vadd.f32 v18, v2  }
0xb5: {  	v35 =	vld [tilespmem:s20+$0x70]  }
0xb6: {  	v36 =	vld [tilespmem:s6+$0xFFFFFF80];
	v2 =	vadd.f32 v16, v2  }
0xb7: {  	v37 =	vld [tilespmem:s20+$0xFFFFFF80]  }
0xb8: {  	v38 =	vld [tilespmem:s6+$0xFFFFFF90]  }
0xb9: {  	v39 =	vld [tilespmem:s20+$0xFFFFFF90]  }
0xba: {  	v40 =	vld [tilespmem:s6+$0xFFFFFFA0]  }
0xbb: {  	v41 =	vld [tilespmem:s20+$0xFFFFFFA0]  }
0xbc: {  	v42 =	vld [tilespmem:s6+$0xFFFFFFB0]  }
0xbd: {  	v43 =	vld [tilespmem:s20+$0xFFFFFFB0]  }
0xbe: {  	v18 =	vld [tilespmem:s6+$0xFFFFFFC0]  }
0xbf: {  	v19 =	vld [tilespmem:s20+$0xFFFFFFC0]  }
0xc0: {  	v44 =	vadd.f32 v20, v17;
	v45 =	vadd.f32 v22, v21;
	v16 =	vld [tilespmem:s6+$0xFFFFFFD0]  }
0xc1: {  	v46 =	vadd.f32 v24, v23;
	v47 =	vadd.f32 v26, v25;
	v20 =	vld [tilespmem:s20+$0xFFFFFFD0]  }
.Ltmp0:
0xc2: {  	v48 =	vadd.f32 v28, v27;
	v31 =	vadd.f32 v30, v29;
	v17 =	vld [tilespmem:s6+$0xFFFFFFE0];
	(pc) =	sbr.rel @p0 .LBB2_3-.Ltmp0, $4  }
0xc3: {  	v32 =	vadd.f32 v33, v32;
	v27 =	vadd.f32 v35, v34;
	v22 =	vld [tilespmem:s20+$0xFFFFFFE0]  }
0xc4: {  	v21 =	vmul.f32 v44, v11;
	v33 =	vadd.f32 v37, v36;
	v28 =	vadd.f32 v39, v38;
	v23 =	vld [tilespmem:s6+$0xFFFFFFF0]  }
0xc5: {  	v24 =	vmul.f32 v45, v12;
	v25 =	vmul.f32 v46, v13;
	v30 =	vadd.f32 v41, v40;
	v26 =	vld [tilespmem:s20+$0xFFFFFFF0]  }
0xc6: {  	s19 =	sadd.s32 $0x2, s19;
	v14 =	vmul.f32 v47, v14;
	v15 =	vmul.f32 v48, v15;
	v13 =	vadd.f32 v43, v42;
	v29 =	vld [tilespmem:s12+$0xFFFFFFD0]  }
0xc7: {  	v4 =	vmul.f32 v31, v4;
	v11 =	vld [tilespmem:s12+$0xFFFFFFE0]  }
0xc8: {  	v12 =	vadd.f32 v19, v18;
	v5 =	vmul.f32 v32, v5;
	v10 =	vmul.f32 v33, v10;
	v51 =	vld [tilespmem:s12+$0xFFFFFFF0]  }
0xc9: {  	v16 =	vadd.f32 v20, v16;
	v3 =	vmul.f32 v27, v3;
	v6 =	vmul.f32 v28, v6  }
0xca: {  	v9 =	vmul.f32 v30, v9;
	v54 =	vadd.f32 v24, v21;
	v17 =	vadd.f32 v22, v17  }
0xcb: {  	v7 =	vmul.f32 v13, v7;
	v14 =	vadd.f32 v14, v25;
	v52 =	vadd.f32 v26, v23  }
0xcc: {  	v8 =	vmul.f32 v12, v8;
	v4 =	vadd.f32 v4, v15;
	v53 =	vmul.f32 v16, v29  }
0xcd: {  	v3 =	vadd.f32 v3, v5;
	v11 =	vmul.f32 v17, v11;
	v55 =	vmul.f32 v52, v51  }
0xce: {  	v6 =	vadd.f32 v6, v10;
	v7 =	vadd.f32 v7, v9  }
0xcf: {  	v8 =	vadd.f32 v53, v8;
	v5 =	vadd.f32 v55, v11  }
0xd0: {  	v56 =	vadd.f32 v14, v54;
	v3 =	vadd.f32 v3, v4  }
0xd1: {  	v57 =	vadd.f32 v7, v6;
	v5 =	vadd.f32 v5, v8  }
0xd2: {  	v3 =	vadd.f32 v3, v56  }
0xd3: {  	v4 =	vadd.f32 v5, v57  }
0xd4: {  	(xrf2) =	vadd.scan.msk.f32 $0xffff, v3  }
0xd5: {  	(xrf2) =	vadd.scan.msk.f32 $0xffff, v4;
	_ =	sdelay $0x8  }
0xd6: {  	v3, _, _ =	vpop (xrf2)  }
0xd7: {  	v58 =	vmov s18;
	v59, _, _ =	vpop (xrf2)  }
0xd8: {  	s6 =	sadd.s32 $0x1, s18;
	vm0 =	veq.s32 v58, v0;
	v60 =	vbroadcast v59, $0xF  }
0xd9: {  	v62 =	vmov s6;
	v61 =	vsel vm0, $0x3F800000, v1  }
0xda: {  	s17 =	sadd.s32 $0x1, s17;
	vm15 =	veq.s32 v62, v0;
	v3 =	vbroadcast v3, $0xF;
	v4 =	vmul.f32 v61, v60  }
0xdb: {  	p0 =	sne.s32 s17, $0x8;
	v63 =	vsel vm15, $0x3F800000, v1  }
.Ltmp1:
0xdc: {  	v3 =	vmul.f32 v63, v3;
	v2 =	vadd.f32 v4, v2;
	(pc) =	sbr.rel @p0 .LBB2_2-.Ltmp1, $3  }
0xdd: {  	_ = 	snop  }
0xde: {  	v2 =	vadd.f32 v3, v2;
	_ =	sdelay $0x1  }
0xdf: {  	s30 =	sadd.s32 $0x800, s30;
	s16 =	sadd.s32 $0x800, s16;
	s10 =	sadd.s32 $0x800, s10;
	[tilespmem:s11+$0x18800] =	vst v2  }
0xe0: {  	_ =	swait.ge [sflag:s23], $0x80  }
0xe1: {  	[sflag:s23] =	ssyncset.done $0x0  }
0xe2: {  	[sflag:s23] =	ssyncadd.s32 $0xFFFFFF80  }
0xe3: {  	_ =	swait.ge [sflag:s23], $0x80  }
0xe4: {  	[sflag:s23] =	ssyncset.done $0x0  }
0xe5: {  	[sflag:s23] =	ssyncadd.s32 $0xFFFFFF80  }
0xe6: {  	_ =	swait.ge [sflag:s23], $0x80  }
0xe7: {  	[sflag:s23] =	ssyncset.done $0x0  }
0xe8: {  	s6 =	simm.s32 $0x600;
	[sflag:s23] =	ssyncadd.s32 $0xFFFFFF80  }
0xe9: {  	[tilespmem:s6], [sflag:$0x2] =	stream.indirect.gather [hbm4b:s3+s24], $0x80, s28, s24, $0xb8;
	[tilespmem:$0x18A00] =	vst v63  }
0xea: {  	s18 =	simm.s32 $0x8600  }
0xeb: {  	[tilespmem:s18], [sflag:$0x2] =	stream.indirect.gather [hbm4b:s4+s24], $0x80, s29, s24, $0xb8;
	[tilespmem:$0x18A00] =	vst v63  }
0xec: {  	s19 =	simm.s32 $0x500;
	s10 =	simm.s32 $0x10600  }
0xed: {  	[tilespmem:s10], [sflag:$0x2] =	stream.indirect.gather [hbm4b:s5+s24], $0x80, s19, s24, $0xb8;
	[tilespmem:$0x18A00] =	vst v63  }
0xee: {  	s20 =	simm.s32 $0x18600  }
0xef: {  	[tilespmem:s20], [sflag:$0x2] =	stream.indirect.gather [hbm4b:s1+s24], $0x1, s28, s24, $0xb8;
	[tilespmem:$0x18A00] =	vst v63  }
0xf0: {  	s30 =	simm.s32 $0x18700  }
0xf1: {  	[tilespmem:s30], [sflag:$0x2] =	stream.indirect.gather [hbm4b:s2+s24], $0x1, s29, s24, $0xb8;
	[tilespmem:$0x18A00] =	vst v63  }
0xf2: {  	_ =	swait.ge [sflag:s8], $0x4000  }
0xf3: {  	[sflag:s8] =	ssyncset.done $0x0  }
0xf4: {  	[sflag:s8] =	ssyncadd.s32 $0xFFFFC000  }
0xf5: {  	_ =	swait.ge [sflag:s8], $0x4000  }
0xf6: {  	[sflag:s8] =	ssyncset.done $0x0  }
0xf7: {  	[sflag:s8] =	ssyncadd.s32 $0xFFFFC000  }
0xf8: {  	_ =	swait.ge [sflag:s8], $0x4000  }
0xf9: {  	[sflag:s8] =	ssyncset.done $0x0  }
0xfa: {  	[sflag:s8] =	ssyncadd.s32 $0xFFFFC000  }
0xfb: {  	_ =	swait.ge [sflag:s8], $0x80  }
0xfc: {  	[sflag:s8] =	ssyncset.done $0x0  }
0xfd: {  	[sflag:s8] =	ssyncadd.s32 $0xFFFFFF80  }
0xfe: {  	_ =	swait.ge [sflag:s8], $0x80  }
0xff: {  	[sflag:s8] =	ssyncset.done $0x0  }
0x100: {  	s16 =	simm.s32 $0x0;
	s10 =	simm.s32 $0x0;
	[sflag:s8] =	ssyncadd.s32 $0xFFFFFF80  }
.LBB2_6:
0x101: {  	s11 =	sshll.u32 s16, $0x4  }
0x102: {  	v2 =	vld [tilespmem:s11+$0x18680]  }
0x103: {  	s17 =	sshra.s32 s10, $0x2;
	v13 =	vld [tilespmem:s11+$0x18780]  }
0x104: {  	v14 =	vld [tilespmem:s17+$0x4680]  }
0x105: {  	v15 =	vld [tilespmem:s17+$0x4690]  }
0x106: {  	v27 =	vld [tilespmem:s17+$0x46A0]  }
0x107: {  	v4 =	vld [tilespmem:s17+$0x46B0]  }
0x108: {  	v5 =	vld [tilespmem:s17+$0x46C0]  }
0x109: {  	v6 =	vld [tilespmem:s17+$0x46D0]  }
0x10a: {  	v9 =	vld [tilespmem:s17+$0x46E0]  }
0x10b: {  	v3 =	vld [tilespmem:s17+$0x46F0]  }
0x10c: {  	v12 =	vld [tilespmem:s17+$0x4600]  }
0x10d: {  	v7 =	vld [tilespmem:s17+$0x4610]  }
0x10e: {  	v11 =	vld [tilespmem:s17+$0x4620]  }
0x10f: {  	v8 =	vld [tilespmem:s17+$0x4630]  }
0x110: {  	v10 =	vld [tilespmem:s17+$0x4640]  }
0x111: {  	v17 =	vld [tilespmem:s17+$0xC680]  }
0x112: {  	v20 =	vld [tilespmem:s17+$0x14680]  }
0x113: {  	v22 =	vld [tilespmem:s17+$0xC690]  }
0x114: {  	v23 =	vld [tilespmem:s17+$0x14690]  }
0x115: {  	v25 =	vld [tilespmem:s17+$0xC6A0]  }
0x116: {  	v26 =	vld [tilespmem:s17+$0x146A0]  }
0x117: {  	v28 =	vld [tilespmem:s17+$0xC6B0]  }
0x118: {  	v29 =	vld [tilespmem:s17+$0x146B0]  }
0x119: {  	v30 =	vld [tilespmem:s17+$0xC6C0]  }
0x11a: {  	v31 =	vld [tilespmem:s17+$0x146C0]  }
0x11b: {  	v32 =	vld [tilespmem:s17+$0xC6D0]  }
0x11c: {  	v33 =	vld [tilespmem:s17+$0x146D0]  }
0x11d: {  	v35 =	vld [tilespmem:s17+$0xC6E0]  }
0x11e: {  	v37 =	vld [tilespmem:s17+$0x146E0]  }
0x11f: {  	v38 =	vld [tilespmem:s17+$0xC6F0]  }
0x120: {  	v39 =	vld [tilespmem:s17+$0x146F0]  }
0x121: {  	v40 =	vld [tilespmem:s17+$0xC600]  }
0x122: {  	v41 =	vld [tilespmem:s17+$0x14600]  }
0x123: {  	v42 =	vld [tilespmem:s17+$0xC610]  }
0x124: {  	v43 =	vld [tilespmem:s17+$0x14610]  }
0x125: {  	v44 =	vld [tilespmem:s17+$0xC620]  }
0x126: {  	v45 =	vld [tilespmem:s17+$0x14620]  }
0x127: {  	v19 =	vld [tilespmem:s17+$0xC630]  }
0x128: {  	v24 =	vld [tilespmem:s17+$0x14630]  }
0x129: {  	v18 =	vld [tilespmem:s17+$0xC640]  }
0x12a: {  	v21 =	vld [tilespmem:s17+$0x14640];
	v2 =	vadd.f32 v13, v2  }
0x12b: {  	v16 =	vld [tilespmem:s17+$0xC650];
	v13 =	vadd.f32 v20, v17;
	v46 =	vadd.f32 v23, v22  }
0x12c: {  	v20 =	vld [tilespmem:s17+$0x14650];
	v47 =	vadd.f32 v26, v25;
	v34 =	vadd.f32 v29, v28  }
0x12d: {  	v17 =	vld [tilespmem:s17+$0xC660];
	v36 =	vadd.f32 v31, v30;
	v32 =	vadd.f32 v33, v32  }
0x12e: {  	v23 =	vld [tilespmem:s17+$0x14660];
	v33 =	vadd.f32 v37, v35;
	v29 =	vadd.f32 v39, v38  }
0x12f: {  	v35 =	vadd.f32 v41, v40;
	v30 =	vadd.f32 v43, v42;
	v25 =	vld [tilespmem:s17+$0xC670];
	v22 =	vmul.f32 v13, v14  }
0x130: {  	s6 =	simm.s32 $0x2;
	s12 =	smov.u32 s10;
	s18 =	simm.s32 $0x0;
	v31 =	vadd.f32 v45, v44;
	v28 =	vld [tilespmem:s17+$0x14670];
	v26 =	vmul.f32 v46, v15;
	v27 =	vmul.f32 v47, v27  }
.LBB2_7:
0x131: {  	p0 =	slt.u32 s6, $0xE;
	v15 =	vadd.f32 v24, v19;
	v19 =	vld [tilespmem:s17+$0x4650];
	v4 =	vmul.f32 v34, v4;
	v5 =	vmul.f32 v36, v5  }
0x132: {  	v18 =	vadd.f32 v21, v18;
	v6 =	vmul.f32 v32, v6;
	v9 =	vmul.f32 v33, v9;
	s12 =	sadd.s32 $0x400, s12;
	v21 =	vld [tilespmem:s17+$0x4660]  }
0x133: {  	v12 =	vmul.f32 v35, v12;
	v16 =	vadd.f32 v20, v16;
	v3 =	vmul.f32 v29, v3;
	v20 =	vld [tilespmem:s17+$0x4670];
	s17 =	sshra.s32 s12, $0x2  }
0x134: {  	v7 =	vmul.f32 v30, v7;
	v11 =	vmul.f32 v31, v11;
	v17 =	vadd.f32 v23, v17;
	v13 =	vld [tilespmem:s17+$0x4680]  }
0x135: {  	v8 =	vmul.f32 v15, v8;
	v10 =	vmul.f32 v18, v10;
	v14 =	vld [tilespmem:s17+$0x4690];
	v18 =	vadd.f32 v28, v25  }
0x136: {  	v15 =	vld [tilespmem:s17+$0x46A0];
	v16 =	vmul.f32 v16, v19;
	v19 =	vadd.f32 v26, v22;
	v22 =	vadd.f32 v4, v27  }
0x137: {  	v3 =	vadd.f32 v3, v9;
	v4 =	vld [tilespmem:s17+$0x46B0];
	v17 =	vmul.f32 v17, v21;
	v21 =	vadd.f32 v6, v5  }
0x138: {  	v7 =	vadd.f32 v7, v12;
	v8 =	vadd.f32 v8, v11;
	v5 =	vld [tilespmem:s17+$0x46C0];
	v18 =	vmul.f32 v18, v20  }
0x139: {  	v11 =	vadd.f32 v22, v19;
	v6 =	vld [tilespmem:s17+$0x46D0];
	v12 =	vadd.f32 v3, v21  }
0x13a: {  	v10 =	vadd.f32 v16, v10;
	v9 =	vld [tilespmem:s17+$0x46E0];
	v16 =	vadd.f32 v18, v17  }
0x13b: {  	v3 =	vld [tilespmem:s17+$0x46F0];
	v11 =	vadd.f32 v12, v11  }
0x13c: {  	v8 =	vadd.f32 v8, v7;
	v12 =	vld [tilespmem:s17+$0x4600];
	v10 =	vadd.f32 v16, v10  }
0x13d: {  	v7 =	vld [tilespmem:s17+$0x4610];
	(xrf2) =	vadd.scan.msk.f32 $0xffff, v11  }
0x13e: {  	v11 =	vld [tilespmem:s17+$0x4620];
	v16 =	vadd.f32 v10, v8  }
0x13f: {  	v8 =	vld [tilespmem:s17+$0x4630]  }
0x140: {  	v10 =	vld [tilespmem:s17+$0x4640];
	(xrf2) =	vadd.scan.msk.f32 $0xffff, v16  }
0x141: {  	v17 =	vld [tilespmem:s17+$0xC680]  }
0x142: {  	v20 =	vld [tilespmem:s17+$0x14680]  }
0x143: {  	v22 =	vld [tilespmem:s17+$0xC690]  }
0x144: {  	v23 =	vld [tilespmem:s17+$0x14690]  }
0x145: {  	v25 =	vld [tilespmem:s17+$0xC6A0]  }
0x146: {  	v26 =	vld [tilespmem:s17+$0x146A0]  }
0x147: {  	v27 =	vld [tilespmem:s17+$0xC6B0];
	v16, _, _ =	vpop (xrf2)  }
0x148: {  	v28 =	vld [tilespmem:s17+$0x146B0]  }
0x149: {  	v29 =	vld [tilespmem:s17+$0xC6C0]  }
0x14a: {  	v18 =	vmov s18;
	v30 =	vld [tilespmem:s17+$0x146C0];
	v19, _, _ =	vpop (xrf2)  }
0x14b: {  	s13 =	sadd.s32 $0x1, s18;
	s18 =	smov.u32 s6;
	vm0 =	veq.s32 v18, v0;
	v31 =	vld [tilespmem:s17+$0xC6D0];
	v18 =	vbroadcast v19, $0xF  }
0x14c: {  	v21 =	vmov s13;
	v19 =	vsel vm0, $0x3F800000, v1;
	v32 =	vld [tilespmem:s17+$0x146D0]  }
0x14d: {  	v16 =	vbroadcast v16, $0xF;
	vm0 =	veq.s32 v21, v0;
	v33 =	vld [tilespmem:s17+$0xC6E0];
	v18 =	vmul.f32 v19, v18  }
0x14e: {  	v19 =	vsel vm0, $0x3F800000, v1;
	v35 =	vld [tilespmem:s17+$0x146E0]  }
0x14f: {  	v16 =	vmul.f32 v19, v16;
	v37 =	vld [tilespmem:s17+$0xC6F0];
	v2 =	vadd.f32 v18, v2  }
0x150: {  	v38 =	vld [tilespmem:s17+$0x146F0]  }
0x151: {  	v39 =	vld [tilespmem:s17+$0xC600];
	v2 =	vadd.f32 v16, v2  }
0x152: {  	v40 =	vld [tilespmem:s17+$0x14600]  }
0x153: {  	v41 =	vld [tilespmem:s17+$0xC610]  }
0x154: {  	v42 =	vld [tilespmem:s17+$0x14610]  }
0x155: {  	v43 =	vld [tilespmem:s17+$0xC620]  }
0x156: {  	v44 =	vld [tilespmem:s17+$0x14620]  }
0x157: {  	v19 =	vld [tilespmem:s17+$0xC630]  }
0x158: {  	v24 =	vld [tilespmem:s17+$0x14630]  }
0x159: {  	v18 =	vld [tilespmem:s17+$0xC640]  }
0x15a: {  	v21 =	vld [tilespmem:s17+$0x14640]  }
0x15b: {  	v45 =	vadd.f32 v20, v17;
	v46 =	vadd.f32 v23, v22;
	v16 =	vld [tilespmem:s17+$0xC650]  }
.Ltmp2:
0x15c: {  	v47 =	vadd.f32 v26, v25;
	v34 =	vadd.f32 v28, v27;
	v20 =	vld [tilespmem:s17+$0x14650];
	(pc) =	sbr.rel @p0 .LBB2_7-.Ltmp2, $4  }
0x15d: {  	v36 =	vadd.f32 v30, v29;
	v32 =	vadd.f32 v32, v31;
	v17 =	vld [tilespmem:s17+$0xC660]  }
0x15e: {  	v33 =	vadd.f32 v35, v33;
	v29 =	vadd.f32 v38, v37;
	v23 =	vld [tilespmem:s17+$0x14660]  }
0x15f: {  	v22 =	vmul.f32 v45, v13;
	v35 =	vadd.f32 v40, v39;
	v30 =	vadd.f32 v42, v41;
	v25 =	vld [tilespmem:s17+$0xC670]  }
0x160: {  	s6 =	sadd.s32 $0x2, s6;
	v26 =	vmul.f32 v46, v14;
	v27 =	vmul.f32 v47, v15;
	v31 =	vadd.f32 v44, v43;
	v28 =	vld [tilespmem:s17+$0x14670]  }
0x161: {  	v4 =	vmul.f32 v34, v4;
	v13 =	vld [tilespmem:s17+$0x4650]  }
0x162: {  	v14 =	vadd.f32 v24, v19;
	v5 =	vmul.f32 v36, v5;
	v15 =	vld [tilespmem:s17+$0x4660];
	v6 =	vmul.f32 v32, v6  }
0x163: {  	v18 =	vadd.f32 v21, v18;
	v9 =	vmul.f32 v33, v9;
	v12 =	vmul.f32 v35, v12;
	v51 =	vld [tilespmem:s17+$0x4670]  }
0x164: {  	v16 =	vadd.f32 v20, v16;
	v3 =	vmul.f32 v29, v3;
	v7 =	vmul.f32 v30, v7  }
0x165: {  	v11 =	vmul.f32 v31, v11;
	v53 =	vadd.f32 v26, v22;
	v17 =	vadd.f32 v23, v17  }
0x166: {  	v8 =	vmul.f32 v14, v8;
	v10 =	vmul.f32 v18, v10;
	v52 =	vadd.f32 v28, v25  }
0x167: {  	v4 =	vadd.f32 v4, v27;
	v5 =	vadd.f32 v6, v5;
	v13 =	vmul.f32 v16, v13  }
0x168: {  	v3 =	vadd.f32 v3, v9;
	v15 =	vmul.f32 v17, v15;
	v54 =	vmul.f32 v52, v51  }
0x169: {  	v7 =	vadd.f32 v7, v12;
	v8 =	vadd.f32 v8, v11  }
0x16a: {  	v55 =	vadd.f32 v13, v10;
	v6 =	vadd.f32 v54, v15  }
0x16b: {  	v4 =	vadd.f32 v4, v53;
	v3 =	vadd.f32 v3, v5  }
0x16c: {  	v56 =	vadd.f32 v8, v7;
	v6 =	vadd.f32 v6, v55  }
0x16d: {  	v3 =	vadd.f32 v3, v4  }
0x16e: {  	v57 =	vadd.f32 v6, v56  }
0x16f: {  	(xrf2) =	vadd.scan.msk.f32 $0xffff, v3  }
0x170: {  	(xrf2) =	vadd.scan.msk.f32 $0xffff, v57;
	_ =	sdelay $0x8  }
0x171: {  	v3, _, _ =	vpop (xrf2)  }
0x172: {  	v58 =	vmov s18;
	v59, _, _ =	vpop (xrf2)  }
0x173: {  	s6 =	sadd.s32 $0x1, s18;
	vm0 =	veq.s32 v58, v0;
	v60 =	vbroadcast v59, $0xF  }
0x174: {  	v62 =	vmov s6;
	v61 =	vsel vm0, $0x3F800000, v1  }
0x175: {  	s16 =	sadd.s32 $0x1, s16;
	vm15 =	veq.s32 v62, v0;
	v3 =	vbroadcast v3, $0xF;
	v4 =	vmul.f32 v61, v60  }
0x176: {  	p0 =	sne.s32 s16, $0x8;
	v63 =	vsel vm15, $0x3F800000, v1  }
.Ltmp3:
0x177: {  	v3 =	vmul.f32 v63, v3;
	v2 =	vadd.f32 v4, v2;
	(pc) =	sbr.rel @p0 .LBB2_6-.Ltmp3, $3  }
0x178: {  	_ = 	snop  }
0x179: {  	v2 =	vadd.f32 v3, v2;
	_ =	sdelay $0x1  }
0x17a: {  	s10 =	sadd.s32 $0x2000, s10;
	[tilespmem:s11+$0x18880] =	vst v2  }
0x17b: {  	_ =	swait.ge [sflag:s23], $0x80  }
0x17c: {  	[sflag:s23] =	ssyncset.done $0x0  }
0x17d: {  	[sflag:s23] =	ssyncadd.s32 $0xFFFFFF80  }
0x17e: {  	_ =	swait.ge [sflag:s23], $0x80  }
0x17f: {  	[sflag:s23] =	ssyncset.done $0x0  }
0x180: {  	[sflag:s23] =	ssyncadd.s32 $0xFFFFFF80  }
0x181: {  	_ =	swait.ge [sflag:s23], $0x80  }
0x182: {  	[sflag:s23] =	ssyncset.done $0x0  }
0x183: {  	s6 =	simm.s32 $0x4600;
	[sflag:s23] =	ssyncadd.s32 $0xFFFFFF80  }
0x184: {  	[tilespmem:s6], [sflag:$0x3] =	stream.indirect.gather [hbm4b:s3+s24], $0x80, s31, s24, $0xb8;
	[tilespmem:$0x18A00] =	vst v63  }
0x185: {  	s18 =	simm.s32 $0xC600  }
0x186: {  	[tilespmem:s18], [sflag:$0x3] =	stream.indirect.gather [hbm4b:s4+s24], $0x80, s0, s24, $0xb8;
	[tilespmem:$0x18A00] =	vst v63  }
0x187: {  	s19 =	simm.s32 $0x580;
	s10 =	simm.s32 $0x14600  }
0x188: {  	[tilespmem:s10], [sflag:$0x3] =	stream.indirect.gather [hbm4b:s5+s24], $0x80, s19, s24, $0xb8;
	[tilespmem:$0x18A00] =	vst v63  }
0x189: {  	s20 =	simm.s32 $0x18680  }
0x18a: {  	[tilespmem:s20], [sflag:$0x3] =	stream.indirect.gather [hbm4b:s1+s24], $0x1, s31, s24, $0xb8;
	[tilespmem:$0x18A00] =	vst v63  }
0x18b: {  	_ = 	snop  }
0x18c: {  	[tilespmem:s26], [sflag:$0x3] =	stream.indirect.gather [hbm4b:s2+s24], $0x1, s0, s24, $0xb8;
	[tilespmem:$0x18A00] =	vst v63  }
0x18d: {  	_ =	swait.ge [sflag:s14], $0x4000  }
0x18e: {  	[sflag:s14] =	ssyncset.done $0x0  }
0x18f: {  	[sflag:s14] =	ssyncadd.s32 $0xFFFFC000  }
0x190: {  	_ =	swait.ge [sflag:s14], $0x4000  }
0x191: {  	[sflag:s14] =	ssyncset.done $0x0  }
0x192: {  	[sflag:s14] =	ssyncadd.s32 $0xFFFFC000  }
0x193: {  	_ =	swait.ge [sflag:s14], $0x4000  }
0x194: {  	[sflag:s14] =	ssyncset.done $0x0  }
0x195: {  	[sflag:s14] =	ssyncadd.s32 $0xFFFFC000  }
0x196: {  	_ =	swait.ge [sflag:s14], $0x80  }
0x197: {  	[sflag:s14] =	ssyncset.done $0x0  }
0x198: {  	[sflag:s14] =	ssyncadd.s32 $0xFFFFFF80  }
0x199: {  	_ =	swait.ge [sflag:s14], $0x80  }
0x19a: {  	s30 =	simm.s32 $0x0;
	s12 =	simm.s32 $0x680;
	[sflag:s14] =	ssyncset.done $0x0  }
0x19b: {  	s6 =	simm.s32 $0x8680;
	s20 =	simm.s32 $0x10680;
	[sflag:s14] =	ssyncadd.s32 $0xFFFFFF80  }
.LBB2_10:
0x19c: {  	v12 =	vld [tilespmem:s12+$0x0]  }
0x19d: {  	v13 =	vld [tilespmem:s12+$0x10]  }
0x19e: {  	v14 =	vld [tilespmem:s12+$0x20]  }
0x19f: {  	v15 =	vld [tilespmem:s12+$0x30]  }
0x1a0: {  	v34 =	vld [tilespmem:s12+$0x40]  }
0x1a1: {  	v4 =	vld [tilespmem:s12+$0x50]  }
0x1a2: {  	v5 =	vld [tilespmem:s12+$0x60]  }
0x1a3: {  	v3 =	vld [tilespmem:s12+$0x70]  }
0x1a4: {  	v10 =	vld [tilespmem:s12+$0xFFFFFF80]  }
0x1a5: {  	v6 =	vld [tilespmem:s12+$0xFFFFFF90]  }
0x1a6: {  	v9 =	vld [tilespmem:s12+$0xFFFFFFA0]  }
0x1a7: {  	v7 =	vld [tilespmem:s12+$0xFFFFFFB0]  }
0x1a8: {  	v8 =	vld [tilespmem:s12+$0xFFFFFFC0]  }
0x1a9: {  	v17 =	vld [tilespmem:s6+$0x0]  }
0x1aa: {  	v20 =	vld [tilespmem:s20+$0x0]  }
0x1ab: {  	v21 =	vld [tilespmem:s6+$0x10]  }
0x1ac: {  	v22 =	vld [tilespmem:s20+$0x10]  }
0x1ad: {  	v23 =	vld [tilespmem:s6+$0x20]  }
0x1ae: {  	v24 =	vld [tilespmem:s20+$0x20]  }
0x1af: {  	v25 =	vld [tilespmem:s6+$0x30]  }
0x1b0: {  	v26 =	vld [tilespmem:s20+$0x30]  }
0x1b1: {  	v27 =	vld [tilespmem:s6+$0x40]  }
0x1b2: {  	v28 =	vld [tilespmem:s20+$0x40]  }
0x1b3: {  	v29 =	vld [tilespmem:s6+$0x50]  }
0x1b4: {  	v30 =	vld [tilespmem:s20+$0x50]  }
0x1b5: {  	v32 =	vld [tilespmem:s6+$0x60]  }
0x1b6: {  	v33 =	vld [tilespmem:s20+$0x60]  }
0x1b7: {  	v35 =	vld [tilespmem:s6+$0x70]  }
0x1b8: {  	v36 =	vld [tilespmem:s20+$0x70]  }
0x1b9: {  	v37 =	vld [tilespmem:s6+$0xFFFFFF80]  }
0x1ba: {  	v38 =	vld [tilespmem:s20+$0xFFFFFF80]  }
0x1bb: {  	v39 =	vld [tilespmem:s6+$0xFFFFFF90]  }
0x1bc: {  	v40 =	vld [tilespmem:s20+$0xFFFFFF90]  }
0x1bd: {  	v41 =	vld [tilespmem:s6+$0xFFFFFFA0]  }
0x1be: {  	v42 =	vld [tilespmem:s20+$0xFFFFFFA0]  }
0x1bf: {  	v43 =	vld [tilespmem:s6+$0xFFFFFFB0]  }
0x1c0: {  	v44 =	vld [tilespmem:s20+$0xFFFFFFB0]  }
0x1c1: {  	s11 =	sshll.u32 s30, $0x4;
	v18 =	vld [tilespmem:s6+$0xFFFFFFC0]  }
0x1c2: {  	v2 =	vld [tilespmem:s11+$0x18600]  }
0x1c3: {  	v11 =	vld [tilespmem:s11+$0x18700]  }
0x1c4: {  	v19 =	vld [tilespmem:s20+$0xFFFFFFC0];
	v45 =	vadd.f32 v22, v21  }
0x1c5: {  	v16 =	vld [tilespmem:s6+$0xFFFFFFD0];
	v46 =	vadd.f32 v24, v23;
	v47 =	vadd.f32 v26, v25  }
0x1c6: {  	v48 =	vadd.f32 v28, v27;
	v31 =	vadd.f32 v30, v29;
	v22 =	vld [tilespmem:s20+$0xFFFFFFE0]  }
0x1c7: {  	v32 =	vadd.f32 v33, v32;
	v27 =	vadd.f32 v36, v35;
	v23 =	vld [tilespmem:s6+$0xFFFFFFF0]  }
0x1c8: {  	v2 =	vadd.f32 v11, v2;
	v11 =	vadd.f32 v20, v17;
	v20 =	vld [tilespmem:s20+$0xFFFFFFD0]  }
0x1c9: {  	v33 =	vadd.f32 v38, v37;
	v28 =	vadd.f32 v40, v39;
	v17 =	vld [tilespmem:s6+$0xFFFFFFE0];
	v24 =	vmul.f32 v45, v13  }
0x1ca: {  	s19 =	simm.s32 $0x2;
	s17 =	smov.u32 s12;
	v30 =	vadd.f32 v42, v41;
	v26 =	vld [tilespmem:s20+$0xFFFFFFF0];
	v25 =	vmul.f32 v46, v14;
	v14 =	vmul.f32 v47, v15  }
0x1cb: {  	s16 =	smov.u32 s6;
	s10 =	smov.u32 s20;
	s18 =	simm.s32 $0x0;
	v29 =	vld [tilespmem:s12+$0xFFFFFFD0];
	v13 =	vadd.f32 v44, v43;
	v15 =	vmul.f32 v48, v34;
	v21 =	vmul.f32 v11, v12  }
.LBB2_11:
0x1cc: {  	p0 =	slt.u32 s19, $0xE;
	v18 =	vadd.f32 v19, v18;
	v19 =	vld [tilespmem:s17+$0xFFFFFFE0];
	v4 =	vmul.f32 v31, v4;
	v5 =	vmul.f32 v32, v5  }
0x1cd: {  	v10 =	vmul.f32 v33, v10;
	v16 =	vadd.f32 v20, v16;
	v3 =	vmul.f32 v27, v3;
	v20 =	vld [tilespmem:s17+$0xFFFFFFF0];
	s17 =	sadd.s32 $0x100, s17  }
0x1ce: {  	v6 =	vmul.f32 v28, v6;
	v9 =	vmul.f32 v30, v9;
	v17 =	vadd.f32 v22, v17;
	v11 =	vld [tilespmem:s17+$0x0]  }
0x1cf: {  	v7 =	vmul.f32 v13, v7;
	v8 =	vmul.f32 v18, v8;
	v12 =	vld [tilespmem:s17+$0x10];
	v18 =	vadd.f32 v26, v23  }
0x1d0: {  	v21 =	vadd.f32 v24, v21;
	v22 =	vadd.f32 v14, v25;
	v13 =	vld [tilespmem:s17+$0x20];
	v16 =	vmul.f32 v16, v29  }
0x1d1: {  	v3 =	vadd.f32 v3, v5;
	v14 =	vld [tilespmem:s17+$0x30];
	v17 =	vmul.f32 v17, v19;
	v19 =	vadd.f32 v4, v15  }
0x1d2: {  	v6 =	vadd.f32 v6, v10;
	v7 =	vadd.f32 v7, v9;
	v15 =	vld [tilespmem:s17+$0x40];
	v18 =	vmul.f32 v18, v20  }
0x1d3: {  	v9 =	vadd.f32 v22, v21;
	v4 =	vld [tilespmem:s17+$0x50];
	v10 =	vadd.f32 v3, v19  }
0x1d4: {  	v8 =	vadd.f32 v16, v8;
	v5 =	vld [tilespmem:s17+$0x60];
	v16 =	vadd.f32 v18, v17  }
0x1d5: {  	v3 =	vld [tilespmem:s17+$0x70];
	v9 =	vadd.f32 v10, v9  }
0x1d6: {  	v7 =	vadd.f32 v7, v6;
	v10 =	vld [tilespmem:s17+$0xFFFFFF80];
	v8 =	vadd.f32 v16, v8  }
0x1d7: {  	v6 =	vld [tilespmem:s17+$0xFFFFFF90];
	(xrf2) =	vadd.scan.msk.f32 $0xffff, v9  }
0x1d8: {  	v9 =	vld [tilespmem:s17+$0xFFFFFFA0];
	v16 =	vadd.f32 v8, v7  }
0x1d9: {  	v7 =	vld [tilespmem:s17+$0xFFFFFFB0]  }
0x1da: {  	s16 =	sadd.s32 $0x100, s16;
	v8 =	vld [tilespmem:s17+$0xFFFFFFC0];
	(xrf2) =	vadd.scan.msk.f32 $0xffff, v16  }
0x1db: {  	s10 =	sadd.s32 $0x100, s10;
	v17 =	vld [tilespmem:s16+$0x0]  }
0x1dc: {  	v20 =	vld [tilespmem:s10+$0x0]  }
0x1dd: {  	v21 =	vld [tilespmem:s16+$0x10]  }
0x1de: {  	v22 =	vld [tilespmem:s10+$0x10]  }
0x1df: {  	v23 =	vld [tilespmem:s16+$0x20]  }
0x1e0: {  	v24 =	vld [tilespmem:s10+$0x20]  }
0x1e1: {  	v25 =	vld [tilespmem:s16+$0x30];
	v16, _, _ =	vpop (xrf2)  }
0x1e2: {  	v26 =	vld [tilespmem:s10+$0x30]  }
0x1e3: {  	v27 =	vld [tilespmem:s16+$0x40]  }
0x1e4: {  	v18 =	vmov s18;
	v28 =	vld [tilespmem:s10+$0x40];
	v19, _, _ =	vpop (xrf2)  }
0x1e5: {  	s13 =	sadd.s32 $0x1, s18;
	s18 =	smov.u32 s19;
	vm0 =	veq.s32 v18, v0;
	v29 =	vld [tilespmem:s16+$0x50];
	v18 =	vbroadcast v19, $0xF  }
0x1e6: {  	v31 =	vmov s13;
	v19 =	vsel vm0, $0x3F800000, v1;
	v30 =	vld [tilespmem:s10+$0x50]  }
0x1e7: {  	v16 =	vbroadcast v16, $0xF;
	vm0 =	veq.s32 v31, v0;
	v32 =	vld [tilespmem:s16+$0x60];
	v18 =	vmul.f32 v19, v18  }
0x1e8: {  	v19 =	vsel vm0, $0x3F800000, v1;
	v33 =	vld [tilespmem:s10+$0x60]  }
0x1e9: {  	v16 =	vmul.f32 v19, v16;
	v34 =	vld [tilespmem:s16+$0x70];
	v2 =	vadd.f32 v18, v2  }
0x1ea: {  	v35 =	vld [tilespmem:s10+$0x70]  }
0x1eb: {  	v36 =	vld [tilespmem:s16+$0xFFFFFF80];
	v2 =	vadd.f32 v16, v2  }
0x1ec: {  	v37 =	vld [tilespmem:s10+$0xFFFFFF80]  }
0x1ed: {  	v38 =	vld [tilespmem:s16+$0xFFFFFF90]  }
0x1ee: {  	v39 =	vld [tilespmem:s10+$0xFFFFFF90]  }
0x1ef: {  	v40 =	vld [tilespmem:s16+$0xFFFFFFA0]  }
0x1f0: {  	v41 =	vld [tilespmem:s10+$0xFFFFFFA0]  }
0x1f1: {  	v42 =	vld [tilespmem:s16+$0xFFFFFFB0]  }
0x1f2: {  	v43 =	vld [tilespmem:s10+$0xFFFFFFB0]  }
0x1f3: {  	v18 =	vld [tilespmem:s16+$0xFFFFFFC0]  }
0x1f4: {  	v19 =	vld [tilespmem:s10+$0xFFFFFFC0]  }
0x1f5: {  	v44 =	vadd.f32 v20, v17;
	v45 =	vadd.f32 v22, v21;
	v16 =	vld [tilespmem:s16+$0xFFFFFFD0]  }
0x1f6: {  	v46 =	vadd.f32 v24, v23;
	v47 =	vadd.f32 v26, v25;
	v20 =	vld [tilespmem:s10+$0xFFFFFFD0]  }
.Ltmp4:
0x1f7: {  	v48 =	vadd.f32 v28, v27;
	v31 =	vadd.f32 v30, v29;
	v17 =	vld [tilespmem:s16+$0xFFFFFFE0];
	(pc) =	sbr.rel @p0 .LBB2_11-.Ltmp4, $4  }
0x1f8: {  	v32 =	vadd.f32 v33, v32;
	v27 =	vadd.f32 v35, v34;
	v22 =	vld [tilespmem:s10+$0xFFFFFFE0]  }
0x1f9: {  	v21 =	vmul.f32 v44, v11;
	v33 =	vadd.f32 v37, v36;
	v28 =	vadd.f32 v39, v38;
	v23 =	vld [tilespmem:s16+$0xFFFFFFF0]  }
0x1fa: {  	v24 =	vmul.f32 v45, v12;
	v25 =	vmul.f32 v46, v13;
	v30 =	vadd.f32 v41, v40;
	v26 =	vld [tilespmem:s10+$0xFFFFFFF0]  }
0x1fb: {  	s19 =	sadd.s32 $0x2, s19;
	v14 =	vmul.f32 v47, v14;
	v15 =	vmul.f32 v48, v15;
	v13 =	vadd.f32 v43, v42;
	v29 =	vld [tilespmem:s17+$0xFFFFFFD0]  }
0x1fc: {  	v4 =	vmul.f32 v31, v4;
	v11 =	vld [tilespmem:s17+$0xFFFFFFE0]  }
0x1fd: {  	v12 =	vadd.f32 v19, v18;
	v5 =	vmul.f32 v32, v5;
	v10 =	vmul.f32 v33, v10;
	v51 =	vld [tilespmem:s17+$0xFFFFFFF0]  }
0x1fe: {  	v16 =	vadd.f32 v20, v16;
	v3 =	vmul.f32 v27, v3;
	v6 =	vmul.f32 v28, v6  }
0x1ff: {  	v9 =	vmul.f32 v30, v9;
	v54 =	vadd.f32 v24, v21;
	v17 =	vadd.f32 v22, v17  }
0x200: {  	v7 =	vmul.f32 v13, v7;
	v14 =	vadd.f32 v14, v25;
	v52 =	vadd.f32 v26, v23  }
0x201: {  	v8 =	vmul.f32 v12, v8;
	v4 =	vadd.f32 v4, v15;
	v53 =	vmul.f32 v16, v29  }
0x202: {  	v3 =	vadd.f32 v3, v5;
	v11 =	vmul.f32 v17, v11;
	v55 =	vmul.f32 v52, v51  }
0x203: {  	v6 =	vadd.f32 v6, v10;
	v7 =	vadd.f32 v7, v9  }
0x204: {  	v8 =	vadd.f32 v53, v8;
	v5 =	vadd.f32 v55, v11  }
0x205: {  	v56 =	vadd.f32 v14, v54;
	v3 =	vadd.f32 v3, v4  }
0x206: {  	v57 =	vadd.f32 v7, v6;
	v5 =	vadd.f32 v5, v8  }
0x207: {  	v3 =	vadd.f32 v3, v56  }
0x208: {  	v4 =	vadd.f32 v5, v57  }
0x209: {  	(xrf2) =	vadd.scan.msk.f32 $0xffff, v3  }
0x20a: {  	(xrf2) =	vadd.scan.msk.f32 $0xffff, v4;
	_ =	sdelay $0x8  }
0x20b: {  	v3, _, _ =	vpop (xrf2)  }
0x20c: {  	v58 =	vmov s18;
	v59, _, _ =	vpop (xrf2)  }
0x20d: {  	s10 =	sadd.s32 $0x1, s18;
	vm0 =	veq.s32 v58, v0;
	v60 =	vbroadcast v59, $0xF  }
0x20e: {  	v62 =	vmov s10;
	v61 =	vsel vm0, $0x3F800000, v1  }
0x20f: {  	s30 =	sadd.s32 $0x1, s30;
	vm15 =	veq.s32 v62, v0;
	v3 =	vbroadcast v3, $0xF;
	v4 =	vmul.f32 v61, v60  }
0x210: {  	p0 =	sne.s32 s30, $0x8;
	v63 =	vsel vm15, $0x3F800000, v1  }
.Ltmp5:
0x211: {  	v3 =	vmul.f32 v63, v3;
	v2 =	vadd.f32 v4, v2;
	(pc) =	sbr.rel @p0 .LBB2_10-.Ltmp5, $3  }
0x212: {  	_ = 	snop  }
0x213: {  	v2 =	vadd.f32 v3, v2;
	_ =	sdelay $0x1  }
0x214: {  	s6 =	sadd.s32 $0x800, s6;
	s20 =	sadd.s32 $0x800, s20;
	s12 =	sadd.s32 $0x800, s12;
	[tilespmem:s11+$0x18900] =	vst v2  }
0x215: {  	_ =	swait.ge [sflag:s8], $0x4000  }
0x216: {  	[sflag:s8] =	ssyncset.done $0x0  }
0x217: {  	[sflag:s8] =	ssyncadd.s32 $0xFFFFC000  }
0x218: {  	_ =	swait.ge [sflag:s8], $0x4000  }
0x219: {  	[sflag:s8] =	ssyncset.done $0x0  }
0x21a: {  	[sflag:s8] =	ssyncadd.s32 $0xFFFFC000  }
0x21b: {  	_ =	swait.ge [sflag:s8], $0x4000  }
0x21c: {  	[sflag:s8] =	ssyncset.done $0x0  }
0x21d: {  	[sflag:s8] =	ssyncadd.s32 $0xFFFFC000  }
0x21e: {  	_ =	swait.ge [sflag:s8], $0x80  }
0x21f: {  	[sflag:s8] =	ssyncset.done $0x0  }
0x220: {  	[sflag:s8] =	ssyncadd.s32 $0xFFFFFF80  }
0x221: {  	_ =	swait.ge [sflag:s8], $0x80  }
0x222: {  	[sflag:s8] =	ssyncset.done $0x0  }
0x223: {  	s10 =	simm.s32 $0x0;
	s16 =	simm.s32 $0x0;
	[sflag:s8] =	ssyncadd.s32 $0xFFFFFF80  }
.LBB2_14:
0x224: {  	s11 =	sshll.u32 s16, $0x4  }
0x225: {  	v2 =	vld [tilespmem:s11+$0x18680]  }
0x226: {  	s17 =	sshra.s32 s10, $0x2;
	v13 =	vld [tilespmem:s11+$0x18780]  }
0x227: {  	v14 =	vld [tilespmem:s17+$0x4680]  }
0x228: {  	v15 =	vld [tilespmem:s17+$0x4690]  }
0x229: {  	v27 =	vld [tilespmem:s17+$0x46A0]  }
0x22a: {  	v4 =	vld [tilespmem:s17+$0x46B0]  }
0x22b: {  	v5 =	vld [tilespmem:s17+$0x46C0]  }
0x22c: {  	v6 =	vld [tilespmem:s17+$0x46D0]  }
0x22d: {  	v9 =	vld [tilespmem:s17+$0x46E0]  }
0x22e: {  	v3 =	vld [tilespmem:s17+$0x46F0]  }
0x22f: {  	v12 =	vld [tilespmem:s17+$0x4600]  }
0x230: {  	v7 =	vld [tilespmem:s17+$0x4610]  }
0x231: {  	v11 =	vld [tilespmem:s17+$0x4620]  }
0x232: {  	v8 =	vld [tilespmem:s17+$0x4630]  }
0x233: {  	v10 =	vld [tilespmem:s17+$0x4640]  }
0x234: {  	v17 =	vld [tilespmem:s17+$0xC680]  }
0x235: {  	v20 =	vld [tilespmem:s17+$0x14680]  }
0x236: {  	v22 =	vld [tilespmem:s17+$0xC690]  }
0x237: {  	v23 =	vld [tilespmem:s17+$0x14690]  }
0x238: {  	v25 =	vld [tilespmem:s17+$0xC6A0]  }
0x239: {  	v26 =	vld [tilespmem:s17+$0x146A0]  }
0x23a: {  	v28 =	vld [tilespmem:s17+$0xC6B0]  }
0x23b: {  	v29 =	vld [tilespmem:s17+$0x146B0]  }
0x23c: {  	v30 =	vld [tilespmem:s17+$0xC6C0]  }
0x23d: {  	v31 =	vld [tilespmem:s17+$0x146C0]  }
0x23e: {  	v32 =	vld [tilespmem:s17+$0xC6D0]  }
0x23f: {  	v33 =	vld [tilespmem:s17+$0x146D0]  }
0x240: {  	v35 =	vld [tilespmem:s17+$0xC6E0]  }
0x241: {  	v37 =	vld [tilespmem:s17+$0x146E0]  }
0x242: {  	v38 =	vld [tilespmem:s17+$0xC6F0]  }
0x243: {  	v39 =	vld [tilespmem:s17+$0x146F0]  }
0x244: {  	v40 =	vld [tilespmem:s17+$0xC600]  }
0x245: {  	v41 =	vld [tilespmem:s17+$0x14600]  }
0x246: {  	v42 =	vld [tilespmem:s17+$0xC610]  }
0x247: {  	v43 =	vld [tilespmem:s17+$0x14610]  }
0x248: {  	v44 =	vld [tilespmem:s17+$0xC620]  }
0x249: {  	v45 =	vld [tilespmem:s17+$0x14620]  }
0x24a: {  	v19 =	vld [tilespmem:s17+$0xC630]  }
0x24b: {  	v24 =	vld [tilespmem:s17+$0x14630]  }
0x24c: {  	v18 =	vld [tilespmem:s17+$0xC640]  }
0x24d: {  	v21 =	vld [tilespmem:s17+$0x14640];
	v2 =	vadd.f32 v13, v2  }
0x24e: {  	v16 =	vld [tilespmem:s17+$0xC650];
	v13 =	vadd.f32 v20, v17;
	v46 =	vadd.f32 v23, v22  }
0x24f: {  	v20 =	vld [tilespmem:s17+$0x14650];
	v47 =	vadd.f32 v26, v25;
	v34 =	vadd.f32 v29, v28  }
0x250: {  	v17 =	vld [tilespmem:s17+$0xC660];
	v36 =	vadd.f32 v31, v30;
	v32 =	vadd.f32 v33, v32  }
0x251: {  	v23 =	vld [tilespmem:s17+$0x14660];
	v33 =	vadd.f32 v37, v35;
	v29 =	vadd.f32 v39, v38  }
0x252: {  	v35 =	vadd.f32 v41, v40;
	v30 =	vadd.f32 v43, v42;
	v25 =	vld [tilespmem:s17+$0xC670];
	v22 =	vmul.f32 v13, v14  }
0x253: {  	s6 =	simm.s32 $0x2;
	s12 =	smov.u32 s10;
	s18 =	simm.s32 $0x0;
	v31 =	vadd.f32 v45, v44;
	v28 =	vld [tilespmem:s17+$0x14670];
	v26 =	vmul.f32 v46, v15;
	v27 =	vmul.f32 v47, v27  }
.LBB2_15:
0x254: {  	p0 =	slt.u32 s6, $0xE;
	v15 =	vadd.f32 v24, v19;
	v19 =	vld [tilespmem:s17+$0x4650];
	v4 =	vmul.f32 v34, v4;
	v5 =	vmul.f32 v36, v5  }
0x255: {  	v18 =	vadd.f32 v21, v18;
	v6 =	vmul.f32 v32, v6;
	v9 =	vmul.f32 v33, v9;
	s12 =	sadd.s32 $0x400, s12;
	v21 =	vld [tilespmem:s17+$0x4660]  }
0x256: {  	v12 =	vmul.f32 v35, v12;
	v16 =	vadd.f32 v20, v16;
	v3 =	vmul.f32 v29, v3;
	v20 =	vld [tilespmem:s17+$0x4670];
	s17 =	sshra.s32 s12, $0x2  }
0x257: {  	v7 =	vmul.f32 v30, v7;
	v11 =	vmul.f32 v31, v11;
	v17 =	vadd.f32 v23, v17;
	v13 =	vld [tilespmem:s17+$0x4680]  }
0x258: {  	v8 =	vmul.f32 v15, v8;
	v10 =	vmul.f32 v18, v10;
	v14 =	vld [tilespmem:s17+$0x4690];
	v18 =	vadd.f32 v28, v25  }
0x259: {  	v15 =	vld [tilespmem:s17+$0x46A0];
	v16 =	vmul.f32 v16, v19;
	v19 =	vadd.f32 v26, v22;
	v22 =	vadd.f32 v4, v27  }
0x25a: {  	v3 =	vadd.f32 v3, v9;
	v4 =	vld [tilespmem:s17+$0x46B0];
	v17 =	vmul.f32 v17, v21;
	v21 =	vadd.f32 v6, v5  }
0x25b: {  	v7 =	vadd.f32 v7, v12;
	v8 =	vadd.f32 v8, v11;
	v5 =	vld [tilespmem:s17+$0x46C0];
	v18 =	vmul.f32 v18, v20  }
0x25c: {  	v11 =	vadd.f32 v22, v19;
	v6 =	vld [tilespmem:s17+$0x46D0];
	v12 =	vadd.f32 v3, v21  }
0x25d: {  	v10 =	vadd.f32 v16, v10;
	v9 =	vld [tilespmem:s17+$0x46E0];
	v16 =	vadd.f32 v18, v17  }
0x25e: {  	v3 =	vld [tilespmem:s17+$0x46F0];
	v11 =	vadd.f32 v12, v11  }
0x25f: {  	v8 =	vadd.f32 v8, v7;
	v12 =	vld [tilespmem:s17+$0x4600];
	v10 =	vadd.f32 v16, v10  }
0x260: {  	v7 =	vld [tilespmem:s17+$0x4610];
	(xrf2) =	vadd.scan.msk.f32 $0xffff, v11  }
0x261: {  	v11 =	vld [tilespmem:s17+$0x4620];
	v16 =	vadd.f32 v10, v8  }
0x262: {  	v8 =	vld [tilespmem:s17+$0x4630]  }
0x263: {  	v10 =	vld [tilespmem:s17+$0x4640];
	(xrf2) =	vadd.scan.msk.f32 $0xffff, v16  }
0x264: {  	v17 =	vld [tilespmem:s17+$0xC680]  }
0x265: {  	v20 =	vld [tilespmem:s17+$0x14680]  }
0x266: {  	v22 =	vld [tilespmem:s17+$0xC690]  }
0x267: {  	v23 =	vld [tilespmem:s17+$0x14690]  }
0x268: {  	v25 =	vld [tilespmem:s17+$0xC6A0]  }
0x269: {  	v26 =	vld [tilespmem:s17+$0x146A0]  }
0x26a: {  	v27 =	vld [tilespmem:s17+$0xC6B0];
	v16, _, _ =	vpop (xrf2)  }
0x26b: {  	v28 =	vld [tilespmem:s17+$0x146B0]  }
0x26c: {  	v29 =	vld [tilespmem:s17+$0xC6C0]  }
0x26d: {  	v18 =	vmov s18;
	v30 =	vld [tilespmem:s17+$0x146C0];
	v19, _, _ =	vpop (xrf2)  }
0x26e: {  	s13 =	sadd.s32 $0x1, s18;
	s18 =	smov.u32 s6;
	vm0 =	veq.s32 v18, v0;
	v31 =	vld [tilespmem:s17+$0xC6D0];
	v18 =	vbroadcast v19, $0xF  }
0x26f: {  	v21 =	vmov s13;
	v19 =	vsel vm0, $0x3F800000, v1;
	v32 =	vld [tilespmem:s17+$0x146D0]  }
0x270: {  	v16 =	vbroadcast v16, $0xF;
	vm0 =	veq.s32 v21, v0;
	v33 =	vld [tilespmem:s17+$0xC6E0];
	v18 =	vmul.f32 v19, v18  }
0x271: {  	v19 =	vsel vm0, $0x3F800000, v1;
	v35 =	vld [tilespmem:s17+$0x146E0]  }
0x272: {  	v16 =	vmul.f32 v19, v16;
	v37 =	vld [tilespmem:s17+$0xC6F0];
	v2 =	vadd.f32 v18, v2  }
0x273: {  	v38 =	vld [tilespmem:s17+$0x146F0]  }
0x274: {  	v39 =	vld [tilespmem:s17+$0xC600];
	v2 =	vadd.f32 v16, v2  }
0x275: {  	v40 =	vld [tilespmem:s17+$0x14600]  }
0x276: {  	v41 =	vld [tilespmem:s17+$0xC610]  }
0x277: {  	v42 =	vld [tilespmem:s17+$0x14610]  }
0x278: {  	v43 =	vld [tilespmem:s17+$0xC620]  }
0x279: {  	v44 =	vld [tilespmem:s17+$0x14620]  }
0x27a: {  	v19 =	vld [tilespmem:s17+$0xC630]  }
0x27b: {  	v24 =	vld [tilespmem:s17+$0x14630]  }
0x27c: {  	v18 =	vld [tilespmem:s17+$0xC640]  }
0x27d: {  	v21 =	vld [tilespmem:s17+$0x14640]  }
0x27e: {  	v45 =	vadd.f32 v20, v17;
	v46 =	vadd.f32 v23, v22;
	v16 =	vld [tilespmem:s17+$0xC650]  }
.Ltmp6:
0x27f: {  	v47 =	vadd.f32 v26, v25;
	v34 =	vadd.f32 v28, v27;
	v20 =	vld [tilespmem:s17+$0x14650];
	(pc) =	sbr.rel @p0 .LBB2_15-.Ltmp6, $4  }
0x280: {  	v36 =	vadd.f32 v30, v29;
	v32 =	vadd.f32 v32, v31;
	v17 =	vld [tilespmem:s17+$0xC660]  }
0x281: {  	v33 =	vadd.f32 v35, v33;
	v29 =	vadd.f32 v38, v37;
	v23 =	vld [tilespmem:s17+$0x14660]  }
0x282: {  	v22 =	vmul.f32 v45, v13;
	v35 =	vadd.f32 v40, v39;
	v30 =	vadd.f32 v42, v41;
	v25 =	vld [tilespmem:s17+$0xC670]  }
0x283: {  	s6 =	sadd.s32 $0x2, s6;
	v26 =	vmul.f32 v46, v14;
	v27 =	vmul.f32 v47, v15;
	v31 =	vadd.f32 v44, v43;
	v28 =	vld [tilespmem:s17+$0x14670]  }
0x284: {  	v4 =	vmul.f32 v34, v4;
	v13 =	vld [tilespmem:s17+$0x4650]  }
0x285: {  	v14 =	vadd.f32 v24, v19;
	v5 =	vmul.f32 v36, v5;
	v15 =	vld [tilespmem:s17+$0x4660];
	v6 =	vmul.f32 v32, v6  }
0x286: {  	v18 =	vadd.f32 v21, v18;
	v9 =	vmul.f32 v33, v9;
	v12 =	vmul.f32 v35, v12;
	v51 =	vld [tilespmem:s17+$0x4670]  }
0x287: {  	v16 =	vadd.f32 v20, v16;
	v3 =	vmul.f32 v29, v3;
	v7 =	vmul.f32 v30, v7  }
0x288: {  	v11 =	vmul.f32 v31, v11;
	v53 =	vadd.f32 v26, v22;
	v17 =	vadd.f32 v23, v17  }
0x289: {  	v8 =	vmul.f32 v14, v8;
	v10 =	vmul.f32 v18, v10;
	v52 =	vadd.f32 v28, v25  }
0x28a: {  	v4 =	vadd.f32 v4, v27;
	v5 =	vadd.f32 v6, v5;
	v13 =	vmul.f32 v16, v13  }
0x28b: {  	v3 =	vadd.f32 v3, v9;
	v15 =	vmul.f32 v17, v15;
	v54 =	vmul.f32 v52, v51  }
0x28c: {  	v7 =	vadd.f32 v7, v12;
	v8 =	vadd.f32 v8, v11  }
0x28d: {  	v55 =	vadd.f32 v13, v10;
	v6 =	vadd.f32 v54, v15  }
0x28e: {  	v4 =	vadd.f32 v4, v53;
	v3 =	vadd.f32 v3, v5  }
0x28f: {  	v56 =	vadd.f32 v8, v7;
	v6 =	vadd.f32 v6, v55  }
0x290: {  	v3 =	vadd.f32 v3, v4  }
0x291: {  	v57 =	vadd.f32 v6, v56  }
0x292: {  	(xrf2) =	vadd.scan.msk.f32 $0xffff, v3  }
0x293: {  	(xrf2) =	vadd.scan.msk.f32 $0xffff, v57;
	_ =	sdelay $0x8  }
0x294: {  	v3, _, _ =	vpop (xrf2)  }
0x295: {  	v58 =	vmov s18;
	v59, _, _ =	vpop (xrf2)  }
0x296: {  	s6 =	sadd.s32 $0x1, s18;
	vm0 =	veq.s32 v58, v0;
	v60 =	vbroadcast v59, $0xF  }
0x297: {  	v62 =	vmov s6;
	v61 =	vsel vm0, $0x3F800000, v1  }
0x298: {  	s16 =	sadd.s32 $0x1, s16;
	vm15 =	veq.s32 v62, v0;
	v3 =	vbroadcast v3, $0xF;
	v4 =	vmul.f32 v61, v60  }
0x299: {  	p0 =	sne.s32 s16, $0x8;
	v63 =	vsel vm15, $0x3F800000, v1  }
.Ltmp7:
0x29a: {  	v3 =	vmul.f32 v63, v3;
	v2 =	vadd.f32 v4, v2;
	(pc) =	sbr.rel @p0 .LBB2_14-.Ltmp7, $3  }
0x29b: {  	_ = 	snop  }
0x29c: {  	v2 =	vadd.f32 v3, v2;
	_ =	sdelay $0x1  }
0x29d: {  	s10 =	sadd.s32 $0x2000, s10;
	[tilespmem:s11+$0x18980] =	vst v2  }
0x29e: {  	s9 =	sadd.s32 $0x1, s9  }
0x29f: {  	p0 =	sne.s32 s9, s21  }
.Ltmp8:
0x2a0: {  	s6 =	rddreg [dreg:$0x16];
	s10 =	simm.s32 $0x18800;
	(pc) =	sbr.rel @p0 .LBB2_1-.Ltmp8, $4  }
0x2a1: {  	[hbm4b:s6+s7] =	stream.linear.scatter [tilespmem:s10], [sflag:$0x4], $0x200, $0x38;
	[tilespmem:$0x18A00] =	vst v63  }
0x2a2: {  	_ =	swait.ge [sflag:s15], $0x200  }
0x2a3: {  	[sflag:s15] =	ssyncset.done $0x0  }
0x2a4: {  	[sflag:s15] =	ssyncadd.s32 $0xFFFFFE00  }
0x2a5: {  	_ =	sfence.sel $0x180000  }
0x2a6: {  	[bflag:$0x0] =	sbarrier.arrive $0xFFFF  }
0x2a7: {  	_ =	strace $0x90000047  }
0x2a8: {  	s0 =	stileid.u32;
	[bflag:$0x2] =	sbarrier.arrive $0xFFFF  }
0x2a9: {  	p0 =	sne.s32 s0, $0x0;
	s0 =	rddreg [dreg:$0x9]  }
0x2aa: {  	s0 =	sadd.s32 @!p0 $0x100000, s0  }
0x2ab: {  	[sflag:s0] =	ssyncadd.tile.s32 @!p0 $0x1;
	_ =	shalt  }
.Lfunc_end2:
_tile_overlayer_lowered:
.L_overlay_start_2:
0x2ac: {  	(tag) =	ssettag $0x2  }
0x2ad: {  	s0 =	rddreg [dreg:$0x0];
	s2 =	stileid.u32  }
0x2ae: {  	s1 =	rddreg [dreg:$0x1];
	p0 =	sne.s32 s2, $0x0  }
0x2af: {  	s3 =	rddreg [dreg:$0x2];
	[bflag:$0x3] =	sbarrier.arrive $0xFFFF;
	s2 =	simm.s32 @!p0 $0x1C04  }
0x2b0: {  	[timem:s3], [sflag:s2] =	dma.local @!p0 [hbm:s0], s1  }
0x2b1: {  	s0 =	simm.s32 @!p0 $0x4  }
0x2b2: {  	_ =	swait.ge @!p0 [sflag:s0], s1  }
0x2b3: {  	s1 =	ssub.s32 @!p0 $0x0, s1;
	[sflag:s0] =	ssyncset.done @!p0 $0x0  }
0x2b4: {  	[sflag:s0] =	ssyncadd.s32 @!p0 s1  }
0x2b5: {  	[bflag:$0x3] =	sbarrier.arrive $0xFFFF  }
0x2b6: {  	_ =	shalt  }

</sc_bundles>
